<compile_context>
chip_gen: v7x
topology: tpu7x:2x2x1
jax: 0.10.2.dev20260603
libtpu: 0.0.44.dev20260713+nightly
codegen_flags: <defaults>
</compile_context>

<pallas_src>
import functools

import jax
import jax.numpy as jnp
from jax import lax
from jax.experimental import pallas as pl
from jax.experimental.pallas import tpu as pltpu
from jax.experimental.pallas import tpu_sc as plsc

_BINS = 10
_ROWS = 16384
_COLS = 1000
_BLK = 2048
_NTILES = 16
_CHUNK = _ROWS // _NTILES
_LANES = 16


def _row_stats_body(x_ref, t_ref, ce_ref, g_ref):
    t = t_ref[0, 0, :]
    rows8 = lax.broadcasted_iota(jnp.int32, (8, _BLK), 0)
    sacc = jnp.zeros((8, _BLK), jnp.float32)
    tacc = jnp.zeros((8, _BLK), jnp.float32)
    for i in range(_COLS // 8):
        xi = x_ref[pl.ds(8 * i, 8), :]
        sacc = sacc + jnp.exp(xi)
        tacc = tacc + jnp.where(rows8 == (t - 8 * i)[None, :], xi, 0.0)
    s = jnp.sum(sacc, axis=0)
    tl = jnp.sum(tacc, axis=0)
    lse = jnp.log(s)
    ce_ref[0, 0, :] = lse - tl
    g_ref[0, 0, :] = 1.0 - jnp.exp(tl - lse)


def _row_stats(logits, targets):
    xt = logits.T
    nblk = _ROWS // _BLK
    t3 = targets.reshape(nblk, 1, _BLK)
    ce, g = pl.pallas_call(
        _row_stats_body,
        grid=(nblk,),
        in_specs=[
            pl.BlockSpec((_COLS, _BLK), lambda i: (0, i)),
            pl.BlockSpec((1, 1, _BLK), lambda i: (i, 0, 0)),
        ],
        out_specs=[
            pl.BlockSpec((1, 1, _BLK), lambda i: (i, 0, 0)),
            pl.BlockSpec((1, 1, _BLK), lambda i: (i, 0, 0)),
        ],
        out_shape=[
            jax.ShapeDtypeStruct((nblk, 1, _BLK), jnp.float32),
            jax.ShapeDtypeStruct((nblk, 1, _BLK), jnp.float32),
        ],
    )(xt, t3)
    return ce.reshape(_ROWS), g.reshape(_ROWS)


_TAB = _BINS * _LANES


def _lane_sum(v):
    dnums = lax.GatherDimensionNumbers(
        offset_dims=(), collapsed_slice_dims=(0,), start_index_map=(0,))
    idx = lax.iota(jnp.int32, _LANES)
    for sh in (8, 4, 2, 1):
        perm = jnp.bitwise_xor(idx, sh)
        v = v + lax.gather(v, perm[:, None], dnums, slice_sizes=(1,),
                           mode=lax.GatherScatterMode.PROMISE_IN_BOUNDS)
    return v


def _ghm_body(ce_hbm, g_hbm, out_hbm, part_hbm, tab, ce_v, g_v, tmp,
              outbuf, sem):
    sid = lax.axis_index("s")
    zeros = jnp.zeros((_LANES,), jnp.float32)

    base = sid * _CHUNK
    pltpu.async_copy(ce_hbm.at[pl.ds(base, _CHUNK)], ce_v, sem).wait()
    pltpu.async_copy(g_hbm.at[pl.ds(base, _CHUNK)], g_v, sem).wait()

    ones = jnp.ones((_LANES,), jnp.float32)

    def _chunk(i, carry):
        accs = list(carry)
        off = i * _LANES
        gv = g_v[pl.ds(off, _LANES)]
        cev = ce_v[pl.ds(off, _LANES)]
        bidx = jnp.clip((gv * float(_BINS)).astype(jnp.int32), 0, _BINS - 1)
        for b in range(_BINS):
            m = bidx == b
            accs[b] = accs[b] + jnp.where(m, ones, zeros)
            accs[_BINS + b] = accs[_BINS + b] + jnp.where(m, cev, zeros)
        return tuple(accs)

    accs = lax.fori_loop(0, _CHUNK // _LANES, _chunk, (zeros,) * (2 * _BINS))
    cnt_acc = accs[:_BINS]
    ces_acc = accs[_BINS:]

    lanes = lax.iota(jnp.int32, _LANES)
    cnt_p = zeros
    ces_p = zeros
    for b in range(_BINS):
        mb = lanes == b
        cnt_p = cnt_p + jnp.where(mb, _lane_sum(cnt_acc[b]), zeros)
        ces_p = ces_p + jnp.where(mb, _lane_sum(ces_acc[b]), zeros)
    tab[pl.ds(0, _LANES)] = cnt_p
    tab[pl.ds(_LANES, _LANES)] = ces_p

    pltpu.sync_copy(tab, part_hbm.at[sid])
    plsc.subcore_barrier()

    @pl.when(sid == 0)
    def _finalize():
        pltpu.async_copy(part_hbm, tmp, sem).wait()
        cnt_v = jnp.zeros((_LANES,), jnp.float32)
        ces_v = jnp.zeros((_LANES,), jnp.float32)
        for t in range(_NTILES):
            cnt_v = cnt_v + tmp[t, pl.ds(0, _LANES)]
            ces_v = ces_v + tmp[t, pl.ds(_LANES, _LANES)]
        per_bin = ces_v / jnp.maximum(cnt_v, jnp.float32(1e-6))
        outbuf[...] = _lane_sum(per_bin)
        pltpu.sync_copy(outbuf, out_hbm)


def _ghm_combine(ce, g):
    mesh = plsc.VectorSubcoreMesh(
        core_axis_name="c", subcore_axis_name="s", num_cores=1)
    fn = functools.partial(
        pl.kernel,
        out_type=[
            jax.ShapeDtypeStruct((_LANES,), jnp.float32),
            jax.ShapeDtypeStruct((_NTILES, 2 * _LANES), jnp.float32),
        ],
        mesh=mesh,
        scratch_types=[
            pltpu.VMEM((2 * _LANES,), jnp.float32),
            pltpu.VMEM((_CHUNK,), jnp.float32),
            pltpu.VMEM((_CHUNK,), jnp.float32),
            pltpu.VMEM((_NTILES, 2 * _LANES), jnp.float32),
            pltpu.VMEM((_LANES,), jnp.float32),
            pltpu.SemaphoreType.DMA,
        ],
    )(_ghm_body)
    out, _ = fn(ce, g)
    return out


def kernel(logits, targets):
    ce, g = _row_stats(logits, targets)
    out = _ghm_combine(ce, g)
    return out[0]

# --- scband reference (transcript-rebuilt; emitter-appended) ---
"""Pipeline reference for scband-ghmc-loss-3418793967998 (READ-ONLY COPY).

The authoritative reference and input builder live on the scoring server;
editing this copy changes nothing except your own understanding.
"""

import jax, jax.numpy as jnp
import numpy as np

BINS = 10
MOMENTUM = 0.75


def setup_inputs(seed: int = 0) -> dict:
    key = jax.random.key(seed)
    k1, k2 = jax.random.split(key)
    logits = jax.random.normal(k1, (16384, 1000), dtype=jnp.float32)
    targets = jax.random.randint(k2, (16384,), 0, 1000, dtype=jnp.int32)
    return {"logits": logits, "targets": targets}


def reference(logits, targets):
    # GHM-C loss, first call (is_initialized=False => acc_sum = bin_counts)
    n = logits.shape[0]
    # gradient-norm approximation g = |p_target - 1|
    probs = jax.nn.softmax(logits, axis=-1)
    p_target = jnp.take_along_axis(probs, targets[:, None], axis=1)[:, 0]
    g = jnp.abs(p_target - 1.0)
    # histogram binning of g into BINS bins
    g_sg = jax.lax.stop_gradient(g)
    bin_indices = jnp.clip(jnp.floor(g_sg * BINS).astype(jnp.int32), 0, BINS - 1)
    bin_counts = jnp.bincount(bin_indices, length=BINS).astype(jnp.float32)
    acc_sum = bin_counts  # first-call initialization path
    safe_acc_sum = jnp.clip(acc_sum, 1e-06, None)
    beta = n / safe_acc_sum
    weights = beta[bin_indices]
    # CE-style loss (reduction='none'), then weighted mean
    log_probs = jax.nn.log_softmax(logits, axis=-1)
    ce_loss = -jnp.take_along_axis(log_probs, targets[:, None], axis=1)[:, 0]
    weighted_loss = ce_loss * weights
    return jnp.mean(weighted_loss)

if __name__ == "__main__":
    import jax
    _d = setup_inputs()
    print(jax.jit(kernel)(*tuple(_d.values())))

</pallas_src>

<mosaic_0001>
#map = affine_map<(d0, d1) -> (0)>
#map1 = affine_map<(d0, d1) -> (0, 0)>
module attributes {stable_mosaic.version = 14 : i64} {
  func.func @_ghm_body(%arg0: i32, %arg1: i32, %arg2: memref<16384xf32, #tpu.memory_space<hbm>>, %arg3: memref<16384xf32, #tpu.memory_space<hbm>>, %arg4: memref<16xf32, #tpu.memory_space<hbm>>, %arg5: memref<16x32xf32, #tpu.memory_space<hbm>>, %arg6: memref<32xf32, #tpu.memory_space<vmem>>, %arg7: memref<1024xf32, #tpu.memory_space<vmem>>, %arg8: memref<1024xf32, #tpu.memory_space<vmem>>, %arg9: memref<16x32xf32, #tpu.memory_space<vmem>>, %arg10: memref<16xf32, #tpu.memory_space<vmem>>, %arg11: memref<!tpu.dma_semaphore, #tpu.memory_space<semaphore_mem>>) attributes {dimension_semantics = [#tpu.dimension_semantics<core_parallel>, #tpu.dimension_semantics<subcore_parallel>], iteration_bounds = array<i64: 1, 16>, scalar_prefetch = 0 : i64, scratch_operands = 6 : i64, tpu.core_type = #tpu.core_type<sc_vector_subcore>, window_params = [{transform_indices = #map}, {transform_indices = #map}, {transform_indices = #map}, {transform_indices = #map1}]} {
    %broadcast_in_dim3A = arith.constant 0.000000e+00 : f32
    %broadcast_in_dim3A_0 = vector.broadcast %broadcast_in_dim3A : f32 to vector<16xf32>
    %mul3A = arith.constant 1024 : i32
    %mul3A_1 = arith.muli %arg1, %mul3A : i32
    %dma_start3A = tpu.memref_slice %arg2[%mul3A_1] : memref<16384xf32, #tpu.memory_space<hbm>> -> memref<1024xf32, #tpu.memory_space<hbm>>
    %dma_start3A_2 = tpu.memref_slice %arg2[%mul3A_1] : memref<16384xf32, #tpu.memory_space<hbm>> -> memref<1024xf32, #tpu.memory_space<hbm>>
    tpu.enqueue_dma source(%dma_start3A_2 : memref<1024xf32, #tpu.memory_space<hbm>>) target(%arg7 : memref<1024xf32, #tpu.memory_space<vmem>>) target_semaphore(%arg11 : memref<!tpu.dma_semaphore, #tpu.memory_space<semaphore_mem>>)
    %dma_wait3A = tpu.memref_slice %arg2[%mul3A_1] : memref<16384xf32, #tpu.memory_space<hbm>> -> memref<1024xf32, #tpu.memory_space<hbm>>
    %dma_wait3A_3 = tpu.memref_slice %arg2[%mul3A_1] : memref<16384xf32, #tpu.memory_space<hbm>> -> memref<1024xf32, #tpu.memory_space<hbm>>
    tpu.wait_dma2 semaphore(%arg11 : memref<!tpu.dma_semaphore, #tpu.memory_space<semaphore_mem>>) src(%dma_wait3A_3 : memref<1024xf32, #tpu.memory_space<hbm>>) dst(%arg7 : memref<1024xf32, #tpu.memory_space<vmem>>)
    %dma_start3A_4 = tpu.memref_slice %arg3[%mul3A_1] : memref<16384xf32, #tpu.memory_space<hbm>> -> memref<1024xf32, #tpu.memory_space<hbm>>
    %dma_start3A_5 = tpu.memref_slice %arg3[%mul3A_1] : memref<16384xf32, #tpu.memory_space<hbm>> -> memref<1024xf32, #tpu.memory_space<hbm>>
    tpu.enqueue_dma source(%dma_start3A_5 : memref<1024xf32, #tpu.memory_space<hbm>>) target(%arg8 : memref<1024xf32, #tpu.memory_space<vmem>>) target_semaphore(%arg11 : memref<!tpu.dma_semaphore, #tpu.memory_space<semaphore_mem>>)
    %dma_wait3A_6 = tpu.memref_slice %arg3[%mul3A_1] : memref<16384xf32, #tpu.memory_space<hbm>> -> memref<1024xf32, #tpu.memory_space<hbm>>
    %dma_wait3A_7 = tpu.memref_slice %arg3[%mul3A_1] : memref<16384xf32, #tpu.memory_space<hbm>> -> memref<1024xf32, #tpu.memory_space<hbm>>
    tpu.wait_dma2 semaphore(%arg11 : memref<!tpu.dma_semaphore, #tpu.memory_space<semaphore_mem>>) src(%dma_wait3A_7 : memref<1024xf32, #tpu.memory_space<hbm>>) dst(%arg8 : memref<1024xf32, #tpu.memory_space<vmem>>)
    %broadcast_in_dim3A_8 = arith.constant 1.000000e+00 : f32
    %broadcast_in_dim3A_9 = vector.broadcast %broadcast_in_dim3A_8 : f32 to vector<16xf32>
    %scan3A = arith.constant 0 : i32
    %scan3A_10 = arith.constant 64 : i32
    %scan3A_11 = arith.addi %scan3A, %scan3A_10 : i32
    %scan3A_12 = arith.constant 1 : i32
    %scan3A_13:20 = scf.for %scan3A_670 = %scan3A to %scan3A_11 step %scan3A_12 iter_args(%scan3A_671 = %broadcast_in_dim3A_0, %scan3A_672 = %broadcast_in_dim3A_0, %scan3A_673 = %broadcast_in_dim3A_0, %scan3A_674 = %broadcast_in_dim3A_0, %scan3A_675 = %broadcast_in_dim3A_0, %scan3A_676 = %broadcast_in_dim3A_0, %scan3A_677 = %broadcast_in_dim3A_0, %scan3A_678 = %broadcast_in_dim3A_0, %scan3A_679 = %broadcast_in_dim3A_0, %scan3A_680 = %broadcast_in_dim3A_0, %scan3A_681 = %broadcast_in_dim3A_0, %scan3A_682 = %broadcast_in_dim3A_0, %scan3A_683 = %broadcast_in_dim3A_0, %scan3A_684 = %broadcast_in_dim3A_0, %scan3A_685 = %broadcast_in_dim3A_0, %scan3A_686 = %broadcast_in_dim3A_0, %scan3A_687 = %broadcast_in_dim3A_0, %scan3A_688 = %broadcast_in_dim3A_0, %scan3A_689 = %broadcast_in_dim3A_0, %scan3A_690 = %broadcast_in_dim3A_0) -> (vector<16xf32>, vector<16xf32>, vector<16xf32>, vector<16xf32>, vector<16xf32>, vector<16xf32>, vector<16xf32>, vector<16xf32>, vector<16xf32>, vector<16xf32>, vector<16xf32>, vector<16xf32>, vector<16xf32>, vector<16xf32>, vector<16xf32>, vector<16xf32>, vector<16xf32>, vector<16xf32>, vector<16xf32>, vector<16xf32>)  : i32 {
      %mul3A_691 = arith.constant 16 : i32
      %mul3A_692 = arith.muli %scan3A_670, %mul3A_691 : i32
      %get3A = arith.index_cast %mul3A_692 : i32 to index
      %get3A_693 = tpu.vector_load %arg8[%get3A] {strides = array<i32>} : memref<1024xf32, #tpu.memory_space<vmem>>, vector<16xf32>,
      %get3A_694 = vector.shape_cast %get3A_693 : vector<16xf32> to vector<16xf32>
      %get3A_695 = arith.index_cast %mul3A_692 : i32 to index
      %get3A_696 = tpu.vector_load %arg7[%get3A_695] {strides = array<i32>} : memref<1024xf32, #tpu.memory_space<vmem>>, vector<16xf32>,
      %get3A_697 = vector.shape_cast %get3A_696 : vector<16xf32> to vector<16xf32>
      %mul3A_698 = arith.constant 1.000000e+01 : f32
      %mul3A_699 = vector.broadcast %mul3A_698 : f32 to vector<16xf32>
      %mul3A_700 = arith.mulf %get3A_694, %mul3A_699 : vector<16xf32>
      %convert_element_type3A_701 = arith.fptosi %mul3A_700 : vector<16xf32> to vector<16xi32>
      %jit3A = arith.constant 0 : i32
      %jit3A_702 = arith.constant 9 : i32
      %max3A = vector.broadcast %jit3A : i32 to vector<16xi32>
      %max3A_703 = arith.maxsi %max3A, %convert_element_type3A_701 : vector<16xi32>
      %min3A = vector.broadcast %jit3A_702 : i32 to vector<16xi32>
      %min3A_704 = arith.minsi %min3A, %max3A_703 : vector<16xi32>
      %eq3A_705 = arith.constant 0 : i32
      %eq3A_706 = vector.broadcast %eq3A_705 : i32 to vector<16xi32>
      %eq3A_707 = arith.cmpi eq, %min3A_704, %eq3A_706 : vector<16xi32>
      %select_n3A_708 = arith.select %eq3A_707, %broadcast_in_dim3A_9, %broadcast_in_dim3A_0 : vector<16xi1>, vector<16xf32>
      %add3A_709 = arith.addf %scan3A_671, %select_n3A_708 : vector<16xf32>
      %select_n3A_710 = arith.select %eq3A_707, %get3A_697, %broadcast_in_dim3A_0 : vector<16xi1>, vector<16xf32>
      %add3A_711 = arith.addf %scan3A_681, %select_n3A_710 : vector<16xf32>
      %eq3A_712 = arith.constant 1 : i32
      %eq3A_713 = vector.broadcast %eq3A_712 : i32 to vector<16xi32>
      %eq3A_714 = arith.cmpi eq, %min3A_704, %eq3A_713 : vector<16xi32>
      %select_n3A_715 = arith.select %eq3A_714, %broadcast_in_dim3A_9, %broadcast_in_dim3A_0 : vector<16xi1>, vector<16xf32>
      %add3A_716 = arith.addf %scan3A_672, %select_n3A_715 : vector<16xf32>
      %select_n3A_717 = arith.select %eq3A_714, %get3A_697, %broadcast_in_dim3A_0 : vector<16xi1>, vector<16xf32>
      %add3A_718 = arith.addf %scan3A_682, %select_n3A_717 : vector<16xf32>
      %eq3A_719 = arith.constant 2 : i32
      %eq3A_720 = vector.broadcast %eq3A_719 : i32 to vector<16xi32>
      %eq3A_721 = arith.cmpi eq, %min3A_704, %eq3A_720 : vector<16xi32>
      %select_n3A_722 = arith.select %eq3A_721, %broadcast_in_dim3A_9, %broadcast_in_dim3A_0 : vector<16xi1>, vector<16xf32>
      %add3A_723 = arith.addf %scan3A_673, %select_n3A_722 : vector<16xf32>
      %select_n3A_724 = arith.select %eq3A_721, %get3A_697, %broadcast_in_dim3A_0 : vector<16xi1>, vector<16xf32>
      %add3A_725 = arith.addf %scan3A_683, %select_n3A_724 : vector<16xf32>
      %eq3A_726 = arith.constant 3 : i32
      %eq3A_727 = vector.broadcast %eq3A_726 : i32 to vector<16xi32>
      %eq3A_728 = arith.cmpi eq, %min3A_704, %eq3A_727 : vector<16xi32>
      %select_n3A_729 = arith.select %eq3A_728, %broadcast_in_dim3A_9, %broadcast_in_dim3A_0 : vector<16xi1>, vector<16xf32>
      %add3A_730 = arith.addf %scan3A_674, %select_n3A_729 : vector<16xf32>
      %select_n3A_731 = arith.select %eq3A_728, %get3A_697, %broadcast_in_dim3A_0 : vector<16xi1>, vector<16xf32>
      %add3A_732 = arith.addf %scan3A_684, %select_n3A_731 : vector<16xf32>
      %eq3A_733 = arith.constant 4 : i32
      %eq3A_734 = vector.broadcast %eq3A_733 : i32 to vector<16xi32>
      %eq3A_735 = arith.cmpi eq, %min3A_704, %eq3A_734 : vector<16xi32>
      %select_n3A_736 = arith.select %eq3A_735, %broadcast_in_dim3A_9, %broadcast_in_dim3A_0 : vector<16xi1>, vector<16xf32>
      %add3A_737 = arith.addf %scan3A_675, %select_n3A_736 : vector<16xf32>
      %select_n3A_738 = arith.select %eq3A_735, %get3A_697, %broadcast_in_dim3A_0 : vector<16xi1>, vector<16xf32>
      %add3A_739 = arith.addf %scan3A_685, %select_n3A_738 : vector<16xf32>
      %eq3A_740 = arith.constant 5 : i32
      %eq3A_741 = vector.broadcast %eq3A_740 : i32 to vector<16xi32>
      %eq3A_742 = arith.cmpi eq, %min3A_704, %eq3A_741 : vector<16xi32>
      %select_n3A_743 = arith.select %eq3A_742, %broadcast_in_dim3A_9, %broadcast_in_dim3A_0 : vector<16xi1>, vector<16xf32>
      %add3A_744 = arith.addf %scan3A_676, %select_n3A_743 : vector<16xf32>
      %select_n3A_745 = arith.select %eq3A_742, %get3A_697, %broadcast_in_dim3A_0 : vector<16xi1>, vector<16xf32>
      %add3A_746 = arith.addf %scan3A_686, %select_n3A_745 : vector<16xf32>
      %eq3A_747 = arith.constant 6 : i32
      %eq3A_748 = vector.broadcast %eq3A_747 : i32 to vector<16xi32>
      %eq3A_749 = arith.cmpi eq, %min3A_704, %eq3A_748 : vector<16xi32>
      %select_n3A_750 = arith.select %eq3A_749, %broadcast_in_dim3A_9, %broadcast_in_dim3A_0 : vector<16xi1>, vector<16xf32>
      %add3A_751 = arith.addf %scan3A_677, %select_n3A_750 : vector<16xf32>
      %select_n3A_752 = arith.select %eq3A_749, %get3A_697, %broadcast_in_dim3A_0 : vector<16xi1>, vector<16xf32>
      %add3A_753 = arith.addf %scan3A_687, %select_n3A_752 : vector<16xf32>
      %eq3A_754 = arith.constant 7 : i32
      %eq3A_755 = vector.broadcast %eq3A_754 : i32 to vector<16xi32>
      %eq3A_756 = arith.cmpi eq, %min3A_704, %eq3A_755 : vector<16xi32>
      %select_n3A_757 = arith.select %eq3A_756, %broadcast_in_dim3A_9, %broadcast_in_dim3A_0 : vector<16xi1>, vector<16xf32>
      %add3A_758 = arith.addf %scan3A_678, %select_n3A_757 : vector<16xf32>
      %select_n3A_759 = arith.select %eq3A_756, %get3A_697, %broadcast_in_dim3A_0 : vector<16xi1>, vector<16xf32>
      %add3A_760 = arith.addf %scan3A_688, %select_n3A_759 : vector<16xf32>
      %eq3A_761 = arith.constant 8 : i32
      %eq3A_762 = vector.broadcast %eq3A_761 : i32 to vector<16xi32>
      %eq3A_763 = arith.cmpi eq, %min3A_704, %eq3A_762 : vector<16xi32>
      %select_n3A_764 = arith.select %eq3A_763, %broadcast_in_dim3A_9, %broadcast_in_dim3A_0 : vector<16xi1>, vector<16xf32>
      %add3A_765 = arith.addf %scan3A_679, %select_n3A_764 : vector<16xf32>
      %select_n3A_766 = arith.select %eq3A_763, %get3A_697, %broadcast_in_dim3A_0 : vector<16xi1>, vector<16xf32>
      %add3A_767 = arith.addf %scan3A_689, %select_n3A_766 : vector<16xf32>
      %eq3A_768 = arith.constant 9 : i32
      %eq3A_769 = vector.broadcast %eq3A_768 : i32 to vector<16xi32>
      %eq3A_770 = arith.cmpi eq, %min3A_704, %eq3A_769 : vector<16xi32>
      %select_n3A_771 = arith.select %eq3A_770, %broadcast_in_dim3A_9, %broadcast_in_dim3A_0 : vector<16xi1>, vector<16xf32>
      %add3A_772 = arith.addf %scan3A_680, %select_n3A_771 : vector<16xf32>
      %select_n3A_773 = arith.select %eq3A_770, %get3A_697, %broadcast_in_dim3A_0 : vector<16xi1>, vector<16xf32>
      %add3A_774 = arith.addf %scan3A_690, %select_n3A_773 : vector<16xf32>
      scf.yield %add3A_709, %add3A_716, %add3A_723, %add3A_730, %add3A_737, %add3A_744, %add3A_751, %add3A_758, %add3A_765, %add3A_772, %add3A_711, %add3A_718, %add3A_725, %add3A_732, %add3A_739, %add3A_746, %add3A_753, %add3A_760, %add3A_767, %add3A_774 : vector<16xf32>, vector<16xf32>, vector<16xf32>, vector<16xf32>, vector<16xf32>, vector<16xf32>, vector<16xf32>, vector<16xf32>, vector<16xf32>, vector<16xf32>, vector<16xf32>, vector<16xf32>, vector<16xf32>, vector<16xf32>, vector<16xf32>, vector<16xf32>, vector<16xf32>, vector<16xf32>, vector<16xf32>, vector<16xf32>
    }
    %scan3A_14 = arith.constant 64 : i32
    %iota3A = tpu.iota {dimensions = array<i32: 0>} : vector<16xi32>
    %eq3A = arith.constant 0 : i32
    %eq3A_15 = vector.broadcast %eq3A : i32 to vector<16xi32>
    %eq3A_16 = arith.cmpi eq, %iota3A, %eq3A_15 : vector<16xi32>
    %iota3A_17 = tpu.iota {dimensions = array<i32: 0>} : vector<16xi32>
    %xor3A = arith.constant 8 : i32
    %xor3A_18 = vector.broadcast %xor3A : i32 to vector<16xi32>
    %xor3A_19 = arith.xori %iota3A_17, %xor3A_18 : vector<16xi32>
    %broadcast_in_dim3A_20 = vector.shape_cast %xor3A_19 : vector<16xi32> to vector<16x1xi32>
    %gather3A = vector.shape_cast %broadcast_in_dim3A_20 : vector<16x1xi32> to vector<16xi32>
    %gather3A_21 = tpu.dynamic_gather %scan3A_13#0[%gather3A] in [0] : vector<16xf32>, vector<16xi32> -> vector<16xf32>
    %add3A = arith.addf %scan3A_13#0, %gather3A_21 : vector<16xf32>
    %xor3A_22 = arith.constant 4 : i32
    %xor3A_23 = vector.broadcast %xor3A_22 : i32 to vector<16xi32>
    %xor3A_24 = arith.xori %iota3A_17, %xor3A_23 : vector<16xi32>
    %broadcast_in_dim3A_25 = vector.shape_cast %xor3A_24 : vector<16xi32> to vector<16x1xi32>
    %gather3A_26 = vector.shape_cast %broadcast_in_dim3A_25 : vector<16x1xi32> to vector<16xi32>
    %gather3A_27 = tpu.dynamic_gather %add3A[%gather3A_26] in [0] : vector<16xf32>, vector<16xi32> -> vector<16xf32>
    %add3A_28 = arith.addf %add3A, %gather3A_27 : vector<16xf32>
    %xor3A_29 = arith.constant 2 : i32
    %xor3A_30 = vector.broadcast %xor3A_29 : i32 to vector<16xi32>
    %xor3A_31 = arith.xori %iota3A_17, %xor3A_30 : vector<16xi32>
    %broadcast_in_dim3A_32 = vector.shape_cast %xor3A_31 : vector<16xi32> to vector<16x1xi32>
    %gather3A_33 = vector.shape_cast %broadcast_in_dim3A_32 : vector<16x1xi32> to vector<16xi32>
    %gather3A_34 = tpu.dynamic_gather %add3A_28[%gather3A_33] in [0] : vector<16xf32>, vector<16xi32> -> vector<16xf32>
    %add3A_35 = arith.addf %add3A_28, %gather3A_34 : vector<16xf32>
    %xor3A_36 = arith.constant 1 : i32
    %xor3A_37 = vector.broadcast %xor3A_36 : i32 to vector<16xi32>
    %xor3A_38 = arith.xori %iota3A_17, %xor3A_37 : vector<16xi32>
    %broadcast_in_dim3A_39 = vector.shape_cast %xor3A_38 : vector<16xi32> to vector<16x1xi32>
    %gather3A_40 = vector.shape_cast %broadcast_in_dim3A_39 : vector<16x1xi32> to vector<16xi32>
    %gather3A_41 = tpu.dynamic_gather %add3A_35[%gather3A_40] in [0] : vector<16xf32>, vector<16xi32> -> vector<16xf32>
    %add3A_42 = arith.addf %add3A_35, %gather3A_41 : vector<16xf32>
    %select_n3A = arith.select %eq3A_16, %add3A_42, %broadcast_in_dim3A_0 : vector<16xi1>, vector<16xf32>
    %add3A_43 = arith.addf %broadcast_in_dim3A_0, %select_n3A : vector<16xf32>
    %iota3A_44 = tpu.iota {dimensions = array<i32: 0>} : vector<16xi32>
    %xor3A_45 = arith.constant 8 : i32
    %xor3A_46 = vector.broadcast %xor3A_45 : i32 to vector<16xi32>
    %xor3A_47 = arith.xori %iota3A_44, %xor3A_46 : vector<16xi32>
    %broadcast_in_dim3A_48 = vector.shape_cast %xor3A_47 : vector<16xi32> to vector<16x1xi32>
    %gather3A_49 = vector.shape_cast %broadcast_in_dim3A_48 : vector<16x1xi32> to vector<16xi32>
    %gather3A_50 = tpu.dynamic_gather %scan3A_13#10[%gather3A_49] in [0] : vector<16xf32>, vector<16xi32> -> vector<16xf32>
    %add3A_51 = arith.addf %scan3A_13#10, %gather3A_50 : vector<16xf32>
    %xor3A_52 = arith.constant 4 : i32
    %xor3A_53 = vector.broadcast %xor3A_52 : i32 to vector<16xi32>
    %xor3A_54 = arith.xori %iota3A_44, %xor3A_53 : vector<16xi32>
    %broadcast_in_dim3A_55 = vector.shape_cast %xor3A_54 : vector<16xi32> to vector<16x1xi32>
    %gather3A_56 = vector.shape_cast %broadcast_in_dim3A_55 : vector<16x1xi32> to vector<16xi32>
    %gather3A_57 = tpu.dynamic_gather %add3A_51[%gather3A_56] in [0] : vector<16xf32>, vector<16xi32> -> vector<16xf32>
    %add3A_58 = arith.addf %add3A_51, %gather3A_57 : vector<16xf32>
    %xor3A_59 = arith.constant 2 : i32
    %xor3A_60 = vector.broadcast %xor3A_59 : i32 to vector<16xi32>
    %xor3A_61 = arith.xori %iota3A_44, %xor3A_60 : vector<16xi32>
    %broadcast_in_dim3A_62 = vector.shape_cast %xor3A_61 : vector<16xi32> to vector<16x1xi32>
    %gather3A_63 = vector.shape_cast %broadcast_in_dim3A_62 : vector<16x1xi32> to vector<16xi32>
    %gather3A_64 = tpu.dynamic_gather %add3A_58[%gather3A_63] in [0] : vector<16xf32>, vector<16xi32> -> vector<16xf32>
    %add3A_65 = arith.addf %add3A_58, %gather3A_64 : vector<16xf32>
    %xor3A_66 = arith.constant 1 : i32
    %xor3A_67 = vector.broadcast %xor3A_66 : i32 to vector<16xi32>
    %xor3A_68 = arith.xori %iota3A_44, %xor3A_67 : vector<16xi32>
    %broadcast_in_dim3A_69 = vector.shape_cast %xor3A_68 : vector<16xi32> to vector<16x1xi32>
    %gather3A_70 = vector.shape_cast %broadcast_in_dim3A_69 : vector<16x1xi32> to vector<16xi32>
    %gather3A_71 = tpu.dynamic_gather %add3A_65[%gather3A_70] in [0] : vector<16xf32>, vector<16xi32> -> vector<16xf32>
    %add3A_72 = arith.addf %add3A_65, %gather3A_71 : vector<16xf32>
    %select_n3A_73 = arith.select %eq3A_16, %add3A_72, %broadcast_in_dim3A_0 : vector<16xi1>, vector<16xf32>
    %add3A_74 = arith.addf %broadcast_in_dim3A_0, %select_n3A_73 : vector<16xf32>
    %eq3A_75 = arith.constant 1 : i32
    %eq3A_76 = vector.broadcast %eq3A_75 : i32 to vector<16xi32>
    %eq3A_77 = arith.cmpi eq, %iota3A, %eq3A_76 : vector<16xi32>
    %iota3A_78 = tpu.iota {dimensions = array<i32: 0>} : vector<16xi32>
    %xor3A_79 = arith.constant 8 : i32
    %xor3A_80 = vector.broadcast %xor3A_79 : i32 to vector<16xi32>
    %xor3A_81 = arith.xori %iota3A_78, %xor3A_80 : vector<16xi32>
    %broadcast_in_dim3A_82 = vector.shape_cast %xor3A_81 : vector<16xi32> to vector<16x1xi32>
    %gather3A_83 = vector.shape_cast %broadcast_in_dim3A_82 : vector<16x1xi32> to vector<16xi32>
    %gather3A_84 = tpu.dynamic_gather %scan3A_13#1[%gather3A_83] in [0] : vector<16xf32>, vector<16xi32> -> vector<16xf32>
    %add3A_85 = arith.addf %scan3A_13#1, %gather3A_84 : vector<16xf32>
    %xor3A_86 = arith.constant 4 : i32
    %xor3A_87 = vector.broadcast %xor3A_86 : i32 to vector<16xi32>
    %xor3A_88 = arith.xori %iota3A_78, %xor3A_87 : vector<16xi32>
    %broadcast_in_dim3A_89 = vector.shape_cast %xor3A_88 : vector<16xi32> to vector<16x1xi32>
    %gather3A_90 = vector.shape_cast %broadcast_in_dim3A_89 : vector<16x1xi32> to vector<16xi32>
    %gather3A_91 = tpu.dynamic_gather %add3A_85[%gather3A_90] in [0] : vector<16xf32>, vector<16xi32> -> vector<16xf32>
    %add3A_92 = arith.addf %add3A_85, %gather3A_91 : vector<16xf32>
    %xor3A_93 = arith.constant 2 : i32
    %xor3A_94 = vector.broadcast %xor3A_93 : i32 to vector<16xi32>
    %xor3A_95 = arith.xori %iota3A_78, %xor3A_94 : vector<16xi32>
    %broadcast_in_dim3A_96 = vector.shape_cast %xor3A_95 : vector<16xi32> to vector<16x1xi32>
    %gather3A_97 = vector.shape_cast %broadcast_in_dim3A_96 : vector<16x1xi32> to vector<16xi32>
    %gather3A_98 = tpu.dynamic_gather %add3A_92[%gather3A_97] in [0] : vector<16xf32>, vector<16xi32> -> vector<16xf32>
    %add3A_99 = arith.addf %add3A_92, %gather3A_98 : vector<16xf32>
    %xor3A_100 = arith.constant 1 : i32
    %xor3A_101 = vector.broadcast %xor3A_100 : i32 to vector<16xi32>
    %xor3A_102 = arith.xori %iota3A_78, %xor3A_101 : vector<16xi32>
    %broadcast_in_dim3A_103 = vector.shape_cast %xor3A_102 : vector<16xi32> to vector<16x1xi32>
    %gather3A_104 = vector.shape_cast %broadcast_in_dim3A_103 : vector<16x1xi32> to vector<16xi32>
    %gather3A_105 = tpu.dynamic_gather %add3A_99[%gather3A_104] in [0] : vector<16xf32>, vector<16xi32> -> vector<16xf32>
    %add3A_106 = arith.addf %add3A_99, %gather3A_105 : vector<16xf32>
    %select_n3A_107 = arith.select %eq3A_77, %add3A_106, %broadcast_in_dim3A_0 : vector<16xi1>, vector<16xf32>
    %add3A_108 = arith.addf %add3A_43, %select_n3A_107 : vector<16xf32>
    %iota3A_109 = tpu.iota {dimensions = array<i32: 0>} : vector<16xi32>
    %xor3A_110 = arith.constant 8 : i32
    %xor3A_111 = vector.broadcast %xor3A_110 : i32 to vector<16xi32>
    %xor3A_112 = arith.xori %iota3A_109, %xor3A_111 : vector<16xi32>
    %broadcast_in_dim3A_113 = vector.shape_cast %xor3A_112 : vector<16xi32> to vector<16x1xi32>
    %gather3A_114 = vector.shape_cast %broadcast_in_dim3A_113 : vector<16x1xi32> to vector<16xi32>
    %gather3A_115 = tpu.dynamic_gather %scan3A_13#11[%gather3A_114] in [0] : vector<16xf32>, vector<16xi32> -> vector<16xf32>
    %add3A_116 = arith.addf %scan3A_13#11, %gather3A_115 : vector<16xf32>
    %xor3A_117 = arith.constant 4 : i32
    %xor3A_118 = vector.broadcast %xor3A_117 : i32 to vector<16xi32>
    %xor3A_119 = arith.xori %iota3A_109, %xor3A_118 : vector<16xi32>
    %broadcast_in_dim3A_120 = vector.shape_cast %xor3A_119 : vector<16xi32> to vector<16x1xi32>
    %gather3A_121 = vector.shape_cast %broadcast_in_dim3A_120 : vector<16x1xi32> to vector<16xi32>
    %gather3A_122 = tpu.dynamic_gather %add3A_116[%gather3A_121] in [0] : vector<16xf32>, vector<16xi32> -> vector<16xf32>
    %add3A_123 = arith.addf %add3A_116, %gather3A_122 : vector<16xf32>
    %xor3A_124 = arith.constant 2 : i32
    %xor3A_125 = vector.broadcast %xor3A_124 : i32 to vector<16xi32>
    %xor3A_126 = arith.xori %iota3A_109, %xor3A_125 : vector<16xi32>
    %broadcast_in_dim3A_127 = vector.shape_cast %xor3A_126 : vector<16xi32> to vector<16x1xi32>
    %gather3A_128 = vector.shape_cast %broadcast_in_dim3A_127 : vector<16x1xi32> to vector<16xi32>
    %gather3A_129 = tpu.dynamic_gather %add3A_123[%gather3A_128] in [0] : vector<16xf32>, vector<16xi32> -> vector<16xf32>
    %add3A_130 = arith.addf %add3A_123, %gather3A_129 : vector<16xf32>
    %xor3A_131 = arith.constant 1 : i32
    %xor3A_132 = vector.broadcast %xor3A_131 : i32 to vector<16xi32>
    %xor3A_133 = arith.xori %iota3A_109, %xor3A_132 : vector<16xi32>
    %broadcast_in_dim3A_134 = vector.shape_cast %xor3A_133 : vector<16xi32> to vector<16x1xi32>
    %gather3A_135 = vector.shape_cast %broadcast_in_dim3A_134 : vector<16x1xi32> to vector<16xi32>
    %gather3A_136 = tpu.dynamic_gather %add3A_130[%gather3A_135] in [0] : vector<16xf32>, vector<16xi32> -> vector<16xf32>
    %add3A_137 = arith.addf %add3A_130, %gather3A_136 : vector<16xf32>
    %select_n3A_138 = arith.select %eq3A_77, %add3A_137, %broadcast_in_dim3A_0 : vector<16xi1>, vector<16xf32>
    %add3A_139 = arith.addf %add3A_74, %select_n3A_138 : vector<16xf32>
    %eq3A_140 = arith.constant 2 : i32
    %eq3A_141 = vector.broadcast %eq3A_140 : i32 to vector<16xi32>
    %eq3A_142 = arith.cmpi eq, %iota3A, %eq3A_141 : vector<16xi32>
    %iota3A_143 = tpu.iota {dimensions = array<i32: 0>} : vector<16xi32>
    %xor3A_144 = arith.constant 8 : i32
    %xor3A_145 = vector.broadcast %xor3A_144 : i32 to vector<16xi32>
    %xor3A_146 = arith.xori %iota3A_143, %xor3A_145 : vector<16xi32>
    %broadcast_in_dim3A_147 = vector.shape_cast %xor3A_146 : vector<16xi32> to vector<16x1xi32>
    %gather3A_148 = vector.shape_cast %broadcast_in_dim3A_147 : vector<16x1xi32> to vector<16xi32>
    %gather3A_149 = tpu.dynamic_gather %scan3A_13#2[%gather3A_148] in [0] : vector<16xf32>, vector<16xi32> -> vector<16xf32>
    %add3A_150 = arith.addf %scan3A_13#2, %gather3A_149 : vector<16xf32>
    %xor3A_151 = arith.constant 4 : i32
    %xor3A_152 = vector.broadcast %xor3A_151 : i32 to vector<16xi32>
    %xor3A_153 = arith.xori %iota3A_143, %xor3A_152 : vector<16xi32>
    %broadcast_in_dim3A_154 = vector.shape_cast %xor3A_153 : vector<16xi32> to vector<16x1xi32>
    %gather3A_155 = vector.shape_cast %broadcast_in_dim3A_154 : vector<16x1xi32> to vector<16xi32>
    %gather3A_156 = tpu.dynamic_gather %add3A_150[%gather3A_155] in [0] : vector<16xf32>, vector<16xi32> -> vector<16xf32>
    %add3A_157 = arith.addf %add3A_150, %gather3A_156 : vector<16xf32>
    %xor3A_158 = arith.constant 2 : i32
    %xor3A_159 = vector.broadcast %xor3A_158 : i32 to vector<16xi32>
    %xor3A_160 = arith.xori %iota3A_143, %xor3A_159 : vector<16xi32>
    %broadcast_in_dim3A_161 = vector.shape_cast %xor3A_160 : vector<16xi32> to vector<16x1xi32>
    %gather3A_162 = vector.shape_cast %broadcast_in_dim3A_161 : vector<16x1xi32> to vector<16xi32>
    %gather3A_163 = tpu.dynamic_gather %add3A_157[%gather3A_162] in [0] : vector<16xf32>, vector<16xi32> -> vector<16xf32>
    %add3A_164 = arith.addf %add3A_157, %gather3A_163 : vector<16xf32>
    %xor3A_165 = arith.constant 1 : i32
    %xor3A_166 = vector.broadcast %xor3A_165 : i32 to vector<16xi32>
    %xor3A_167 = arith.xori %iota3A_143, %xor3A_166 : vector<16xi32>
    %broadcast_in_dim3A_168 = vector.shape_cast %xor3A_167 : vector<16xi32> to vector<16x1xi32>
    %gather3A_169 = vector.shape_cast %broadcast_in_dim3A_168 : vector<16x1xi32> to vector<16xi32>
    %gather3A_170 = tpu.dynamic_gather %add3A_164[%gather3A_169] in [0] : vector<16xf32>, vector<16xi32> -> vector<16xf32>
    %add3A_171 = arith.addf %add3A_164, %gather3A_170 : vector<16xf32>
    %select_n3A_172 = arith.select %eq3A_142, %add3A_171, %broadcast_in_dim3A_0 : vector<16xi1>, vector<16xf32>
    %add3A_173 = arith.addf %add3A_108, %select_n3A_172 : vector<16xf32>
    %iota3A_174 = tpu.iota {dimensions = array<i32: 0>} : vector<16xi32>
    %xor3A_175 = arith.constant 8 : i32
    %xor3A_176 = vector.broadcast %xor3A_175 : i32 to vector<16xi32>
    %xor3A_177 = arith.xori %iota3A_174, %xor3A_176 : vector<16xi32>
    %broadcast_in_dim3A_178 = vector.shape_cast %xor3A_177 : vector<16xi32> to vector<16x1xi32>
    %gather3A_179 = vector.shape_cast %broadcast_in_dim3A_178 : vector<16x1xi32> to vector<16xi32>
    %gather3A_180 = tpu.dynamic_gather %scan3A_13#12[%gather3A_179] in [0] : vector<16xf32>, vector<16xi32> -> vector<16xf32>
    %add3A_181 = arith.addf %scan3A_13#12, %gather3A_180 : vector<16xf32>
    %xor3A_182 = arith.constant 4 : i32
    %xor3A_183 = vector.broadcast %xor3A_182 : i32 to vector<16xi32>
    %xor3A_184 = arith.xori %iota3A_174, %xor3A_183 : vector<16xi32>
    %broadcast_in_dim3A_185 = vector.shape_cast %xor3A_184 : vector<16xi32> to vector<16x1xi32>
    %gather3A_186 = vector.shape_cast %broadcast_in_dim3A_185 : vector<16x1xi32> to vector<16xi32>
    %gather3A_187 = tpu.dynamic_gather %add3A_181[%gather3A_186] in [0] : vector<16xf32>, vector<16xi32> -> vector<16xf32>
    %add3A_188 = arith.addf %add3A_181, %gather3A_187 : vector<16xf32>
    %xor3A_189 = arith.constant 2 : i32
    %xor3A_190 = vector.broadcast %xor3A_189 : i32 to vector<16xi32>
    %xor3A_191 = arith.xori %iota3A_174, %xor3A_190 : vector<16xi32>
    %broadcast_in_dim3A_192 = vector.shape_cast %xor3A_191 : vector<16xi32> to vector<16x1xi32>
    %gather3A_193 = vector.shape_cast %broadcast_in_dim3A_192 : vector<16x1xi32> to vector<16xi32>
    %gather3A_194 = tpu.dynamic_gather %add3A_188[%gather3A_193] in [0] : vector<16xf32>, vector<16xi32> -> vector<16xf32>
    %add3A_195 = arith.addf %add3A_188, %gather3A_194 : vector<16xf32>
    %xor3A_196 = arith.constant 1 : i32
    %xor3A_197 = vector.broadcast %xor3A_196 : i32 to vector<16xi32>
    %xor3A_198 = arith.xori %iota3A_174, %xor3A_197 : vector<16xi32>
    %broadcast_in_dim3A_199 = vector.shape_cast %xor3A_198 : vector<16xi32> to vector<16x1xi32>
    %gather3A_200 = vector.shape_cast %broadcast_in_dim3A_199 : vector<16x1xi32> to vector<16xi32>
    %gather3A_201 = tpu.dynamic_gather %add3A_195[%gather3A_200] in [0] : vector<16xf32>, vector<16xi32> -> vector<16xf32>
    %add3A_202 = arith.addf %add3A_195, %gather3A_201 : vector<16xf32>
    %select_n3A_203 = arith.select %eq3A_142, %add3A_202, %broadcast_in_dim3A_0 : vector<16xi1>, vector<16xf32>
    %add3A_204 = arith.addf %add3A_139, %select_n3A_203 : vector<16xf32>
    %eq3A_205 = arith.constant 3 : i32
    %eq3A_206 = vector.broadcast %eq3A_205 : i32 to vector<16xi32>
    %eq3A_207 = arith.cmpi eq, %iota3A, %eq3A_206 : vector<16xi32>
    %iota3A_208 = tpu.iota {dimensions = array<i32: 0>} : vector<16xi32>
    %xor3A_209 = arith.constant 8 : i32
    %xor3A_210 = vector.broadcast %xor3A_209 : i32 to vector<16xi32>
    %xor3A_211 = arith.xori %iota3A_208, %xor3A_210 : vector<16xi32>
    %broadcast_in_dim3A_212 = vector.shape_cast %xor3A_211 : vector<16xi32> to vector<16x1xi32>
    %gather3A_213 = vector.shape_cast %broadcast_in_dim3A_212 : vector<16x1xi32> to vector<16xi32>
    %gather3A_214 = tpu.dynamic_gather %scan3A_13#3[%gather3A_213] in [0] : vector<16xf32>, vector<16xi32> -> vector<16xf32>
    %add3A_215 = arith.addf %scan3A_13#3, %gather3A_214 : vector<16xf32>
    %xor3A_216 = arith.constant 4 : i32
    %xor3A_217 = vector.broadcast %xor3A_216 : i32 to vector<16xi32>
    %xor3A_218 = arith.xori %iota3A_208, %xor3A_217 : vector<16xi32>
    %broadcast_in_dim3A_219 = vector.shape_cast %xor3A_218 : vector<16xi32> to vector<16x1xi32>
    %gather3A_220 = vector.shape_cast %broadcast_in_dim3A_219 : vector<16x1xi32> to vector<16xi32>
    %gather3A_221 = tpu.dynamic_gather %add3A_215[%gather3A_220] in [0] : vector<16xf32>, vector<16xi32> -> vector<16xf32>
    %add3A_222 = arith.addf %add3A_215, %gather3A_221 : vector<16xf32>
    %xor3A_223 = arith.constant 2 : i32
    %xor3A_224 = vector.broadcast %xor3A_223 : i32 to vector<16xi32>
    %xor3A_225 = arith.xori %iota3A_208, %xor3A_224 : vector<16xi32>
    %broadcast_in_dim3A_226 = vector.shape_cast %xor3A_225 : vector<16xi32> to vector<16x1xi32>
    %gather3A_227 = vector.shape_cast %broadcast_in_dim3A_226 : vector<16x1xi32> to vector<16xi32>
    %gather3A_228 = tpu.dynamic_gather %add3A_222[%gather3A_227] in [0] : vector<16xf32>, vector<16xi32> -> vector<16xf32>
    %add3A_229 = arith.addf %add3A_222, %gather3A_228 : vector<16xf32>
    %xor3A_230 = arith.constant 1 : i32
    %xor3A_231 = vector.broadcast %xor3A_230 : i32 to vector<16xi32>
    %xor3A_232 = arith.xori %iota3A_208, %xor3A_231 : vector<16xi32>
    %broadcast_in_dim3A_233 = vector.shape_cast %xor3A_232 : vector<16xi32> to vector<16x1xi32>
    %gather3A_234 = vector.shape_cast %broadcast_in_dim3A_233 : vector<16x1xi32> to vector<16xi32>
    %gather3A_235 = tpu.dynamic_gather %add3A_229[%gather3A_234] in [0] : vector<16xf32>, vector<16xi32> -> vector<16xf32>
    %add3A_236 = arith.addf %add3A_229, %gather3A_235 : vector<16xf32>
    %select_n3A_237 = arith.select %eq3A_207, %add3A_236, %broadcast_in_dim3A_0 : vector<16xi1>, vector<16xf32>
    %add3A_238 = arith.addf %add3A_173, %select_n3A_237 : vector<16xf32>
    %iota3A_239 = tpu.iota {dimensions = array<i32: 0>} : vector<16xi32>
    %xor3A_240 = arith.constant 8 : i32
    %xor3A_241 = vector.broadcast %xor3A_240 : i32 to vector<16xi32>
    %xor3A_242 = arith.xori %iota3A_239, %xor3A_241 : vector<16xi32>
    %broadcast_in_dim3A_243 = vector.shape_cast %xor3A_242 : vector<16xi32> to vector<16x1xi32>
    %gather3A_244 = vector.shape_cast %broadcast_in_dim3A_243 : vector<16x1xi32> to vector<16xi32>
    %gather3A_245 = tpu.dynamic_gather %scan3A_13#13[%gather3A_244] in [0] : vector<16xf32>, vector<16xi32> -> vector<16xf32>
    %add3A_246 = arith.addf %scan3A_13#13, %gather3A_245 : vector<16xf32>
    %xor3A_247 = arith.constant 4 : i32
    %xor3A_248 = vector.broadcast %xor3A_247 : i32 to vector<16xi32>
    %xor3A_249 = arith.xori %iota3A_239, %xor3A_248 : vector<16xi32>
    %broadcast_in_dim3A_250 = vector.shape_cast %xor3A_249 : vector<16xi32> to vector<16x1xi32>
    %gather3A_251 = vector.shape_cast %broadcast_in_dim3A_250 : vector<16x1xi32> to vector<16xi32>
    %gather3A_252 = tpu.dynamic_gather %add3A_246[%gather3A_251] in [0] : vector<16xf32>, vector<16xi32> -> vector<16xf32>
    %add3A_253 = arith.addf %add3A_246, %gather3A_252 : vector<16xf32>
    %xor3A_254 = arith.constant 2 : i32
    %xor3A_255 = vector.broadcast %xor3A_254 : i32 to vector<16xi32>
    %xor3A_256 = arith.xori %iota3A_239, %xor3A_255 : vector<16xi32>
    %broadcast_in_dim3A_257 = vector.shape_cast %xor3A_256 : vector<16xi32> to vector<16x1xi32>
    %gather3A_258 = vector.shape_cast %broadcast_in_dim3A_257 : vector<16x1xi32> to vector<16xi32>
    %gather3A_259 = tpu.dynamic_gather %add3A_253[%gather3A_258] in [0] : vector<16xf32>, vector<16xi32> -> vector<16xf32>
    %add3A_260 = arith.addf %add3A_253, %gather3A_259 : vector<16xf32>
    %xor3A_261 = arith.constant 1 : i32
    %xor3A_262 = vector.broadcast %xor3A_261 : i32 to vector<16xi32>
    %xor3A_263 = arith.xori %iota3A_239, %xor3A_262 : vector<16xi32>
    %broadcast_in_dim3A_264 = vector.shape_cast %xor3A_263 : vector<16xi32> to vector<16x1xi32>
    %gather3A_265 = vector.shape_cast %broadcast_in_dim3A_264 : vector<16x1xi32> to vector<16xi32>
    %gather3A_266 = tpu.dynamic_gather %add3A_260[%gather3A_265] in [0] : vector<16xf32>, vector<16xi32> -> vector<16xf32>
    %add3A_267 = arith.addf %add3A_260, %gather3A_266 : vector<16xf32>
    %select_n3A_268 = arith.select %eq3A_207, %add3A_267, %broadcast_in_dim3A_0 : vector<16xi1>, vector<16xf32>
    %add3A_269 = arith.addf %add3A_204, %select_n3A_268 : vector<16xf32>
    %eq3A_270 = arith.constant 4 : i32
    %eq3A_271 = vector.broadcast %eq3A_270 : i32 to vector<16xi32>
    %eq3A_272 = arith.cmpi eq, %iota3A, %eq3A_271 : vector<16xi32>
    %iota3A_273 = tpu.iota {dimensions = array<i32: 0>} : vector<16xi32>
    %xor3A_274 = arith.constant 8 : i32
    %xor3A_275 = vector.broadcast %xor3A_274 : i32 to vector<16xi32>
    %xor3A_276 = arith.xori %iota3A_273, %xor3A_275 : vector<16xi32>
    %broadcast_in_dim3A_277 = vector.shape_cast %xor3A_276 : vector<16xi32> to vector<16x1xi32>
    %gather3A_278 = vector.shape_cast %broadcast_in_dim3A_277 : vector<16x1xi32> to vector<16xi32>
    %gather3A_279 = tpu.dynamic_gather %scan3A_13#4[%gather3A_278] in [0] : vector<16xf32>, vector<16xi32> -> vector<16xf32>
    %add3A_280 = arith.addf %scan3A_13#4, %gather3A_279 : vector<16xf32>
    %xor3A_281 = arith.constant 4 : i32
    %xor3A_282 = vector.broadcast %xor3A_281 : i32 to vector<16xi32>
    %xor3A_283 = arith.xori %iota3A_273, %xor3A_282 : vector<16xi32>
    %broadcast_in_dim3A_284 = vector.shape_cast %xor3A_283 : vector<16xi32> to vector<16x1xi32>
    %gather3A_285 = vector.shape_cast %broadcast_in_dim3A_284 : vector<16x1xi32> to vector<16xi32>
    %gather3A_286 = tpu.dynamic_gather %add3A_280[%gather3A_285] in [0] : vector<16xf32>, vector<16xi32> -> vector<16xf32>
    %add3A_287 = arith.addf %add3A_280, %gather3A_286 : vector<16xf32>
    %xor3A_288 = arith.constant 2 : i32
    %xor3A_289 = vector.broadcast %xor3A_288 : i32 to vector<16xi32>
    %xor3A_290 = arith.xori %iota3A_273, %xor3A_289 : vector<16xi32>
    %broadcast_in_dim3A_291 = vector.shape_cast %xor3A_290 : vector<16xi32> to vector<16x1xi32>
    %gather3A_292 = vector.shape_cast %broadcast_in_dim3A_291 : vector<16x1xi32> to vector<16xi32>
    %gather3A_293 = tpu.dynamic_gather %add3A_287[%gather3A_292] in [0] : vector<16xf32>, vector<16xi32> -> vector<16xf32>
    %add3A_294 = arith.addf %add3A_287, %gather3A_293 : vector<16xf32>
    %xor3A_295 = arith.constant 1 : i32
    %xor3A_296 = vector.broadcast %xor3A_295 : i32 to vector<16xi32>
    %xor3A_297 = arith.xori %iota3A_273, %xor3A_296 : vector<16xi32>
    %broadcast_in_dim3A_298 = vector.shape_cast %xor3A_297 : vector<16xi32> to vector<16x1xi32>
    %gather3A_299 = vector.shape_cast %broadcast_in_dim3A_298 : vector<16x1xi32> to vector<16xi32>
    %gather3A_300 = tpu.dynamic_gather %add3A_294[%gather3A_299] in [0] : vector<16xf32>, vector<16xi32> -> vector<16xf32>
    %add3A_301 = arith.addf %add3A_294, %gather3A_300 : vector<16xf32>
    %select_n3A_302 = arith.select %eq3A_272, %add3A_301, %broadcast_in_dim3A_0 : vector<16xi1>, vector<16xf32>
    %add3A_303 = arith.addf %add3A_238, %select_n3A_302 : vector<16xf32>
    %iota3A_304 = tpu.iota {dimensions = array<i32: 0>} : vector<16xi32>
    %xor3A_305 = arith.constant 8 : i32
    %xor3A_306 = vector.broadcast %xor3A_305 : i32 to vector<16xi32>
    %xor3A_307 = arith.xori %iota3A_304, %xor3A_306 : vector<16xi32>
    %broadcast_in_dim3A_308 = vector.shape_cast %xor3A_307 : vector<16xi32> to vector<16x1xi32>
    %gather3A_309 = vector.shape_cast %broadcast_in_dim3A_308 : vector<16x1xi32> to vector<16xi32>
    %gather3A_310 = tpu.dynamic_gather %scan3A_13#14[%gather3A_309] in [0] : vector<16xf32>, vector<16xi32> -> vector<16xf32>
    %add3A_311 = arith.addf %scan3A_13#14, %gather3A_310 : vector<16xf32>
    %xor3A_312 = arith.constant 4 : i32
    %xor3A_313 = vector.broadcast %xor3A_312 : i32 to vector<16xi32>
    %xor3A_314 = arith.xori %iota3A_304, %xor3A_313 : vector<16xi32>
    %broadcast_in_dim3A_315 = vector.shape_cast %xor3A_314 : vector<16xi32> to vector<16x1xi32>
    %gather3A_316 = vector.shape_cast %broadcast_in_dim3A_315 : vector<16x1xi32> to vector<16xi32>
    %gather3A_317 = tpu.dynamic_gather %add3A_311[%gather3A_316] in [0] : vector<16xf32>, vector<16xi32> -> vector<16xf32>
    %add3A_318 = arith.addf %add3A_311, %gather3A_317 : vector<16xf32>
    %xor3A_319 = arith.constant 2 : i32
    %xor3A_320 = vector.broadcast %xor3A_319 : i32 to vector<16xi32>
    %xor3A_321 = arith.xori %iota3A_304, %xor3A_320 : vector<16xi32>
    %broadcast_in_dim3A_322 = vector.shape_cast %xor3A_321 : vector<16xi32> to vector<16x1xi32>
    %gather3A_323 = vector.shape_cast %broadcast_in_dim3A_322 : vector<16x1xi32> to vector<16xi32>
    %gather3A_324 = tpu.dynamic_gather %add3A_318[%gather3A_323] in [0] : vector<16xf32>, vector<16xi32> -> vector<16xf32>
    %add3A_325 = arith.addf %add3A_318, %gather3A_324 : vector<16xf32>
    %xor3A_326 = arith.constant 1 : i32
    %xor3A_327 = vector.broadcast %xor3A_326 : i32 to vector<16xi32>
    %xor3A_328 = arith.xori %iota3A_304, %xor3A_327 : vector<16xi32>
    %broadcast_in_dim3A_329 = vector.shape_cast %xor3A_328 : vector<16xi32> to vector<16x1xi32>
    %gather3A_330 = vector.shape_cast %broadcast_in_dim3A_329 : vector<16x1xi32> to vector<16xi32>
    %gather3A_331 = tpu.dynamic_gather %add3A_325[%gather3A_330] in [0] : vector<16xf32>, vector<16xi32> -> vector<16xf32>
    %add3A_332 = arith.addf %add3A_325, %gather3A_331 : vector<16xf32>
    %select_n3A_333 = arith.select %eq3A_272, %add3A_332, %broadcast_in_dim3A_0 : vector<16xi1>, vector<16xf32>
    %add3A_334 = arith.addf %add3A_269, %select_n3A_333 : vector<16xf32>
    %eq3A_335 = arith.constant 5 : i32
    %eq3A_336 = vector.broadcast %eq3A_335 : i32 to vector<16xi32>
    %eq3A_337 = arith.cmpi eq, %iota3A, %eq3A_336 : vector<16xi32>
    %iota3A_338 = tpu.iota {dimensions = array<i32: 0>} : vector<16xi32>
    %xor3A_339 = arith.constant 8 : i32
    %xor3A_340 = vector.broadcast %xor3A_339 : i32 to vector<16xi32>
    %xor3A_341 = arith.xori %iota3A_338, %xor3A_340 : vector<16xi32>
    %broadcast_in_dim3A_342 = vector.shape_cast %xor3A_341 : vector<16xi32> to vector<16x1xi32>
    %gather3A_343 = vector.shape_cast %broadcast_in_dim3A_342 : vector<16x1xi32> to vector<16xi32>
    %gather3A_344 = tpu.dynamic_gather %scan3A_13#5[%gather3A_343] in [0] : vector<16xf32>, vector<16xi32> -> vector<16xf32>
    %add3A_345 = arith.addf %scan3A_13#5, %gather3A_344 : vector<16xf32>
    %xor3A_346 = arith.constant 4 : i32
    %xor3A_347 = vector.broadcast %xor3A_346 : i32 to vector<16xi32>
    %xor3A_348 = arith.xori %iota3A_338, %xor3A_347 : vector<16xi32>
    %broadcast_in_dim3A_349 = vector.shape_cast %xor3A_348 : vector<16xi32> to vector<16x1xi32>
    %gather3A_350 = vector.shape_cast %broadcast_in_dim3A_349 : vector<16x1xi32> to vector<16xi32>
    %gather3A_351 = tpu.dynamic_gather %add3A_345[%gather3A_350] in [0] : vector<16xf32>, vector<16xi32> -> vector<16xf32>
    %add3A_352 = arith.addf %add3A_345, %gather3A_351 : vector<16xf32>
    %xor3A_353 = arith.constant 2 : i32
    %xor3A_354 = vector.broadcast %xor3A_353 : i32 to vector<16xi32>
    %xor3A_355 = arith.xori %iota3A_338, %xor3A_354 : vector<16xi32>
    %broadcast_in_dim3A_356 = vector.shape_cast %xor3A_355 : vector<16xi32> to vector<16x1xi32>
    %gather3A_357 = vector.shape_cast %broadcast_in_dim3A_356 : vector<16x1xi32> to vector<16xi32>
    %gather3A_358 = tpu.dynamic_gather %add3A_352[%gather3A_357] in [0] : vector<16xf32>, vector<16xi32> -> vector<16xf32>
    %add3A_359 = arith.addf %add3A_352, %gather3A_358 : vector<16xf32>
    %xor3A_360 = arith.constant 1 : i32
    %xor3A_361 = vector.broadcast %xor3A_360 : i32 to vector<16xi32>
    %xor3A_362 = arith.xori %iota3A_338, %xor3A_361 : vector<16xi32>
    %broadcast_in_dim3A_363 = vector.shape_cast %xor3A_362 : vector<16xi32> to vector<16x1xi32>
    %gather3A_364 = vector.shape_cast %broadcast_in_dim3A_363 : vector<16x1xi32> to vector<16xi32>
    %gather3A_365 = tpu.dynamic_gather %add3A_359[%gather3A_364] in [0] : vector<16xf32>, vector<16xi32> -> vector<16xf32>
    %add3A_366 = arith.addf %add3A_359, %gather3A_365 : vector<16xf32>
    %select_n3A_367 = arith.select %eq3A_337, %add3A_366, %broadcast_in_dim3A_0 : vector<16xi1>, vector<16xf32>
    %add3A_368 = arith.addf %add3A_303, %select_n3A_367 : vector<16xf32>
    %iota3A_369 = tpu.iota {dimensions = array<i32: 0>} : vector<16xi32>
    %xor3A_370 = arith.constant 8 : i32
    %xor3A_371 = vector.broadcast %xor3A_370 : i32 to vector<16xi32>
    %xor3A_372 = arith.xori %iota3A_369, %xor3A_371 : vector<16xi32>
    %broadcast_in_dim3A_373 = vector.shape_cast %xor3A_372 : vector<16xi32> to vector<16x1xi32>
    %gather3A_374 = vector.shape_cast %broadcast_in_dim3A_373 : vector<16x1xi32> to vector<16xi32>
    %gather3A_375 = tpu.dynamic_gather %scan3A_13#15[%gather3A_374] in [0] : vector<16xf32>, vector<16xi32> -> vector<16xf32>
    %add3A_376 = arith.addf %scan3A_13#15, %gather3A_375 : vector<16xf32>
    %xor3A_377 = arith.constant 4 : i32
    %xor3A_378 = vector.broadcast %xor3A_377 : i32 to vector<16xi32>
    %xor3A_379 = arith.xori %iota3A_369, %xor3A_378 : vector<16xi32>
    %broadcast_in_dim3A_380 = vector.shape_cast %xor3A_379 : vector<16xi32> to vector<16x1xi32>
    %gather3A_381 = vector.shape_cast %broadcast_in_dim3A_380 : vector<16x1xi32> to vector<16xi32>
    %gather3A_382 = tpu.dynamic_gather %add3A_376[%gather3A_381] in [0] : vector<16xf32>, vector<16xi32> -> vector<16xf32>
    %add3A_383 = arith.addf %add3A_376, %gather3A_382 : vector<16xf32>
    %xor3A_384 = arith.constant 2 : i32
    %xor3A_385 = vector.broadcast %xor3A_384 : i32 to vector<16xi32>
    %xor3A_386 = arith.xori %iota3A_369, %xor3A_385 : vector<16xi32>
    %broadcast_in_dim3A_387 = vector.shape_cast %xor3A_386 : vector<16xi32> to vector<16x1xi32>
    %gather3A_388 = vector.shape_cast %broadcast_in_dim3A_387 : vector<16x1xi32> to vector<16xi32>
    %gather3A_389 = tpu.dynamic_gather %add3A_383[%gather3A_388] in [0] : vector<16xf32>, vector<16xi32> -> vector<16xf32>
    %add3A_390 = arith.addf %add3A_383, %gather3A_389 : vector<16xf32>
    %xor3A_391 = arith.constant 1 : i32
    %xor3A_392 = vector.broadcast %xor3A_391 : i32 to vector<16xi32>
    %xor3A_393 = arith.xori %iota3A_369, %xor3A_392 : vector<16xi32>
    %broadcast_in_dim3A_394 = vector.shape_cast %xor3A_393 : vector<16xi32> to vector<16x1xi32>
    %gather3A_395 = vector.shape_cast %broadcast_in_dim3A_394 : vector<16x1xi32> to vector<16xi32>
    %gather3A_396 = tpu.dynamic_gather %add3A_390[%gather3A_395] in [0] : vector<16xf32>, vector<16xi32> -> vector<16xf32>
    %add3A_397 = arith.addf %add3A_390, %gather3A_396 : vector<16xf32>
    %select_n3A_398 = arith.select %eq3A_337, %add3A_397, %broadcast_in_dim3A_0 : vector<16xi1>, vector<16xf32>
    %add3A_399 = arith.addf %add3A_334, %select_n3A_398 : vector<16xf32>
    %eq3A_400 = arith.constant 6 : i32
    %eq3A_401 = vector.broadcast %eq3A_400 : i32 to vector<16xi32>
    %eq3A_402 = arith.cmpi eq, %iota3A, %eq3A_401 : vector<16xi32>
    %iota3A_403 = tpu.iota {dimensions = array<i32: 0>} : vector<16xi32>
    %xor3A_404 = arith.constant 8 : i32
    %xor3A_405 = vector.broadcast %xor3A_404 : i32 to vector<16xi32>
    %xor3A_406 = arith.xori %iota3A_403, %xor3A_405 : vector<16xi32>
    %broadcast_in_dim3A_407 = vector.shape_cast %xor3A_406 : vector<16xi32> to vector<16x1xi32>
    %gather3A_408 = vector.shape_cast %broadcast_in_dim3A_407 : vector<16x1xi32> to vector<16xi32>
    %gather3A_409 = tpu.dynamic_gather %scan3A_13#6[%gather3A_408] in [0] : vector<16xf32>, vector<16xi32> -> vector<16xf32>
    %add3A_410 = arith.addf %scan3A_13#6, %gather3A_409 : vector<16xf32>
    %xor3A_411 = arith.constant 4 : i32
    %xor3A_412 = vector.broadcast %xor3A_411 : i32 to vector<16xi32>
    %xor3A_413 = arith.xori %iota3A_403, %xor3A_412 : vector<16xi32>
    %broadcast_in_dim3A_414 = vector.shape_cast %xor3A_413 : vector<16xi32> to vector<16x1xi32>
    %gather3A_415 = vector.shape_cast %broadcast_in_dim3A_414 : vector<16x1xi32> to vector<16xi32>
    %gather3A_416 = tpu.dynamic_gather %add3A_410[%gather3A_415] in [0] : vector<16xf32>, vector<16xi32> -> vector<16xf32>
    %add3A_417 = arith.addf %add3A_410, %gather3A_416 : vector<16xf32>
    %xor3A_418 = arith.constant 2 : i32
    %xor3A_419 = vector.broadcast %xor3A_418 : i32 to vector<16xi32>
    %xor3A_420 = arith.xori %iota3A_403, %xor3A_419 : vector<16xi32>
    %broadcast_in_dim3A_421 = vector.shape_cast %xor3A_420 : vector<16xi32> to vector<16x1xi32>
    %gather3A_422 = vector.shape_cast %broadcast_in_dim3A_421 : vector<16x1xi32> to vector<16xi32>
    %gather3A_423 = tpu.dynamic_gather %add3A_417[%gather3A_422] in [0] : vector<16xf32>, vector<16xi32> -> vector<16xf32>
    %add3A_424 = arith.addf %add3A_417, %gather3A_423 : vector<16xf32>
    %xor3A_425 = arith.constant 1 : i32
    %xor3A_426 = vector.broadcast %xor3A_425 : i32 to vector<16xi32>
    %xor3A_427 = arith.xori %iota3A_403, %xor3A_426 : vector<16xi32>
    %broadcast_in_dim3A_428 = vector.shape_cast %xor3A_427 : vector<16xi32> to vector<16x1xi32>
    %gather3A_429 = vector.shape_cast %broadcast_in_dim3A_428 : vector<16x1xi32> to vector<16xi32>
    %gather3A_430 = tpu.dynamic_gather %add3A_424[%gather3A_429] in [0] : vector<16xf32>, vector<16xi32> -> vector<16xf32>
    %add3A_431 = arith.addf %add3A_424, %gather3A_430 : vector<16xf32>
    %select_n3A_432 = arith.select %eq3A_402, %add3A_431, %broadcast_in_dim3A_0 : vector<16xi1>, vector<16xf32>
    %add3A_433 = arith.addf %add3A_368, %select_n3A_432 : vector<16xf32>
    %iota3A_434 = tpu.iota {dimensions = array<i32: 0>} : vector<16xi32>
    %xor3A_435 = arith.constant 8 : i32
    %xor3A_436 = vector.broadcast %xor3A_435 : i32 to vector<16xi32>
    %xor3A_437 = arith.xori %iota3A_434, %xor3A_436 : vector<16xi32>
    %broadcast_in_dim3A_438 = vector.shape_cast %xor3A_437 : vector<16xi32> to vector<16x1xi32>
    %gather3A_439 = vector.shape_cast %broadcast_in_dim3A_438 : vector<16x1xi32> to vector<16xi32>
    %gather3A_440 = tpu.dynamic_gather %scan3A_13#16[%gather3A_439] in [0] : vector<16xf32>, vector<16xi32> -> vector<16xf32>
    %add3A_441 = arith.addf %scan3A_13#16, %gather3A_440 : vector<16xf32>
    %xor3A_442 = arith.constant 4 : i32
    %xor3A_443 = vector.broadcast %xor3A_442 : i32 to vector<16xi32>
    %xor3A_444 = arith.xori %iota3A_434, %xor3A_443 : vector<16xi32>
    %broadcast_in_dim3A_445 = vector.shape_cast %xor3A_444 : vector<16xi32> to vector<16x1xi32>
    %gather3A_446 = vector.shape_cast %broadcast_in_dim3A_445 : vector<16x1xi32> to vector<16xi32>
    %gather3A_447 = tpu.dynamic_gather %add3A_441[%gather3A_446] in [0] : vector<16xf32>, vector<16xi32> -> vector<16xf32>
    %add3A_448 = arith.addf %add3A_441, %gather3A_447 : vector<16xf32>
    %xor3A_449 = arith.constant 2 : i32
    %xor3A_450 = vector.broadcast %xor3A_449 : i32 to vector<16xi32>
    %xor3A_451 = arith.xori %iota3A_434, %xor3A_450 : vector<16xi32>
    %broadcast_in_dim3A_452 = vector.shape_cast %xor3A_451 : vector<16xi32> to vector<16x1xi32>
    %gather3A_453 = vector.shape_cast %broadcast_in_dim3A_452 : vector<16x1xi32> to vector<16xi32>
    %gather3A_454 = tpu.dynamic_gather %add3A_448[%gather3A_453] in [0] : vector<16xf32>, vector<16xi32> -> vector<16xf32>
    %add3A_455 = arith.addf %add3A_448, %gather3A_454 : vector<16xf32>
    %xor3A_456 = arith.constant 1 : i32
    %xor3A_457 = vector.broadcast %xor3A_456 : i32 to vector<16xi32>
    %xor3A_458 = arith.xori %iota3A_434, %xor3A_457 : vector<16xi32>
    %broadcast_in_dim3A_459 = vector.shape_cast %xor3A_458 : vector<16xi32> to vector<16x1xi32>
    %gather3A_460 = vector.shape_cast %broadcast_in_dim3A_459 : vector<16x1xi32> to vector<16xi32>
    %gather3A_461 = tpu.dynamic_gather %add3A_455[%gather3A_460] in [0] : vector<16xf32>, vector<16xi32> -> vector<16xf32>
    %add3A_462 = arith.addf %add3A_455, %gather3A_461 : vector<16xf32>
    %select_n3A_463 = arith.select %eq3A_402, %add3A_462, %broadcast_in_dim3A_0 : vector<16xi1>, vector<16xf32>
    %add3A_464 = arith.addf %add3A_399, %select_n3A_463 : vector<16xf32>
    %eq3A_465 = arith.constant 7 : i32
    %eq3A_466 = vector.broadcast %eq3A_465 : i32 to vector<16xi32>
    %eq3A_467 = arith.cmpi eq, %iota3A, %eq3A_466 : vector<16xi32>
    %iota3A_468 = tpu.iota {dimensions = array<i32: 0>} : vector<16xi32>
    %xor3A_469 = arith.constant 8 : i32
    %xor3A_470 = vector.broadcast %xor3A_469 : i32 to vector<16xi32>
    %xor3A_471 = arith.xori %iota3A_468, %xor3A_470 : vector<16xi32>
    %broadcast_in_dim3A_472 = vector.shape_cast %xor3A_471 : vector<16xi32> to vector<16x1xi32>
    %gather3A_473 = vector.shape_cast %broadcast_in_dim3A_472 : vector<16x1xi32> to vector<16xi32>
    %gather3A_474 = tpu.dynamic_gather %scan3A_13#7[%gather3A_473] in [0] : vector<16xf32>, vector<16xi32> -> vector<16xf32>
    %add3A_475 = arith.addf %scan3A_13#7, %gather3A_474 : vector<16xf32>
    %xor3A_476 = arith.constant 4 : i32
    %xor3A_477 = vector.broadcast %xor3A_476 : i32 to vector<16xi32>
    %xor3A_478 = arith.xori %iota3A_468, %xor3A_477 : vector<16xi32>
    %broadcast_in_dim3A_479 = vector.shape_cast %xor3A_478 : vector<16xi32> to vector<16x1xi32>
    %gather3A_480 = vector.shape_cast %broadcast_in_dim3A_479 : vector<16x1xi32> to vector<16xi32>
    %gather3A_481 = tpu.dynamic_gather %add3A_475[%gather3A_480] in [0] : vector<16xf32>, vector<16xi32> -> vector<16xf32>
    %add3A_482 = arith.addf %add3A_475, %gather3A_481 : vector<16xf32>
    %xor3A_483 = arith.constant 2 : i32
    %xor3A_484 = vector.broadcast %xor3A_483 : i32 to vector<16xi32>
    %xor3A_485 = arith.xori %iota3A_468, %xor3A_484 : vector<16xi32>
    %broadcast_in_dim3A_486 = vector.shape_cast %xor3A_485 : vector<16xi32> to vector<16x1xi32>
    %gather3A_487 = vector.shape_cast %broadcast_in_dim3A_486 : vector<16x1xi32> to vector<16xi32>
    %gather3A_488 = tpu.dynamic_gather %add3A_482[%gather3A_487] in [0] : vector<16xf32>, vector<16xi32> -> vector<16xf32>
    %add3A_489 = arith.addf %add3A_482, %gather3A_488 : vector<16xf32>
    %xor3A_490 = arith.constant 1 : i32
    %xor3A_491 = vector.broadcast %xor3A_490 : i32 to vector<16xi32>
    %xor3A_492 = arith.xori %iota3A_468, %xor3A_491 : vector<16xi32>
    %broadcast_in_dim3A_493 = vector.shape_cast %xor3A_492 : vector<16xi32> to vector<16x1xi32>
    %gather3A_494 = vector.shape_cast %broadcast_in_dim3A_493 : vector<16x1xi32> to vector<16xi32>
    %gather3A_495 = tpu.dynamic_gather %add3A_489[%gather3A_494] in [0] : vector<16xf32>, vector<16xi32> -> vector<16xf32>
    %add3A_496 = arith.addf %add3A_489, %gather3A_495 : vector<16xf32>
    %select_n3A_497 = arith.select %eq3A_467, %add3A_496, %broadcast_in_dim3A_0 : vector<16xi1>, vector<16xf32>
    %add3A_498 = arith.addf %add3A_433, %select_n3A_497 : vector<16xf32>
    %iota3A_499 = tpu.iota {dimensions = array<i32: 0>} : vector<16xi32>
    %xor3A_500 = arith.constant 8 : i32
    %xor3A_501 = vector.broadcast %xor3A_500 : i32 to vector<16xi32>
    %xor3A_502 = arith.xori %iota3A_499, %xor3A_501 : vector<16xi32>
    %broadcast_in_dim3A_503 = vector.shape_cast %xor3A_502 : vector<16xi32> to vector<16x1xi32>
    %gather3A_504 = vector.shape_cast %broadcast_in_dim3A_503 : vector<16x1xi32> to vector<16xi32>
    %gather3A_505 = tpu.dynamic_gather %scan3A_13#17[%gather3A_504] in [0] : vector<16xf32>, vector<16xi32> -> vector<16xf32>
    %add3A_506 = arith.addf %scan3A_13#17, %gather3A_505 : vector<16xf32>
    %xor3A_507 = arith.constant 4 : i32
    %xor3A_508 = vector.broadcast %xor3A_507 : i32 to vector<16xi32>
    %xor3A_509 = arith.xori %iota3A_499, %xor3A_508 : vector<16xi32>
    %broadcast_in_dim3A_510 = vector.shape_cast %xor3A_509 : vector<16xi32> to vector<16x1xi32>
    %gather3A_511 = vector.shape_cast %broadcast_in_dim3A_510 : vector<16x1xi32> to vector<16xi32>
    %gather3A_512 = tpu.dynamic_gather %add3A_506[%gather3A_511] in [0] : vector<16xf32>, vector<16xi32> -> vector<16xf32>
    %add3A_513 = arith.addf %add3A_506, %gather3A_512 : vector<16xf32>
    %xor3A_514 = arith.constant 2 : i32
    %xor3A_515 = vector.broadcast %xor3A_514 : i32 to vector<16xi32>
    %xor3A_516 = arith.xori %iota3A_499, %xor3A_515 : vector<16xi32>
    %broadcast_in_dim3A_517 = vector.shape_cast %xor3A_516 : vector<16xi32> to vector<16x1xi32>
    %gather3A_518 = vector.shape_cast %broadcast_in_dim3A_517 : vector<16x1xi32> to vector<16xi32>
    %gather3A_519 = tpu.dynamic_gather %add3A_513[%gather3A_518] in [0] : vector<16xf32>, vector<16xi32> -> vector<16xf32>
    %add3A_520 = arith.addf %add3A_513, %gather3A_519 : vector<16xf32>
    %xor3A_521 = arith.constant 1 : i32
    %xor3A_522 = vector.broadcast %xor3A_521 : i32 to vector<16xi32>
    %xor3A_523 = arith.xori %iota3A_499, %xor3A_522 : vector<16xi32>
    %broadcast_in_dim3A_524 = vector.shape_cast %xor3A_523 : vector<16xi32> to vector<16x1xi32>
    %gather3A_525 = vector.shape_cast %broadcast_in_dim3A_524 : vector<16x1xi32> to vector<16xi32>
    %gather3A_526 = tpu.dynamic_gather %add3A_520[%gather3A_525] in [0] : vector<16xf32>, vector<16xi32> -> vector<16xf32>
    %add3A_527 = arith.addf %add3A_520, %gather3A_526 : vector<16xf32>
    %select_n3A_528 = arith.select %eq3A_467, %add3A_527, %broadcast_in_dim3A_0 : vector<16xi1>, vector<16xf32>
    %add3A_529 = arith.addf %add3A_464, %select_n3A_528 : vector<16xf32>
    %eq3A_530 = arith.constant 8 : i32
    %eq3A_531 = vector.broadcast %eq3A_530 : i32 to vector<16xi32>
    %eq3A_532 = arith.cmpi eq, %iota3A, %eq3A_531 : vector<16xi32>
    %iota3A_533 = tpu.iota {dimensions = array<i32: 0>} : vector<16xi32>
    %xor3A_534 = arith.constant 8 : i32
    %xor3A_535 = vector.broadcast %xor3A_534 : i32 to vector<16xi32>
    %xor3A_536 = arith.xori %iota3A_533, %xor3A_535 : vector<16xi32>
    %broadcast_in_dim3A_537 = vector.shape_cast %xor3A_536 : vector<16xi32> to vector<16x1xi32>
    %gather3A_538 = vector.shape_cast %broadcast_in_dim3A_537 : vector<16x1xi32> to vector<16xi32>
    %gather3A_539 = tpu.dynamic_gather %scan3A_13#8[%gather3A_538] in [0] : vector<16xf32>, vector<16xi32> -> vector<16xf32>
    %add3A_540 = arith.addf %scan3A_13#8, %gather3A_539 : vector<16xf32>
    %xor3A_541 = arith.constant 4 : i32
    %xor3A_542 = vector.broadcast %xor3A_541 : i32 to vector<16xi32>
    %xor3A_543 = arith.xori %iota3A_533, %xor3A_542 : vector<16xi32>
    %broadcast_in_dim3A_544 = vector.shape_cast %xor3A_543 : vector<16xi32> to vector<16x1xi32>
    %gather3A_545 = vector.shape_cast %broadcast_in_dim3A_544 : vector<16x1xi32> to vector<16xi32>
    %gather3A_546 = tpu.dynamic_gather %add3A_540[%gather3A_545] in [0] : vector<16xf32>, vector<16xi32> -> vector<16xf32>
    %add3A_547 = arith.addf %add3A_540, %gather3A_546 : vector<16xf32>
    %xor3A_548 = arith.constant 2 : i32
    %xor3A_549 = vector.broadcast %xor3A_548 : i32 to vector<16xi32>
    %xor3A_550 = arith.xori %iota3A_533, %xor3A_549 : vector<16xi32>
    %broadcast_in_dim3A_551 = vector.shape_cast %xor3A_550 : vector<16xi32> to vector<16x1xi32>
    %gather3A_552 = vector.shape_cast %broadcast_in_dim3A_551 : vector<16x1xi32> to vector<16xi32>
    %gather3A_553 = tpu.dynamic_gather %add3A_547[%gather3A_552] in [0] : vector<16xf32>, vector<16xi32> -> vector<16xf32>
    %add3A_554 = arith.addf %add3A_547, %gather3A_553 : vector<16xf32>
    %xor3A_555 = arith.constant 1 : i32
    %xor3A_556 = vector.broadcast %xor3A_555 : i32 to vector<16xi32>
    %xor3A_557 = arith.xori %iota3A_533, %xor3A_556 : vector<16xi32>
    %broadcast_in_dim3A_558 = vector.shape_cast %xor3A_557 : vector<16xi32> to vector<16x1xi32>
    %gather3A_559 = vector.shape_cast %broadcast_in_dim3A_558 : vector<16x1xi32> to vector<16xi32>
    %gather3A_560 = tpu.dynamic_gather %add3A_554[%gather3A_559] in [0] : vector<16xf32>, vector<16xi32> -> vector<16xf32>
    %add3A_561 = arith.addf %add3A_554, %gather3A_560 : vector<16xf32>
    %select_n3A_562 = arith.select %eq3A_532, %add3A_561, %broadcast_in_dim3A_0 : vector<16xi1>, vector<16xf32>
    %add3A_563 = arith.addf %add3A_498, %select_n3A_562 : vector<16xf32>
    %iota3A_564 = tpu.iota {dimensions = array<i32: 0>} : vector<16xi32>
    %xor3A_565 = arith.constant 8 : i32
    %xor3A_566 = vector.broadcast %xor3A_565 : i32 to vector<16xi32>
    %xor3A_567 = arith.xori %iota3A_564, %xor3A_566 : vector<16xi32>
    %broadcast_in_dim3A_568 = vector.shape_cast %xor3A_567 : vector<16xi32> to vector<16x1xi32>
    %gather3A_569 = vector.shape_cast %broadcast_in_dim3A_568 : vector<16x1xi32> to vector<16xi32>
    %gather3A_570 = tpu.dynamic_gather %scan3A_13#18[%gather3A_569] in [0] : vector<16xf32>, vector<16xi32> -> vector<16xf32>
    %add3A_571 = arith.addf %scan3A_13#18, %gather3A_570 : vector<16xf32>
    %xor3A_572 = arith.constant 4 : i32
    %xor3A_573 = vector.broadcast %xor3A_572 : i32 to vector<16xi32>
    %xor3A_574 = arith.xori %iota3A_564, %xor3A_573 : vector<16xi32>
    %broadcast_in_dim3A_575 = vector.shape_cast %xor3A_574 : vector<16xi32> to vector<16x1xi32>
    %gather3A_576 = vector.shape_cast %broadcast_in_dim3A_575 : vector<16x1xi32> to vector<16xi32>
    %gather3A_577 = tpu.dynamic_gather %add3A_571[%gather3A_576] in [0] : vector<16xf32>, vector<16xi32> -> vector<16xf32>
    %add3A_578 = arith.addf %add3A_571, %gather3A_577 : vector<16xf32>
    %xor3A_579 = arith.constant 2 : i32
    %xor3A_580 = vector.broadcast %xor3A_579 : i32 to vector<16xi32>
    %xor3A_581 = arith.xori %iota3A_564, %xor3A_580 : vector<16xi32>
    %broadcast_in_dim3A_582 = vector.shape_cast %xor3A_581 : vector<16xi32> to vector<16x1xi32>
    %gather3A_583 = vector.shape_cast %broadcast_in_dim3A_582 : vector<16x1xi32> to vector<16xi32>
    %gather3A_584 = tpu.dynamic_gather %add3A_578[%gather3A_583] in [0] : vector<16xf32>, vector<16xi32> -> vector<16xf32>
    %add3A_585 = arith.addf %add3A_578, %gather3A_584 : vector<16xf32>
    %xor3A_586 = arith.constant 1 : i32
    %xor3A_587 = vector.broadcast %xor3A_586 : i32 to vector<16xi32>
    %xor3A_588 = arith.xori %iota3A_564, %xor3A_587 : vector<16xi32>
    %broadcast_in_dim3A_589 = vector.shape_cast %xor3A_588 : vector<16xi32> to vector<16x1xi32>
    %gather3A_590 = vector.shape_cast %broadcast_in_dim3A_589 : vector<16x1xi32> to vector<16xi32>
    %gather3A_591 = tpu.dynamic_gather %add3A_585[%gather3A_590] in [0] : vector<16xf32>, vector<16xi32> -> vector<16xf32>
    %add3A_592 = arith.addf %add3A_585, %gather3A_591 : vector<16xf32>
    %select_n3A_593 = arith.select %eq3A_532, %add3A_592, %broadcast_in_dim3A_0 : vector<16xi1>, vector<16xf32>
    %add3A_594 = arith.addf %add3A_529, %select_n3A_593 : vector<16xf32>
    %eq3A_595 = arith.constant 9 : i32
    %eq3A_596 = vector.broadcast %eq3A_595 : i32 to vector<16xi32>
    %eq3A_597 = arith.cmpi eq, %iota3A, %eq3A_596 : vector<16xi32>
    %iota3A_598 = tpu.iota {dimensions = array<i32: 0>} : vector<16xi32>
    %xor3A_599 = arith.constant 8 : i32
    %xor3A_600 = vector.broadcast %xor3A_599 : i32 to vector<16xi32>
    %xor3A_601 = arith.xori %iota3A_598, %xor3A_600 : vector<16xi32>
    %broadcast_in_dim3A_602 = vector.shape_cast %xor3A_601 : vector<16xi32> to vector<16x1xi32>
    %gather3A_603 = vector.shape_cast %broadcast_in_dim3A_602 : vector<16x1xi32> to vector<16xi32>
    %gather3A_604 = tpu.dynamic_gather %scan3A_13#9[%gather3A_603] in [0] : vector<16xf32>, vector<16xi32> -> vector<16xf32>
    %add3A_605 = arith.addf %scan3A_13#9, %gather3A_604 : vector<16xf32>
    %xor3A_606 = arith.constant 4 : i32
    %xor3A_607 = vector.broadcast %xor3A_606 : i32 to vector<16xi32>
    %xor3A_608 = arith.xori %iota3A_598, %xor3A_607 : vector<16xi32>
    %broadcast_in_dim3A_609 = vector.shape_cast %xor3A_608 : vector<16xi32> to vector<16x1xi32>
    %gather3A_610 = vector.shape_cast %broadcast_in_dim3A_609 : vector<16x1xi32> to vector<16xi32>
    %gather3A_611 = tpu.dynamic_gather %add3A_605[%gather3A_610] in [0] : vector<16xf32>, vector<16xi32> -> vector<16xf32>
    %add3A_612 = arith.addf %add3A_605, %gather3A_611 : vector<16xf32>
    %xor3A_613 = arith.constant 2 : i32
    %xor3A_614 = vector.broadcast %xor3A_613 : i32 to vector<16xi32>
    %xor3A_615 = arith.xori %iota3A_598, %xor3A_614 : vector<16xi32>
    %broadcast_in_dim3A_616 = vector.shape_cast %xor3A_615 : vector<16xi32> to vector<16x1xi32>
    %gather3A_617 = vector.shape_cast %broadcast_in_dim3A_616 : vector<16x1xi32> to vector<16xi32>
    %gather3A_618 = tpu.dynamic_gather %add3A_612[%gather3A_617] in [0] : vector<16xf32>, vector<16xi32> -> vector<16xf32>
    %add3A_619 = arith.addf %add3A_612, %gather3A_618 : vector<16xf32>
    %xor3A_620 = arith.constant 1 : i32
    %xor3A_621 = vector.broadcast %xor3A_620 : i32 to vector<16xi32>
    %xor3A_622 = arith.xori %iota3A_598, %xor3A_621 : vector<16xi32>
    %broadcast_in_dim3A_623 = vector.shape_cast %xor3A_622 : vector<16xi32> to vector<16x1xi32>
    %gather3A_624 = vector.shape_cast %broadcast_in_dim3A_623 : vector<16x1xi32> to vector<16xi32>
    %gather3A_625 = tpu.dynamic_gather %add3A_619[%gather3A_624] in [0] : vector<16xf32>, vector<16xi32> -> vector<16xf32>
    %add3A_626 = arith.addf %add3A_619, %gather3A_625 : vector<16xf32>
    %select_n3A_627 = arith.select %eq3A_597, %add3A_626, %broadcast_in_dim3A_0 : vector<16xi1>, vector<16xf32>
    %add3A_628 = arith.addf %add3A_563, %select_n3A_627 : vector<16xf32>
    %iota3A_629 = tpu.iota {dimensions = array<i32: 0>} : vector<16xi32>
    %xor3A_630 = arith.constant 8 : i32
    %xor3A_631 = vector.broadcast %xor3A_630 : i32 to vector<16xi32>
    %xor3A_632 = arith.xori %iota3A_629, %xor3A_631 : vector<16xi32>
    %broadcast_in_dim3A_633 = vector.shape_cast %xor3A_632 : vector<16xi32> to vector<16x1xi32>
    %gather3A_634 = vector.shape_cast %broadcast_in_dim3A_633 : vector<16x1xi32> to vector<16xi32>
    %gather3A_635 = tpu.dynamic_gather %scan3A_13#19[%gather3A_634] in [0] : vector<16xf32>, vector<16xi32> -> vector<16xf32>
    %add3A_636 = arith.addf %scan3A_13#19, %gather3A_635 : vector<16xf32>
    %xor3A_637 = arith.constant 4 : i32
    %xor3A_638 = vector.broadcast %xor3A_637 : i32 to vector<16xi32>
    %xor3A_639 = arith.xori %iota3A_629, %xor3A_638 : vector<16xi32>
    %broadcast_in_dim3A_640 = vector.shape_cast %xor3A_639 : vector<16xi32> to vector<16x1xi32>
    %gather3A_641 = vector.shape_cast %broadcast_in_dim3A_640 : vector<16x1xi32> to vector<16xi32>
    %gather3A_642 = tpu.dynamic_gather %add3A_636[%gather3A_641] in [0] : vector<16xf32>, vector<16xi32> -> vector<16xf32>
    %add3A_643 = arith.addf %add3A_636, %gather3A_642 : vector<16xf32>
    %xor3A_644 = arith.constant 2 : i32
    %xor3A_645 = vector.broadcast %xor3A_644 : i32 to vector<16xi32>
    %xor3A_646 = arith.xori %iota3A_629, %xor3A_645 : vector<16xi32>
    %broadcast_in_dim3A_647 = vector.shape_cast %xor3A_646 : vector<16xi32> to vector<16x1xi32>
    %gather3A_648 = vector.shape_cast %broadcast_in_dim3A_647 : vector<16x1xi32> to vector<16xi32>
    %gather3A_649 = tpu.dynamic_gather %add3A_643[%gather3A_648] in [0] : vector<16xf32>, vector<16xi32> -> vector<16xf32>
    %add3A_650 = arith.addf %add3A_643, %gather3A_649 : vector<16xf32>
    %xor3A_651 = arith.constant 1 : i32
    %xor3A_652 = vector.broadcast %xor3A_651 : i32 to vector<16xi32>
    %xor3A_653 = arith.xori %iota3A_629, %xor3A_652 : vector<16xi32>
    %broadcast_in_dim3A_654 = vector.shape_cast %xor3A_653 : vector<16xi32> to vector<16x1xi32>
    %gather3A_655 = vector.shape_cast %broadcast_in_dim3A_654 : vector<16x1xi32> to vector<16xi32>
    %gather3A_656 = tpu.dynamic_gather %add3A_650[%gather3A_655] in [0] : vector<16xf32>, vector<16xi32> -> vector<16xf32>
    %add3A_657 = arith.addf %add3A_650, %gather3A_656 : vector<16xf32>
    %select_n3A_658 = arith.select %eq3A_597, %add3A_657, %broadcast_in_dim3A_0 : vector<16xi1>, vector<16xf32>
    %add3A_659 = arith.addf %add3A_594, %select_n3A_658 : vector<16xf32>
    %swap3A = arith.constant 0 : index
    %swap3A_660 = tpu.vector_load %arg6[%swap3A] {strides = array<i32>} : memref<32xf32, #tpu.memory_space<vmem>>, vector<16xf32>,
    %swap3A_661 = vector.shape_cast %swap3A_660 : vector<16xf32> to vector<16xf32>
    %swap3A_662 = vector.shape_cast %add3A_628 : vector<16xf32> to vector<16xf32>
    tpu.vector_store %arg6[%swap3A], %swap3A_662 {strides = array<i32>} : memref<32xf32, #tpu.memory_space<vmem>>, vector<16xf32>,
    %swap3A_663 = arith.constant 16 : index
    %swap3A_664 = tpu.vector_load %arg6[%swap3A_663] {strides = array<i32>} : memref<32xf32, #tpu.memory_space<vmem>>, vector<16xf32>,
    %swap3A_665 = vector.shape_cast %swap3A_664 : vector<16xf32> to vector<16xf32>
    %swap3A_666 = vector.shape_cast %add3A_659 : vector<16xf32> to vector<16xf32>
    tpu.vector_store %arg6[%swap3A_663], %swap3A_666 {strides = array<i32>} : memref<32xf32, #tpu.memory_space<vmem>>, vector<16xf32>,
    "tpu.region"() ({
      %run_scoped3A = tpu.sem_alloc : memref<!tpu.dma_semaphore, #tpu.memory_space<semaphore_mem>>
      %dma_start3A_670 = arith.constant 0 : i32
      %dma_start3A_671 = tpu.memref_slice %arg5[%arg1, %dma_start3A_670] : memref<16x32xf32, #tpu.memory_space<hbm>> -> memref<1x32xf32, #tpu.memory_space<hbm>>
      %dma_start3A_672 = tpu.memref_squeeze %dma_start3A_671 : memref<1x32xf32, #tpu.memory_space<hbm>> -> memref<32xf32, #tpu.memory_space<hbm>>
      %dma_start3A_673 = arith.constant 0 : i32
      %dma_start3A_674 = tpu.memref_slice %arg5[%arg1, %dma_start3A_673] : memref<16x32xf32, #tpu.memory_space<hbm>> -> memref<1x32xf32, #tpu.memory_space<hbm>>
      %dma_start3A_675 = tpu.memref_squeeze %dma_start3A_674 : memref<1x32xf32, #tpu.memory_space<hbm>> -> memref<32xf32, #tpu.memory_space<hbm>>
      tpu.enqueue_dma source(%arg6 : memref<32xf32, #tpu.memory_space<vmem>>) target(%dma_start3A_675 : memref<32xf32, #tpu.memory_space<hbm>>) target_semaphore(%run_scoped3A : memref<!tpu.dma_semaphore, #tpu.memory_space<semaphore_mem>>)
      %dma_wait3A_676 = arith.constant 0 : i32
      %dma_wait3A_677 = tpu.memref_slice %arg5[%arg1, %dma_wait3A_676] : memref<16x32xf32, #tpu.memory_space<hbm>> -> memref<1x32xf32, #tpu.memory_space<hbm>>
      %dma_wait3A_678 = tpu.memref_squeeze %dma_wait3A_677 : memref<1x32xf32, #tpu.memory_space<hbm>> -> memref<32xf32, #tpu.memory_space<hbm>>
      %dma_wait3A_679 = arith.constant 0 : i32
      %dma_wait3A_680 = tpu.memref_slice %arg5[%arg1, %dma_wait3A_679] : memref<16x32xf32, #tpu.memory_space<hbm>> -> memref<1x32xf32, #tpu.memory_space<hbm>>
      %dma_wait3A_681 = tpu.memref_squeeze %dma_wait3A_680 : memref<1x32xf32, #tpu.memory_space<hbm>> -> memref<32xf32, #tpu.memory_space<hbm>>
      tpu.wait_dma2 semaphore(%run_scoped3A : memref<!tpu.dma_semaphore, #tpu.memory_space<semaphore_mem>>) src(%arg6 : memref<32xf32, #tpu.memory_space<vmem>>) dst(%dma_wait3A_681 : memref<32xf32, #tpu.memory_space<hbm>>)
      tpu.yield
    }) : () -> ()
    %barrier3A = arith.constant 0 : index
    tpu.barrier barrier_id(%barrier3A)
    %eq3A_667 = arith.constant 0 : i32
    %eq3A_668 = arith.cmpi eq, %arg1, %eq3A_667 : i32
    %convert_element_type3A = arith.extui %eq3A_668 : i1 to i32
    %cond3A = arith.constant 0 : i32
    %cond3A_669 = arith.cmpi ne, %convert_element_type3A, %cond3A : i32
    scf.if %cond3A_669 {
      tpu.enqueue_dma source(%arg5 : memref<16x32xf32, #tpu.memory_space<hbm>>) target(%arg9 : memref<16x32xf32, #tpu.memory_space<vmem>>) target_semaphore(%arg11 : memref<!tpu.dma_semaphore, #tpu.memory_space<semaphore_mem>>)
      tpu.wait_dma2 semaphore(%arg11 : memref<!tpu.dma_semaphore, #tpu.memory_space<semaphore_mem>>) src(%arg5 : memref<16x32xf32, #tpu.memory_space<hbm>>) dst(%arg9 : memref<16x32xf32, #tpu.memory_space<vmem>>)
      %broadcast_in_dim3A_670 = arith.constant 0.000000e+00 : f32
      %broadcast_in_dim3A_671 = vector.broadcast %broadcast_in_dim3A_670 : f32 to vector<16xf32>
      %broadcast_in_dim3A_672 = arith.constant 0.000000e+00 : f32
      %broadcast_in_dim3A_673 = vector.broadcast %broadcast_in_dim3A_672 : f32 to vector<16xf32>
      %get3A = arith.constant 0 : i32
      %get3A_674 = arith.index_cast %get3A : i32 to index
      %get3A_675 = arith.constant 0 : index
      %get3A_676 = tpu.vector_load %arg9[%get3A_674, %get3A_675] {strides = array<i32>} : memref<16x32xf32, #tpu.memory_space<vmem>>, vector<1x16xf32>,
      %get3A_677 = vector.shape_cast %get3A_676 : vector<1x16xf32> to vector<16xf32>
      %add3A_678 = arith.addf %broadcast_in_dim3A_671, %get3A_677 : vector<16xf32>
      %get3A_679 = arith.constant 0 : i32
      %get3A_680 = arith.index_cast %get3A_679 : i32 to index
      %get3A_681 = arith.constant 16 : index
      %get3A_682 = tpu.vector_load %arg9[%get3A_680, %get3A_681] {strides = array<i32>} : memref<16x32xf32, #tpu.memory_space<vmem>>, vector<1x16xf32>,
      %get3A_683 = vector.shape_cast %get3A_682 : vector<1x16xf32> to vector<16xf32>
      %add3A_684 = arith.addf %broadcast_in_dim3A_673, %get3A_683 : vector<16xf32>
      %get3A_685 = arith.constant 1 : i32
      %get3A_686 = arith.index_cast %get3A_685 : i32 to index
      %get3A_687 = arith.constant 0 : index
      %get3A_688 = tpu.vector_load %arg9[%get3A_686, %get3A_687] {strides = array<i32>} : memref<16x32xf32, #tpu.memory_space<vmem>>, vector<1x16xf32>,
      %get3A_689 = vector.shape_cast %get3A_688 : vector<1x16xf32> to vector<16xf32>
      %add3A_690 = arith.addf %add3A_678, %get3A_689 : vector<16xf32>
      %get3A_691 = arith.constant 1 : i32
      %get3A_692 = arith.index_cast %get3A_691 : i32 to index
      %get3A_693 = arith.constant 16 : index
      %get3A_694 = tpu.vector_load %arg9[%get3A_692, %get3A_693] {strides = array<i32>} : memref<16x32xf32, #tpu.memory_space<vmem>>, vector<1x16xf32>,
      %get3A_695 = vector.shape_cast %get3A_694 : vector<1x16xf32> to vector<16xf32>
      %add3A_696 = arith.addf %add3A_684, %get3A_695 : vector<16xf32>
      %get3A_697 = arith.constant 2 : i32
      %get3A_698 = arith.index_cast %get3A_697 : i32 to index
      %get3A_699 = arith.constant 0 : index
      %get3A_700 = tpu.vector_load %arg9[%get3A_698, %get3A_699] {strides = array<i32>} : memref<16x32xf32, #tpu.memory_space<vmem>>, vector<1x16xf32>,
      %get3A_701 = vector.shape_cast %get3A_700 : vector<1x16xf32> to vector<16xf32>
      %add3A_702 = arith.addf %add3A_690, %get3A_701 : vector<16xf32>
      %get3A_703 = arith.constant 2 : i32
      %get3A_704 = arith.index_cast %get3A_703 : i32 to index
      %get3A_705 = arith.constant 16 : index
      %get3A_706 = tpu.vector_load %arg9[%get3A_704, %get3A_705] {strides = array<i32>} : memref<16x32xf32, #tpu.memory_space<vmem>>, vector<1x16xf32>,
      %get3A_707 = vector.shape_cast %get3A_706 : vector<1x16xf32> to vector<16xf32>
      %add3A_708 = arith.addf %add3A_696, %get3A_707 : vector<16xf32>
      %get3A_709 = arith.constant 3 : i32
      %get3A_710 = arith.index_cast %get3A_709 : i32 to index
      %get3A_711 = arith.constant 0 : index
      %get3A_712 = tpu.vector_load %arg9[%get3A_710, %get3A_711] {strides = array<i32>} : memref<16x32xf32, #tpu.memory_space<vmem>>, vector<1x16xf32>,
      %get3A_713 = vector.shape_cast %get3A_712 : vector<1x16xf32> to vector<16xf32>
      %add3A_714 = arith.addf %add3A_702, %get3A_713 : vector<16xf32>
      %get3A_715 = arith.constant 3 : i32
      %get3A_716 = arith.index_cast %get3A_715 : i32 to index
      %get3A_717 = arith.constant 16 : index
      %get3A_718 = tpu.vector_load %arg9[%get3A_716, %get3A_717] {strides = array<i32>} : memref<16x32xf32, #tpu.memory_space<vmem>>, vector<1x16xf32>,
      %get3A_719 = vector.shape_cast %get3A_718 : vector<1x16xf32> to vector<16xf32>
      %add3A_720 = arith.addf %add3A_708, %get3A_719 : vector<16xf32>
      %get3A_721 = arith.constant 4 : i32
      %get3A_722 = arith.index_cast %get3A_721 : i32 to index
      %get3A_723 = arith.constant 0 : index
      %get3A_724 = tpu.vector_load %arg9[%get3A_722, %get3A_723] {strides = array<i32>} : memref<16x32xf32, #tpu.memory_space<vmem>>, vector<1x16xf32>,
      %get3A_725 = vector.shape_cast %get3A_724 : vector<1x16xf32> to vector<16xf32>
      %add3A_726 = arith.addf %add3A_714, %get3A_725 : vector<16xf32>
      %get3A_727 = arith.constant 4 : i32
      %get3A_728 = arith.index_cast %get3A_727 : i32 to index
      %get3A_729 = arith.constant 16 : index
      %get3A_730 = tpu.vector_load %arg9[%get3A_728, %get3A_729] {strides = array<i32>} : memref<16x32xf32, #tpu.memory_space<vmem>>, vector<1x16xf32>,
      %get3A_731 = vector.shape_cast %get3A_730 : vector<1x16xf32> to vector<16xf32>
      %add3A_732 = arith.addf %add3A_720, %get3A_731 : vector<16xf32>
      %get3A_733 = arith.constant 5 : i32
      %get3A_734 = arith.index_cast %get3A_733 : i32 to index
      %get3A_735 = arith.constant 0 : index
      %get3A_736 = tpu.vector_load %arg9[%get3A_734, %get3A_735] {strides = array<i32>} : memref<16x32xf32, #tpu.memory_space<vmem>>, vector<1x16xf32>,
      %get3A_737 = vector.shape_cast %get3A_736 : vector<1x16xf32> to vector<16xf32>
      %add3A_738 = arith.addf %add3A_726, %get3A_737 : vector<16xf32>
      %get3A_739 = arith.constant 5 : i32
      %get3A_740 = arith.index_cast %get3A_739 : i32 to index
      %get3A_741 = arith.constant 16 : index
      %get3A_742 = tpu.vector_load %arg9[%get3A_740, %get3A_741] {strides = array<i32>} : memref<16x32xf32, #tpu.memory_space<vmem>>, vector<1x16xf32>,
      %get3A_743 = vector.shape_cast %get3A_742 : vector<1x16xf32> to vector<16xf32>
      %add3A_744 = arith.addf %add3A_732, %get3A_743 : vector<16xf32>
      %get3A_745 = arith.constant 6 : i32
      %get3A_746 = arith.index_cast %get3A_745 : i32 to index
      %get3A_747 = arith.constant 0 : index
      %get3A_748 = tpu.vector_load %arg9[%get3A_746, %get3A_747] {strides = array<i32>} : memref<16x32xf32, #tpu.memory_space<vmem>>, vector<1x16xf32>,
      %get3A_749 = vector.shape_cast %get3A_748 : vector<1x16xf32> to vector<16xf32>
      %add3A_750 = arith.addf %add3A_738, %get3A_749 : vector<16xf32>
      %get3A_751 = arith.constant 6 : i32
      %get3A_752 = arith.index_cast %get3A_751 : i32 to index
      %get3A_753 = arith.constant 16 : index
      %get3A_754 = tpu.vector_load %arg9[%get3A_752, %get3A_753] {strides = array<i32>} : memref<16x32xf32, #tpu.memory_space<vmem>>, vector<1x16xf32>,
      %get3A_755 = vector.shape_cast %get3A_754 : vector<1x16xf32> to vector<16xf32>
      %add3A_756 = arith.addf %add3A_744, %get3A_755 : vector<16xf32>
      %get3A_757 = arith.constant 7 : i32
      %get3A_758 = arith.index_cast %get3A_757 : i32 to index
      %get3A_759 = arith.constant 0 : index
      %get3A_760 = tpu.vector_load %arg9[%get3A_758, %get3A_759] {strides = array<i32>} : memref<16x32xf32, #tpu.memory_space<vmem>>, vector<1x16xf32>,
      %get3A_761 = vector.shape_cast %get3A_760 : vector<1x16xf32> to vector<16xf32>
      %add3A_762 = arith.addf %add3A_750, %get3A_761 : vector<16xf32>
      %get3A_763 = arith.constant 7 : i32
      %get3A_764 = arith.index_cast %get3A_763 : i32 to index
      %get3A_765 = arith.constant 16 : index
      %get3A_766 = tpu.vector_load %arg9[%get3A_764, %get3A_765] {strides = array<i32>} : memref<16x32xf32, #tpu.memory_space<vmem>>, vector<1x16xf32>,
      %get3A_767 = vector.shape_cast %get3A_766 : vector<1x16xf32> to vector<16xf32>
      %add3A_768 = arith.addf %add3A_756, %get3A_767 : vector<16xf32>
      %get3A_769 = arith.constant 8 : i32
      %get3A_770 = arith.index_cast %get3A_769 : i32 to index
      %get3A_771 = arith.constant 0 : index
      %get3A_772 = tpu.vector_load %arg9[%get3A_770, %get3A_771] {strides = array<i32>} : memref<16x32xf32, #tpu.memory_space<vmem>>, vector<1x16xf32>,
      %get3A_773 = vector.shape_cast %get3A_772 : vector<1x16xf32> to vector<16xf32>
      %add3A_774 = arith.addf %add3A_762, %get3A_773 : vector<16xf32>
      %get3A_775 = arith.constant 8 : i32
      %get3A_776 = arith.index_cast %get3A_775 : i32 to index
      %get3A_777 = arith.constant 16 : index
      %get3A_778 = tpu.vector_load %arg9[%get3A_776, %get3A_777] {strides = array<i32>} : memref<16x32xf32, #tpu.memory_space<vmem>>, vector<1x16xf32>,
      %get3A_779 = vector.shape_cast %get3A_778 : vector<1x16xf32> to vector<16xf32>
      %add3A_780 = arith.addf %add3A_768, %get3A_779 : vector<16xf32>
      %get3A_781 = arith.constant 9 : i32
      %get3A_782 = arith.index_cast %get3A_781 : i32 to index
      %get3A_783 = arith.constant 0 : index
      %get3A_784 = tpu.vector_load %arg9[%get3A_782, %get3A_783] {strides = array<i32>} : memref<16x32xf32, #tpu.memory_space<vmem>>, vector<1x16xf32>,
      %get3A_785 = vector.shape_cast %get3A_784 : vector<1x16xf32> to vector<16xf32>
      %add3A_786 = arith.addf %add3A_774, %get3A_785 : vector<16xf32>
      %get3A_787 = arith.constant 9 : i32
      %get3A_788 = arith.index_cast %get3A_787 : i32 to index
      %get3A_789 = arith.constant 16 : index
      %get3A_790 = tpu.vector_load %arg9[%get3A_788, %get3A_789] {strides = array<i32>} : memref<16x32xf32, #tpu.memory_space<vmem>>, vector<1x16xf32>,
      %get3A_791 = vector.shape_cast %get3A_790 : vector<1x16xf32> to vector<16xf32>
      %add3A_792 = arith.addf %add3A_780, %get3A_791 : vector<16xf32>
      %get3A_793 = arith.constant 10 : i32
      %get3A_794 = arith.index_cast %get3A_793 : i32 to index
      %get3A_795 = arith.constant 0 : index
      %get3A_796 = tpu.vector_load %arg9[%get3A_794, %get3A_795] {strides = array<i32>} : memref<16x32xf32, #tpu.memory_space<vmem>>, vector<1x16xf32>,
      %get3A_797 = vector.shape_cast %get3A_796 : vector<1x16xf32> to vector<16xf32>
      %add3A_798 = arith.addf %add3A_786, %get3A_797 : vector<16xf32>
      %get3A_799 = arith.constant 10 : i32
      %get3A_800 = arith.index_cast %get3A_799 : i32 to index
      %get3A_801 = arith.constant 16 : index
      %get3A_802 = tpu.vector_load %arg9[%get3A_800, %get3A_801] {strides = array<i32>} : memref<16x32xf32, #tpu.memory_space<vmem>>, vector<1x16xf32>,
      %get3A_803 = vector.shape_cast %get3A_802 : vector<1x16xf32> to vector<16xf32>
      %add3A_804 = arith.addf %add3A_792, %get3A_803 : vector<16xf32>
      %get3A_805 = arith.constant 11 : i32
      %get3A_806 = arith.index_cast %get3A_805 : i32 to index
      %get3A_807 = arith.constant 0 : index
      %get3A_808 = tpu.vector_load %arg9[%get3A_806, %get3A_807] {strides = array<i32>} : memref<16x32xf32, #tpu.memory_space<vmem>>, vector<1x16xf32>,
      %get3A_809 = vector.shape_cast %get3A_808 : vector<1x16xf32> to vector<16xf32>
      %add3A_810 = arith.addf %add3A_798, %get3A_809 : vector<16xf32>
      %get3A_811 = arith.constant 11 : i32
      %get3A_812 = arith.index_cast %get3A_811 : i32 to index
      %get3A_813 = arith.constant 16 : index
      %get3A_814 = tpu.vector_load %arg9[%get3A_812, %get3A_813] {strides = array<i32>} : memref<16x32xf32, #tpu.memory_space<vmem>>, vector<1x16xf32>,
      %get3A_815 = vector.shape_cast %get3A_814 : vector<1x16xf32> to vector<16xf32>
      %add3A_816 = arith.addf %add3A_804, %get3A_815 : vector<16xf32>
      %get3A_817 = arith.constant 12 : i32
      %get3A_818 = arith.index_cast %get3A_817 : i32 to index
      %get3A_819 = arith.constant 0 : index
      %get3A_820 = tpu.vector_load %arg9[%get3A_818, %get3A_819] {strides = array<i32>} : memref<16x32xf32, #tpu.memory_space<vmem>>, vector<1x16xf32>,
      %get3A_821 = vector.shape_cast %get3A_820 : vector<1x16xf32> to vector<16xf32>
      %add3A_822 = arith.addf %add3A_810, %get3A_821 : vector<16xf32>
      %get3A_823 = arith.constant 12 : i32
      %get3A_824 = arith.index_cast %get3A_823 : i32 to index
      %get3A_825 = arith.constant 16 : index
      %get3A_826 = tpu.vector_load %arg9[%get3A_824, %get3A_825] {strides = array<i32>} : memref<16x32xf32, #tpu.memory_space<vmem>>, vector<1x16xf32>,
      %get3A_827 = vector.shape_cast %get3A_826 : vector<1x16xf32> to vector<16xf32>
      %add3A_828 = arith.addf %add3A_816, %get3A_827 : vector<16xf32>
      %get3A_829 = arith.constant 13 : i32
      %get3A_830 = arith.index_cast %get3A_829 : i32 to index
      %get3A_831 = arith.constant 0 : index
      %get3A_832 = tpu.vector_load %arg9[%get3A_830, %get3A_831] {strides = array<i32>} : memref<16x32xf32, #tpu.memory_space<vmem>>, vector<1x16xf32>,
      %get3A_833 = vector.shape_cast %get3A_832 : vector<1x16xf32> to vector<16xf32>
      %add3A_834 = arith.addf %add3A_822, %get3A_833 : vector<16xf32>
      %get3A_835 = arith.constant 13 : i32
      %get3A_836 = arith.index_cast %get3A_835 : i32 to index
      %get3A_837 = arith.constant 16 : index
      %get3A_838 = tpu.vector_load %arg9[%get3A_836, %get3A_837] {strides = array<i32>} : memref<16x32xf32, #tpu.memory_space<vmem>>, vector<1x16xf32>,
      %get3A_839 = vector.shape_cast %get3A_838 : vector<1x16xf32> to vector<16xf32>
      %add3A_840 = arith.addf %add3A_828, %get3A_839 : vector<16xf32>
      %get3A_841 = arith.constant 14 : i32
      %get3A_842 = arith.index_cast %get3A_841 : i32 to index
      %get3A_843 = arith.constant 0 : index
      %get3A_844 = tpu.vector_load %arg9[%get3A_842, %get3A_843] {strides = array<i32>} : memref<16x32xf32, #tpu.memory_space<vmem>>, vector<1x16xf32>,
      %get3A_845 = vector.shape_cast %get3A_844 : vector<1x16xf32> to vector<16xf32>
      %add3A_846 = arith.addf %add3A_834, %get3A_845 : vector<16xf32>
      %get3A_847 = arith.constant 14 : i32
      %get3A_848 = arith.index_cast %get3A_847 : i32 to index
      %get3A_849 = arith.constant 16 : index
      %get3A_850 = tpu.vector_load %arg9[%get3A_848, %get3A_849] {strides = array<i32>} : memref<16x32xf32, #tpu.memory_space<vmem>>, vector<1x16xf32>,
      %get3A_851 = vector.shape_cast %get3A_850 : vector<1x16xf32> to vector<16xf32>
      %add3A_852 = arith.addf %add3A_840, %get3A_851 : vector<16xf32>
      %get3A_853 = arith.constant 15 : i32
      %get3A_854 = arith.index_cast %get3A_853 : i32 to index
      %get3A_855 = arith.constant 0 : index
      %get3A_856 = tpu.vector_load %arg9[%get3A_854, %get3A_855] {strides = array<i32>} : memref<16x32xf32, #tpu.memory_space<vmem>>, vector<1x16xf32>,
      %get3A_857 = vector.shape_cast %get3A_856 : vector<1x16xf32> to vector<16xf32>
      %add3A_858 = arith.addf %add3A_846, %get3A_857 : vector<16xf32>
      %get3A_859 = arith.constant 15 : i32
      %get3A_860 = arith.index_cast %get3A_859 : i32 to index
      %get3A_861 = arith.constant 16 : index
      %get3A_862 = tpu.vector_load %arg9[%get3A_860, %get3A_861] {strides = array<i32>} : memref<16x32xf32, #tpu.memory_space<vmem>>, vector<1x16xf32>,
      %get3A_863 = vector.shape_cast %get3A_862 : vector<1x16xf32> to vector<16xf32>
      %add3A_864 = arith.addf %add3A_852, %get3A_863 : vector<16xf32>
      %max3A = arith.constant 9.99999997E-7 : f32
      %max3A_865 = vector.broadcast %max3A : f32 to vector<16xf32>
      %max3A_866 = arith.maximumf %add3A_858, %max3A_865 : vector<16xf32>
      %div3A = arith.divf %add3A_864, %max3A_866 : vector<16xf32>
      %iota3A_867 = tpu.iota {dimensions = array<i32: 0>} : vector<16xi32>
      %xor3A_868 = arith.constant 8 : i32
      %xor3A_869 = vector.broadcast %xor3A_868 : i32 to vector<16xi32>
      %xor3A_870 = arith.xori %iota3A_867, %xor3A_869 : vector<16xi32>
      %broadcast_in_dim3A_871 = vector.shape_cast %xor3A_870 : vector<16xi32> to vector<16x1xi32>
      %gather3A_872 = vector.shape_cast %broadcast_in_dim3A_871 : vector<16x1xi32> to vector<16xi32>
      %gather3A_873 = tpu.dynamic_gather %div3A[%gather3A_872] in [0] : vector<16xf32>, vector<16xi32> -> vector<16xf32>
      %add3A_874 = arith.addf %div3A, %gather3A_873 : vector<16xf32>
      %xor3A_875 = arith.constant 4 : i32
      %xor3A_876 = vector.broadcast %xor3A_875 : i32 to vector<16xi32>
      %xor3A_877 = arith.xori %iota3A_867, %xor3A_876 : vector<16xi32>
      %broadcast_in_dim3A_878 = vector.shape_cast %xor3A_877 : vector<16xi32> to vector<16x1xi32>
      %gather3A_879 = vector.shape_cast %broadcast_in_dim3A_878 : vector<16x1xi32> to vector<16xi32>
      %gather3A_880 = tpu.dynamic_gather %add3A_874[%gather3A_879] in [0] : vector<16xf32>, vector<16xi32> -> vector<16xf32>
      %add3A_881 = arith.addf %add3A_874, %gather3A_880 : vector<16xf32>
      %xor3A_882 = arith.constant 2 : i32
      %xor3A_883 = vector.broadcast %xor3A_882 : i32 to vector<16xi32>
      %xor3A_884 = arith.xori %iota3A_867, %xor3A_883 : vector<16xi32>
      %broadcast_in_dim3A_885 = vector.shape_cast %xor3A_884 : vector<16xi32> to vector<16x1xi32>
      %gather3A_886 = vector.shape_cast %broadcast_in_dim3A_885 : vector<16x1xi32> to vector<16xi32>
      %gather3A_887 = tpu.dynamic_gather %add3A_881[%gather3A_886] in [0] : vector<16xf32>, vector<16xi32> -> vector<16xf32>
      %add3A_888 = arith.addf %add3A_881, %gather3A_887 : vector<16xf32>
      %xor3A_889 = arith.constant 1 : i32
      %xor3A_890 = vector.broadcast %xor3A_889 : i32 to vector<16xi32>
      %xor3A_891 = arith.xori %iota3A_867, %xor3A_890 : vector<16xi32>
      %broadcast_in_dim3A_892 = vector.shape_cast %xor3A_891 : vector<16xi32> to vector<16x1xi32>
      %gather3A_893 = vector.shape_cast %broadcast_in_dim3A_892 : vector<16x1xi32> to vector<16xi32>
      %gather3A_894 = tpu.dynamic_gather %add3A_888[%gather3A_893] in [0] : vector<16xf32>, vector<16xi32> -> vector<16xf32>
      %add3A_895 = arith.addf %add3A_888, %gather3A_894 : vector<16xf32>
      %swap3A_896 = arith.constant 0 : index
      %swap3A_897 = tpu.vector_load %arg10[%swap3A_896] {strides = array<i32>} : memref<16xf32, #tpu.memory_space<vmem>>, vector<16xf32>,
      %swap3A_898 = vector.shape_cast %swap3A_897 : vector<16xf32> to vector<16xf32>
      %swap3A_899 = vector.shape_cast %add3A_895 : vector<16xf32> to vector<16xf32>
      tpu.vector_store %arg10[%swap3A_896], %swap3A_899 {strides = array<i32>} : memref<16xf32, #tpu.memory_space<vmem>>, vector<16xf32>,
      "tpu.region"() ({
        %run_scoped3A = tpu.sem_alloc : memref<!tpu.dma_semaphore, #tpu.memory_space<semaphore_mem>>
        tpu.enqueue_dma source(%arg10 : memref<16xf32, #tpu.memory_space<vmem>>) target(%arg4 : memref<16xf32, #tpu.memory_space<hbm>>) target_semaphore(%run_scoped3A : memref<!tpu.dma_semaphore, #tpu.memory_space<semaphore_mem>>)
        tpu.wait_dma2 semaphore(%run_scoped3A : memref<!tpu.dma_semaphore, #tpu.memory_space<semaphore_mem>>) src(%arg10 : memref<16xf32, #tpu.memory_space<vmem>>) dst(%arg4 : memref<16xf32, #tpu.memory_space<hbm>>)
        tpu.yield
      }) : () -> ()
    } else {
    }
    return
  }
}

module attributes {stable_mosaic.version = 14 : i64} {
  func.func @_row_stats_body(%arg0: i32, %arg1: memref<1000x2048xf32, #tpu.memory_space<vmem>>, %arg2: memref<1x1x2048xi32, #tpu.memory_space<vmem>>, %arg3: memref<1x1x2048xf32, #tpu.memory_space<vmem>>, %arg4: memref<1x1x2048xf32, #tpu.memory_space<vmem>>) attributes {dimension_semantics = [#tpu.dimension_semantics<arbitrary>], iteration_bounds = array<i64: 8>, scalar_prefetch = 0 : i64, scratch_operands = 0 : i64, tpu.core_type = #tpu.core_type<tc>, window_params = [{transform_indices = @transform_0, window_bounds = array<i64: 1000, 2048>}, {transform_indices = @transform_1, window_bounds = array<i64: 1, 1, 2048>}, {transform_indices = @transform_2, window_bounds = array<i64: 1, 1, 2048>}, {transform_indices = @transform_3, window_bounds = array<i64: 1, 1, 2048>}]} {
    %get3A = arith.constant 0 : index
    %get3A_0 = arith.constant 0 : index
    %get3A_1 = arith.constant 0 : index
    %get3A_2 = vector.load %arg2[%get3A, %get3A_0, %get3A_1] : memref<1x1x2048xi32, #tpu.memory_space<vmem>>, vector<1x1x2048xi32>
    %get3A_3 = vector.shape_cast %get3A_2 : vector<1x1x2048xi32> to vector<2048xi32>
    %iota3A = tpu.iota {dimensions = array<i32: 0>} : vector<8x2048xi32>
    %broadcast_in_dim3A = arith.constant 0.000000e+00 : f32
    %broadcast_in_dim3A_4 = vector.broadcast %broadcast_in_dim3A : f32 to vector<8x2048xf32>
    %broadcast_in_dim3A_5 = arith.constant 0.000000e+00 : f32
    %broadcast_in_dim3A_6 = vector.broadcast %broadcast_in_dim3A_5 : f32 to vector<8x2048xf32>
    %get3A_7 = arith.constant 0 : index
    %get3A_8 = arith.constant 0 : index
    %get3A_9 = vector.load %arg1[%get3A_7, %get3A_8] : memref<1000x2048xf32, #tpu.memory_space<vmem>>, vector<8x2048xf32>
    %exp3A = math.exp %get3A_9 : vector<8x2048xf32>
    %add3A = arith.addf %broadcast_in_dim3A_4, %exp3A : vector<8x2048xf32>
    %sub3A = arith.constant 0 : i32
    %sub3A_10 = vector.broadcast %sub3A : i32 to vector<2048xi32>
    %sub3A_11 = arith.subi %get3A_3, %sub3A_10 : vector<2048xi32>
    %broadcast_in_dim3A_12 = vector.shape_cast %sub3A_11 : vector<2048xi32> to vector<1x2048xi32>
    %eq3A = vector.broadcast %broadcast_in_dim3A_12 : vector<1x2048xi32> to vector<8x2048xi32>
    %eq3A_13 = arith.cmpi eq, %iota3A, %eq3A : vector<8x2048xi32>
    %jit3A = arith.constant 0.000000e+00 : f32
    %broadcast_in_dim3A_14 = vector.broadcast %jit3A : f32 to vector<8x2048xf32>
    %select_n3A = arith.select %eq3A_13, %get3A_9, %broadcast_in_dim3A_14 : vector<8x2048xi1>, vector<8x2048xf32>
    %add3A_15 = arith.addf %broadcast_in_dim3A_6, %select_n3A : vector<8x2048xf32>
    %get3A_16 = arith.constant 8 : index
    %get3A_17 = arith.constant 0 : index
    %get3A_18 = vector.load %arg1[%get3A_16, %get3A_17] : memref<1000x2048xf32, #tpu.memory_space<vmem>>, vector<8x2048xf32>
    %exp3A_19 = math.exp %get3A_18 : vector<8x2048xf32>
    %add3A_20 = arith.addf %add3A, %exp3A_19 : vector<8x2048xf32>
    %sub3A_21 = arith.constant 8 : i32
    %sub3A_22 = vector.broadcast %sub3A_21 : i32 to vector<2048xi32>
    %sub3A_23 = arith.subi %get3A_3, %sub3A_22 : vector<2048xi32>
    %broadcast_in_dim3A_24 = vector.shape_cast %sub3A_23 : vector<2048xi32> to vector<1x2048xi32>
    %eq3A_25 = vector.broadcast %broadcast_in_dim3A_24 : vector<1x2048xi32> to vector<8x2048xi32>
    %eq3A_26 = arith.cmpi eq, %iota3A, %eq3A_25 : vector<8x2048xi32>
    %jit3A_27 = arith.constant 0.000000e+00 : f32
    %broadcast_in_dim3A_28 = vector.broadcast %jit3A_27 : f32 to vector<8x2048xf32>
    %select_n3A_29 = arith.select %eq3A_26, %get3A_18, %broadcast_in_dim3A_28 : vector<8x2048xi1>, vector<8x2048xf32>
    %add3A_30 = arith.addf %add3A_15, %select_n3A_29 : vector<8x2048xf32>
    %get3A_31 = arith.constant 16 : index
    %get3A_32 = arith.constant 0 : index
    %get3A_33 = vector.load %arg1[%get3A_31, %get3A_32] : memref<1000x2048xf32, #tpu.memory_space<vmem>>, vector<8x2048xf32>
    %exp3A_34 = math.exp %get3A_33 : vector<8x2048xf32>
    %add3A_35 = arith.addf %add3A_20, %exp3A_34 : vector<8x2048xf32>
    %sub3A_36 = arith.constant 16 : i32
    %sub3A_37 = vector.broadcast %sub3A_36 : i32 to vector<2048xi32>
    %sub3A_38 = arith.subi %get3A_3, %sub3A_37 : vector<2048xi32>
    %broadcast_in_dim3A_39 = vector.shape_cast %sub3A_38 : vector<2048xi32> to vector<1x2048xi32>
    %eq3A_40 = vector.broadcast %broadcast_in_dim3A_39 : vector<1x2048xi32> to vector<8x2048xi32>
    %eq3A_41 = arith.cmpi eq, %iota3A, %eq3A_40 : vector<8x2048xi32>
    %jit3A_42 = arith.constant 0.000000e+00 : f32
    %broadcast_in_dim3A_43 = vector.broadcast %jit3A_42 : f32 to vector<8x2048xf32>
    %select_n3A_44 = arith.select %eq3A_41, %get3A_33, %broadcast_in_dim3A_43 : vector<8x2048xi1>, vector<8x2048xf32>
    %add3A_45 = arith.addf %add3A_30, %select_n3A_44 : vector<8x2048xf32>
    %get3A_46 = arith.constant 24 : index
    %get3A_47 = arith.constant 0 : index
    %get3A_48 = vector.load %arg1[%get3A_46, %get3A_47] : memref<1000x2048xf32, #tpu.memory_space<vmem>>, vector<8x2048xf32>
    %exp3A_49 = math.exp %get3A_48 : vector<8x2048xf32>
    %add3A_50 = arith.addf %add3A_35, %exp3A_49 : vector<8x2048xf32>
    %sub3A_51 = arith.constant 24 : i32
    %sub3A_52 = vector.broadcast %sub3A_51 : i32 to vector<2048xi32>
    %sub3A_53 = arith.subi %get3A_3, %sub3A_52 : vector<2048xi32>
    %broadcast_in_dim3A_54 = vector.shape_cast %sub3A_53 : vector<2048xi32> to vector<1x2048xi32>
    %eq3A_55 = vector.broadcast %broadcast_in_dim3A_54 : vector<1x2048xi32> to vector<8x2048xi32>
    %eq3A_56 = arith.cmpi eq, %iota3A, %eq3A_55 : vector<8x2048xi32>
    %jit3A_57 = arith.constant 0.000000e+00 : f32
    %broadcast_in_dim3A_58 = vector.broadcast %jit3A_57 : f32 to vector<8x2048xf32>
    %select_n3A_59 = arith.select %eq3A_56, %get3A_48, %broadcast_in_dim3A_58 : vector<8x2048xi1>, vector<8x2048xf32>
    %add3A_60 = arith.addf %add3A_45, %select_n3A_59 : vector<8x2048xf32>
    %get3A_61 = arith.constant 32 : index
    %get3A_62 = arith.constant 0 : index
    %get3A_63 = vector.load %arg1[%get3A_61, %get3A_62] : memref<1000x2048xf32, #tpu.memory_space<vmem>>, vector<8x2048xf32>
    %exp3A_64 = math.exp %get3A_63 : vector<8x2048xf32>
    %add3A_65 = arith.addf %add3A_50, %exp3A_64 : vector<8x2048xf32>
    %sub3A_66 = arith.constant 32 : i32
    %sub3A_67 = vector.broadcast %sub3A_66 : i32 to vector<2048xi32>
    %sub3A_68 = arith.subi %get3A_3, %sub3A_67 : vector<2048xi32>
    %broadcast_in_dim3A_69 = vector.shape_cast %sub3A_68 : vector<2048xi32> to vector<1x2048xi32>
    %eq3A_70 = vector.broadcast %broadcast_in_dim3A_69 : vector<1x2048xi32> to vector<8x2048xi32>
    %eq3A_71 = arith.cmpi eq, %iota3A, %eq3A_70 : vector<8x2048xi32>
    %jit3A_72 = arith.constant 0.000000e+00 : f32
    %broadcast_in_dim3A_73 = vector.broadcast %jit3A_72 : f32 to vector<8x2048xf32>
    %select_n3A_74 = arith.select %eq3A_71, %get3A_63, %broadcast_in_dim3A_73 : vector<8x2048xi1>, vector<8x2048xf32>
    %add3A_75 = arith.addf %add3A_60, %select_n3A_74 : vector<8x2048xf32>
    %get3A_76 = arith.constant 40 : index
    %get3A_77 = arith.constant 0 : index
    %get3A_78 = vector.load %arg1[%get3A_76, %get3A_77] : memref<1000x2048xf32, #tpu.memory_space<vmem>>, vector<8x2048xf32>
    %exp3A_79 = math.exp %get3A_78 : vector<8x2048xf32>
    %add3A_80 = arith.addf %add3A_65, %exp3A_79 : vector<8x2048xf32>
    %sub3A_81 = arith.constant 40 : i32
    %sub3A_82 = vector.broadcast %sub3A_81 : i32 to vector<2048xi32>
    %sub3A_83 = arith.subi %get3A_3, %sub3A_82 : vector<2048xi32>
    %broadcast_in_dim3A_84 = vector.shape_cast %sub3A_83 : vector<2048xi32> to vector<1x2048xi32>
    %eq3A_85 = vector.broadcast %broadcast_in_dim3A_84 : vector<1x2048xi32> to vector<8x2048xi32>
    %eq3A_86 = arith.cmpi eq, %iota3A, %eq3A_85 : vector<8x2048xi32>
    %jit3A_87 = arith.constant 0.000000e+00 : f32
    %broadcast_in_dim3A_88 = vector.broadcast %jit3A_87 : f32 to vector<8x2048xf32>
    %select_n3A_89 = arith.select %eq3A_86, %get3A_78, %broadcast_in_dim3A_88 : vector<8x2048xi1>, vector<8x2048xf32>
    %add3A_90 = arith.addf %add3A_75, %select_n3A_89 : vector<8x2048xf32>
    %get3A_91 = arith.constant 48 : index
    %get3A_92 = arith.constant 0 : index
    %get3A_93 = vector.load %arg1[%get3A_91, %get3A_92] : memref<1000x2048xf32, #tpu.memory_space<vmem>>, vector<8x2048xf32>
    %exp3A_94 = math.exp %get3A_93 : vector<8x2048xf32>
    %add3A_95 = arith.addf %add3A_80, %exp3A_94 : vector<8x2048xf32>
    %sub3A_96 = arith.constant 48 : i32
    %sub3A_97 = vector.broadcast %sub3A_96 : i32 to vector<2048xi32>
    %sub3A_98 = arith.subi %get3A_3, %sub3A_97 : vector<2048xi32>
    %broadcast_in_dim3A_99 = vector.shape_cast %sub3A_98 : vector<2048xi32> to vector<1x2048xi32>
    %eq3A_100 = vector.broadcast %broadcast_in_dim3A_99 : vector<1x2048xi32> to vector<8x2048xi32>
    %eq3A_101 = arith.cmpi eq, %iota3A, %eq3A_100 : vector<8x2048xi32>
    %jit3A_102 = arith.constant 0.000000e+00 : f32
    %broadcast_in_dim3A_103 = vector.broadcast %jit3A_102 : f32 to vector<8x2048xf32>
    %select_n3A_104 = arith.select %eq3A_101, %get3A_93, %broadcast_in_dim3A_103 : vector<8x2048xi1>, vector<8x2048xf32>
    %add3A_105 = arith.addf %add3A_90, %select_n3A_104 : vector<8x2048xf32>
    %get3A_106 = arith.constant 56 : index
    %get3A_107 = arith.constant 0 : index
    %get3A_108 = vector.load %arg1[%get3A_106, %get3A_107] : memref<1000x2048xf32, #tpu.memory_space<vmem>>, vector<8x2048xf32>
    %exp3A_109 = math.exp %get3A_108 : vector<8x2048xf32>
    %add3A_110 = arith.addf %add3A_95, %exp3A_109 : vector<8x2048xf32>
    %sub3A_111 = arith.constant 56 : i32
    %sub3A_112 = vector.broadcast %sub3A_111 : i32 to vector<2048xi32>
    %sub3A_113 = arith.subi %get3A_3, %sub3A_112 : vector<2048xi32>
    %broadcast_in_dim3A_114 = vector.shape_cast %sub3A_113 : vector<2048xi32> to vector<1x2048xi32>
    %eq3A_115 = vector.broadcast %broadcast_in_dim3A_114 : vector<1x2048xi32> to vector<8x2048xi32>
    %eq3A_116 = arith.cmpi eq, %iota3A, %eq3A_115 : vector<8x2048xi32>
    %jit3A_117 = arith.constant 0.000000e+00 : f32
    %broadcast_in_dim3A_118 = vector.broadcast %jit3A_117 : f32 to vector<8x2048xf32>
    %select_n3A_119 = arith.select %eq3A_116, %get3A_108, %broadcast_in_dim3A_118 : vector<8x2048xi1>, vector<8x2048xf32>
    %add3A_120 = arith.addf %add3A_105, %select_n3A_119 : vector<8x2048xf32>
    %get3A_121 = arith.constant 64 : index
    %get3A_122 = arith.constant 0 : index
    %get3A_123 = vector.load %arg1[%get3A_121, %get3A_122] : memref<1000x2048xf32, #tpu.memory_space<vmem>>, vector<8x2048xf32>
    %exp3A_124 = math.exp %get3A_123 : vector<8x2048xf32>
    %add3A_125 = arith.addf %add3A_110, %exp3A_124 : vector<8x2048xf32>
    %sub3A_126 = arith.constant 64 : i32
    %sub3A_127 = vector.broadcast %sub3A_126 : i32 to vector<2048xi32>
    %sub3A_128 = arith.subi %get3A_3, %sub3A_127 : vector<2048xi32>
    %broadcast_in_dim3A_129 = vector.shape_cast %sub3A_128 : vector<2048xi32> to vector<1x2048xi32>
    %eq3A_130 = vector.broadcast %broadcast_in_dim3A_129 : vector<1x2048xi32> to vector<8x2048xi32>
    %eq3A_131 = arith.cmpi eq, %iota3A, %eq3A_130 : vector<8x2048xi32>
    %jit3A_132 = arith.constant 0.000000e+00 : f32
    %broadcast_in_dim3A_133 = vector.broadcast %jit3A_132 : f32 to vector<8x2048xf32>
    %select_n3A_134 = arith.select %eq3A_131, %get3A_123, %broadcast_in_dim3A_133 : vector<8x2048xi1>, vector<8x2048xf32>
    %add3A_135 = arith.addf %add3A_120, %select_n3A_134 : vector<8x2048xf32>
    %get3A_136 = arith.constant 72 : index
    %get3A_137 = arith.constant 0 : index
    %get3A_138 = vector.load %arg1[%get3A_136, %get3A_137] : memref<1000x2048xf32, #tpu.memory_space<vmem>>, vector<8x2048xf32>
    %exp3A_139 = math.exp %get3A_138 : vector<8x2048xf32>
    %add3A_140 = arith.addf %add3A_125, %exp3A_139 : vector<8x2048xf32>
    %sub3A_141 = arith.constant 72 : i32
    %sub3A_142 = vector.broadcast %sub3A_141 : i32 to vector<2048xi32>
    %sub3A_143 = arith.subi %get3A_3, %sub3A_142 : vector<2048xi32>
    %broadcast_in_dim3A_144 = vector.shape_cast %sub3A_143 : vector<2048xi32> to vector<1x2048xi32>
    %eq3A_145 = vector.broadcast %broadcast_in_dim3A_144 : vector<1x2048xi32> to vector<8x2048xi32>
    %eq3A_146 = arith.cmpi eq, %iota3A, %eq3A_145 : vector<8x2048xi32>
    %jit3A_147 = arith.constant 0.000000e+00 : f32
    %broadcast_in_dim3A_148 = vector.broadcast %jit3A_147 : f32 to vector<8x2048xf32>
    %select_n3A_149 = arith.select %eq3A_146, %get3A_138, %broadcast_in_dim3A_148 : vector<8x2048xi1>, vector<8x2048xf32>
    %add3A_150 = arith.addf %add3A_135, %select_n3A_149 : vector<8x2048xf32>
    %get3A_151 = arith.constant 80 : index
    %get3A_152 = arith.constant 0 : index
    %get3A_153 = vector.load %arg1[%get3A_151, %get3A_152] : memref<1000x2048xf32, #tpu.memory_space<vmem>>, vector<8x2048xf32>
    %exp3A_154 = math.exp %get3A_153 : vector<8x2048xf32>
    %add3A_155 = arith.addf %add3A_140, %exp3A_154 : vector<8x2048xf32>
    %sub3A_156 = arith.constant 80 : i32
    %sub3A_157 = vector.broadcast %sub3A_156 : i32 to vector<2048xi32>
    %sub3A_158 = arith.subi %get3A_3, %sub3A_157 : vector<2048xi32>
    %broadcast_in_dim3A_159 = vector.shape_cast %sub3A_158 : vector<2048xi32> to vector<1x2048xi32>
    %eq3A_160 = vector.broadcast %broadcast_in_dim3A_159 : vector<1x2048xi32> to vector<8x2048xi32>
    %eq3A_161 = arith.cmpi eq, %iota3A, %eq3A_160 : vector<8x2048xi32>
    %jit3A_162 = arith.constant 0.000000e+00 : f32
    %broadcast_in_dim3A_163 = vector.broadcast %jit3A_162 : f32 to vector<8x2048xf32>
    %select_n3A_164 = arith.select %eq3A_161, %get3A_153, %broadcast_in_dim3A_163 : vector<8x2048xi1>, vector<8x2048xf32>
    %add3A_165 = arith.addf %add3A_150, %select_n3A_164 : vector<8x2048xf32>
    %get3A_166 = arith.constant 88 : index
    %get3A_167 = arith.constant 0 : index
    %get3A_168 = vector.load %arg1[%get3A_166, %get3A_167] : memref<1000x2048xf32, #tpu.memory_space<vmem>>, vector<8x2048xf32>
    %exp3A_169 = math.exp %get3A_168 : vector<8x2048xf32>
    %add3A_170 = arith.addf %add3A_155, %exp3A_169 : vector<8x2048xf32>
    %sub3A_171 = arith.constant 88 : i32
    %sub3A_172 = vector.broadcast %sub3A_171 : i32 to vector<2048xi32>
    %sub3A_173 = arith.subi %get3A_3, %sub3A_172 : vector<2048xi32>
    %broadcast_in_dim3A_174 = vector.shape_cast %sub3A_173 : vector<2048xi32> to vector<1x2048xi32>
    %eq3A_175 = vector.broadcast %broadcast_in_dim3A_174 : vector<1x2048xi32> to vector<8x2048xi32>
    %eq3A_176 = arith.cmpi eq, %iota3A, %eq3A_175 : vector<8x2048xi32>
    %jit3A_177 = arith.constant 0.000000e+00 : f32
    %broadcast_in_dim3A_178 = vector.broadcast %jit3A_177 : f32 to vector<8x2048xf32>
    %select_n3A_179 = arith.select %eq3A_176, %get3A_168, %broadcast_in_dim3A_178 : vector<8x2048xi1>, vector<8x2048xf32>
    %add3A_180 = arith.addf %add3A_165, %select_n3A_179 : vector<8x2048xf32>
    %get3A_181 = arith.constant 96 : index
    %get3A_182 = arith.constant 0 : index
    %get3A_183 = vector.load %arg1[%get3A_181, %get3A_182] : memref<1000x2048xf32, #tpu.memory_space<vmem>>, vector<8x2048xf32>
    %exp3A_184 = math.exp %get3A_183 : vector<8x2048xf32>
    %add3A_185 = arith.addf %add3A_170, %exp3A_184 : vector<8x2048xf32>
    %sub3A_186 = arith.constant 96 : i32
    %sub3A_187 = vector.broadcast %sub3A_186 : i32 to vector<2048xi32>
    %sub3A_188 = arith.subi %get3A_3, %sub3A_187 : vector<2048xi32>
    %broadcast_in_dim3A_189 = vector.shape_cast %sub3A_188 : vector<2048xi32> to vector<1x2048xi32>
    %eq3A_190 = vector.broadcast %broadcast_in_dim3A_189 : vector<1x2048xi32> to vector<8x2048xi32>
    %eq3A_191 = arith.cmpi eq, %iota3A, %eq3A_190 : vector<8x2048xi32>
    %jit3A_192 = arith.constant 0.000000e+00 : f32
    %broadcast_in_dim3A_193 = vector.broadcast %jit3A_192 : f32 to vector<8x2048xf32>
    %select_n3A_194 = arith.select %eq3A_191, %get3A_183, %broadcast_in_dim3A_193 : vector<8x2048xi1>, vector<8x2048xf32>
    %add3A_195 = arith.addf %add3A_180, %select_n3A_194 : vector<8x2048xf32>
    %get3A_196 = arith.constant 104 : index
    %get3A_197 = arith.constant 0 : index
    %get3A_198 = vector.load %arg1[%get3A_196, %get3A_197] : memref<1000x2048xf32, #tpu.memory_space<vmem>>, vector<8x2048xf32>
    %exp3A_199 = math.exp %get3A_198 : vector<8x2048xf32>
    %add3A_200 = arith.addf %add3A_185, %exp3A_199 : vector<8x2048xf32>
    %sub3A_201 = arith.constant 104 : i32
    %sub3A_202 = vector.broadcast %sub3A_201 : i32 to vector<2048xi32>
    %sub3A_203 = arith.subi %get3A_3, %sub3A_202 : vector<2048xi32>
    %broadcast_in_dim3A_204 = vector.shape_cast %sub3A_203 : vector<2048xi32> to vector<1x2048xi32>
    %eq3A_205 = vector.broadcast %broadcast_in_dim3A_204 : vector<1x2048xi32> to vector<8x2048xi32>
    %eq3A_206 = arith.cmpi eq, %iota3A, %eq3A_205 : vector<8x2048xi32>
    %jit3A_207 = arith.constant 0.000000e+00 : f32
    %broadcast_in_dim3A_208 = vector.broadcast %jit3A_207 : f32 to vector<8x2048xf32>
    %select_n3A_209 = arith.select %eq3A_206, %get3A_198, %broadcast_in_dim3A_208 : vector<8x2048xi1>, vector<8x2048xf32>
    %add3A_210 = arith.addf %add3A_195, %select_n3A_209 : vector<8x2048xf32>
    %get3A_211 = arith.constant 112 : index
    %get3A_212 = arith.constant 0 : index
    %get3A_213 = vector.load %arg1[%get3A_211, %get3A_212] : memref<1000x2048xf32, #tpu.memory_space<vmem>>, vector<8x2048xf32>
    %exp3A_214 = math.exp %get3A_213 : vector<8x2048xf32>
    %add3A_215 = arith.addf %add3A_200, %exp3A_214 : vector<8x2048xf32>
    %sub3A_216 = arith.constant 112 : i32
    %sub3A_217 = vector.broadcast %sub3A_216 : i32 to vector<2048xi32>
    %sub3A_218 = arith.subi %get3A_3, %sub3A_217 : vector<2048xi32>
    %broadcast_in_dim3A_219 = vector.shape_cast %sub3A_218 : vector<2048xi32> to vector<1x2048xi32>
    %eq3A_220 = vector.broadcast %broadcast_in_dim3A_219 : vector<1x2048xi32> to vector<8x2048xi32>
    %eq3A_221 = arith.cmpi eq, %iota3A, %eq3A_220 : vector<8x2048xi32>
    %jit3A_222 = arith.constant 0.000000e+00 : f32
    %broadcast_in_dim3A_223 = vector.broadcast %jit3A_222 : f32 to vector<8x2048xf32>
    %select_n3A_224 = arith.select %eq3A_221, %get3A_213, %broadcast_in_dim3A_223 : vector<8x2048xi1>, vector<8x2048xf32>
    %add3A_225 = arith.addf %add3A_210, %select_n3A_224 : vector<8x2048xf32>
    %get3A_226 = arith.constant 120 : index
    %get3A_227 = arith.constant 0 : index
    %get3A_228 = vector.load %arg1[%get3A_226, %get3A_227] : memref<1000x2048xf32, #tpu.memory_space<vmem>>, vector<8x2048xf32>
    %exp3A_229 = math.exp %get3A_228 : vector<8x2048xf32>
    %add3A_230 = arith.addf %add3A_215, %exp3A_229 : vector<8x2048xf32>
    %sub3A_231 = arith.constant 120 : i32
    %sub3A_232 = vector.broadcast %sub3A_231 : i32 to vector<2048xi32>
    %sub3A_233 = arith.subi %get3A_3, %sub3A_232 : vector<2048xi32>
    %broadcast_in_dim3A_234 = vector.shape_cast %sub3A_233 : vector<2048xi32> to vector<1x2048xi32>
    %eq3A_235 = vector.broadcast %broadcast_in_dim3A_234 : vector<1x2048xi32> to vector<8x2048xi32>
    %eq3A_236 = arith.cmpi eq, %iota3A, %eq3A_235 : vector<8x2048xi32>
    %jit3A_237 = arith.constant 0.000000e+00 : f32
    %broadcast_in_dim3A_238 = vector.broadcast %jit3A_237 : f32 to vector<8x2048xf32>
    %select_n3A_239 = arith.select %eq3A_236, %get3A_228, %broadcast_in_dim3A_238 : vector<8x2048xi1>, vector<8x2048xf32>
    %add3A_240 = arith.addf %add3A_225, %select_n3A_239 : vector<8x2048xf32>
    %get3A_241 = arith.constant 128 : index
    %get3A_242 = arith.constant 0 : index
    %get3A_243 = vector.load %arg1[%get3A_241, %get3A_242] : memref<1000x2048xf32, #tpu.memory_space<vmem>>, vector<8x2048xf32>
    %exp3A_244 = math.exp %get3A_243 : vector<8x2048xf32>
    %add3A_245 = arith.addf %add3A_230, %exp3A_244 : vector<8x2048xf32>
    %sub3A_246 = arith.constant 128 : i32
    %sub3A_247 = vector.broadcast %sub3A_246 : i32 to vector<2048xi32>
    %sub3A_248 = arith.subi %get3A_3, %sub3A_247 : vector<2048xi32>
    %broadcast_in_dim3A_249 = vector.shape_cast %sub3A_248 : vector<2048xi32> to vector<1x2048xi32>
    %eq3A_250 = vector.broadcast %broadcast_in_dim3A_249 : vector<1x2048xi32> to vector<8x2048xi32>
    %eq3A_251 = arith.cmpi eq, %iota3A, %eq3A_250 : vector<8x2048xi32>
    %jit3A_252 = arith.constant 0.000000e+00 : f32
    %broadcast_in_dim3A_253 = vector.broadcast %jit3A_252 : f32 to vector<8x2048xf32>
    %select_n3A_254 = arith.select %eq3A_251, %get3A_243, %broadcast_in_dim3A_253 : vector<8x2048xi1>, vector<8x2048xf32>
    %add3A_255 = arith.addf %add3A_240, %select_n3A_254 : vector<8x2048xf32>
    %get3A_256 = arith.constant 136 : index
    %get3A_257 = arith.constant 0 : index
    %get3A_258 = vector.load %arg1[%get3A_256, %get3A_257] : memref<1000x2048xf32, #tpu.memory_space<vmem>>, vector<8x2048xf32>
    %exp3A_259 = math.exp %get3A_258 : vector<8x2048xf32>
    %add3A_260 = arith.addf %add3A_245, %exp3A_259 : vector<8x2048xf32>
    %sub3A_261 = arith.constant 136 : i32
    %sub3A_262 = vector.broadcast %sub3A_261 : i32 to vector<2048xi32>
    %sub3A_263 = arith.subi %get3A_3, %sub3A_262 : vector<2048xi32>
    %broadcast_in_dim3A_264 = vector.shape_cast %sub3A_263 : vector<2048xi32> to vector<1x2048xi32>
    %eq3A_265 = vector.broadcast %broadcast_in_dim3A_264 : vector<1x2048xi32> to vector<8x2048xi32>
    %eq3A_266 = arith.cmpi eq, %iota3A, %eq3A_265 : vector<8x2048xi32>
    %jit3A_267 = arith.constant 0.000000e+00 : f32
    %broadcast_in_dim3A_268 = vector.broadcast %jit3A_267 : f32 to vector<8x2048xf32>
    %select_n3A_269 = arith.select %eq3A_266, %get3A_258, %broadcast_in_dim3A_268 : vector<8x2048xi1>, vector<8x2048xf32>
    %add3A_270 = arith.addf %add3A_255, %select_n3A_269 : vector<8x2048xf32>
    %get3A_271 = arith.constant 144 : index
    %get3A_272 = arith.constant 0 : index
    %get3A_273 = vector.load %arg1[%get3A_271, %get3A_272] : memref<1000x2048xf32, #tpu.memory_space<vmem>>, vector<8x2048xf32>
    %exp3A_274 = math.exp %get3A_273 : vector<8x2048xf32>
    %add3A_275 = arith.addf %add3A_260, %exp3A_274 : vector<8x2048xf32>
    %sub3A_276 = arith.constant 144 : i32
    %sub3A_277 = vector.broadcast %sub3A_276 : i32 to vector<2048xi32>
    %sub3A_278 = arith.subi %get3A_3, %sub3A_277 : vector<2048xi32>
    %broadcast_in_dim3A_279 = vector.shape_cast %sub3A_278 : vector<2048xi32> to vector<1x2048xi32>
    %eq3A_280 = vector.broadcast %broadcast_in_dim3A_279 : vector<1x2048xi32> to vector<8x2048xi32>
    %eq3A_281 = arith.cmpi eq, %iota3A, %eq3A_280 : vector<8x2048xi32>
    %jit3A_282 = arith.constant 0.000000e+00 : f32
    %broadcast_in_dim3A_283 = vector.broadcast %jit3A_282 : f32 to vector<8x2048xf32>
    %select_n3A_284 = arith.select %eq3A_281, %get3A_273, %broadcast_in_dim3A_283 : vector<8x2048xi1>, vector<8x2048xf32>
    %add3A_285 = arith.addf %add3A_270, %select_n3A_284 : vector<8x2048xf32>
    %get3A_286 = arith.constant 152 : index
    %get3A_287 = arith.constant 0 : index
    %get3A_288 = vector.load %arg1[%get3A_286, %get3A_287] : memref<1000x2048xf32, #tpu.memory_space<vmem>>, vector<8x2048xf32>
    %exp3A_289 = math.exp %get3A_288 : vector<8x2048xf32>
    %add3A_290 = arith.addf %add3A_275, %exp3A_289 : vector<8x2048xf32>
    %sub3A_291 = arith.constant 152 : i32
    %sub3A_292 = vector.broadcast %sub3A_291 : i32 to vector<2048xi32>
    %sub3A_293 = arith.subi %get3A_3, %sub3A_292 : vector<2048xi32>
    %broadcast_in_dim3A_294 = vector.shape_cast %sub3A_293 : vector<2048xi32> to vector<1x2048xi32>
    %eq3A_295 = vector.broadcast %broadcast_in_dim3A_294 : vector<1x2048xi32> to vector<8x2048xi32>
    %eq3A_296 = arith.cmpi eq, %iota3A, %eq3A_295 : vector<8x2048xi32>
    %jit3A_297 = arith.constant 0.000000e+00 : f32
    %broadcast_in_dim3A_298 = vector.broadcast %jit3A_297 : f32 to vector<8x2048xf32>
    %select_n3A_299 = arith.select %eq3A_296, %get3A_288, %broadcast_in_dim3A_298 : vector<8x2048xi1>, vector<8x2048xf32>
    %add3A_300 = arith.addf %add3A_285, %select_n3A_299 : vector<8x2048xf32>
    %get3A_301 = arith.constant 160 : index
    %get3A_302 = arith.constant 0 : index
    %get3A_303 = vector.load %arg1[%get3A_301, %get3A_302] : memref<1000x2048xf32, #tpu.memory_space<vmem>>, vector<8x2048xf32>
    %exp3A_304 = math.exp %get3A_303 : vector<8x2048xf32>
    %add3A_305 = arith.addf %add3A_290, %exp3A_304 : vector<8x2048xf32>
    %sub3A_306 = arith.constant 160 : i32
    %sub3A_307 = vector.broadcast %sub3A_306 : i32 to vector<2048xi32>
    %sub3A_308 = arith.subi %get3A_3, %sub3A_307 : vector<2048xi32>
    %broadcast_in_dim3A_309 = vector.shape_cast %sub3A_308 : vector<2048xi32> to vector<1x2048xi32>
    %eq3A_310 = vector.broadcast %broadcast_in_dim3A_309 : vector<1x2048xi32> to vector<8x2048xi32>
    %eq3A_311 = arith.cmpi eq, %iota3A, %eq3A_310 : vector<8x2048xi32>
    %jit3A_312 = arith.constant 0.000000e+00 : f32
    %broadcast_in_dim3A_313 = vector.broadcast %jit3A_312 : f32 to vector<8x2048xf32>
    %select_n3A_314 = arith.select %eq3A_311, %get3A_303, %broadcast_in_dim3A_313 : vector<8x2048xi1>, vector<8x2048xf32>
    %add3A_315 = arith.addf %add3A_300, %select_n3A_314 : vector<8x2048xf32>
    %get3A_316 = arith.constant 168 : index
    %get3A_317 = arith.constant 0 : index
    %get3A_318 = vector.load %arg1[%get3A_316, %get3A_317] : memref<1000x2048xf32, #tpu.memory_space<vmem>>, vector<8x2048xf32>
    %exp3A_319 = math.exp %get3A_318 : vector<8x2048xf32>
    %add3A_320 = arith.addf %add3A_305, %exp3A_319 : vector<8x2048xf32>
    %sub3A_321 = arith.constant 168 : i32
    %sub3A_322 = vector.broadcast %sub3A_321 : i32 to vector<2048xi32>
    %sub3A_323 = arith.subi %get3A_3, %sub3A_322 : vector<2048xi32>
    %broadcast_in_dim3A_324 = vector.shape_cast %sub3A_323 : vector<2048xi32> to vector<1x2048xi32>
    %eq3A_325 = vector.broadcast %broadcast_in_dim3A_324 : vector<1x2048xi32> to vector<8x2048xi32>
    %eq3A_326 = arith.cmpi eq, %iota3A, %eq3A_325 : vector<8x2048xi32>
    %jit3A_327 = arith.constant 0.000000e+00 : f32
    %broadcast_in_dim3A_328 = vector.broadcast %jit3A_327 : f32 to vector<8x2048xf32>
    %select_n3A_329 = arith.select %eq3A_326, %get3A_318, %broadcast_in_dim3A_328 : vector<8x2048xi1>, vector<8x2048xf32>
    %add3A_330 = arith.addf %add3A_315, %select_n3A_329 : vector<8x2048xf32>
    %get3A_331 = arith.constant 176 : index
    %get3A_332 = arith.constant 0 : index
    %get3A_333 = vector.load %arg1[%get3A_331, %get3A_332] : memref<1000x2048xf32, #tpu.memory_space<vmem>>, vector<8x2048xf32>
    %exp3A_334 = math.exp %get3A_333 : vector<8x2048xf32>
    %add3A_335 = arith.addf %add3A_320, %exp3A_334 : vector<8x2048xf32>
    %sub3A_336 = arith.constant 176 : i32
    %sub3A_337 = vector.broadcast %sub3A_336 : i32 to vector<2048xi32>
    %sub3A_338 = arith.subi %get3A_3, %sub3A_337 : vector<2048xi32>
    %broadcast_in_dim3A_339 = vector.shape_cast %sub3A_338 : vector<2048xi32> to vector<1x2048xi32>
    %eq3A_340 = vector.broadcast %broadcast_in_dim3A_339 : vector<1x2048xi32> to vector<8x2048xi32>
    %eq3A_341 = arith.cmpi eq, %iota3A, %eq3A_340 : vector<8x2048xi32>
    %jit3A_342 = arith.constant 0.000000e+00 : f32
    %broadcast_in_dim3A_343 = vector.broadcast %jit3A_342 : f32 to vector<8x2048xf32>
    %select_n3A_344 = arith.select %eq3A_341, %get3A_333, %broadcast_in_dim3A_343 : vector<8x2048xi1>, vector<8x2048xf32>
    %add3A_345 = arith.addf %add3A_330, %select_n3A_344 : vector<8x2048xf32>
    %get3A_346 = arith.constant 184 : index
    %get3A_347 = arith.constant 0 : index
    %get3A_348 = vector.load %arg1[%get3A_346, %get3A_347] : memref<1000x2048xf32, #tpu.memory_space<vmem>>, vector<8x2048xf32>
    %exp3A_349 = math.exp %get3A_348 : vector<8x2048xf32>
    %add3A_350 = arith.addf %add3A_335, %exp3A_349 : vector<8x2048xf32>
    %sub3A_351 = arith.constant 184 : i32
    %sub3A_352 = vector.broadcast %sub3A_351 : i32 to vector<2048xi32>
    %sub3A_353 = arith.subi %get3A_3, %sub3A_352 : vector<2048xi32>
    %broadcast_in_dim3A_354 = vector.shape_cast %sub3A_353 : vector<2048xi32> to vector<1x2048xi32>
    %eq3A_355 = vector.broadcast %broadcast_in_dim3A_354 : vector<1x2048xi32> to vector<8x2048xi32>
    %eq3A_356 = arith.cmpi eq, %iota3A, %eq3A_355 : vector<8x2048xi32>
    %jit3A_357 = arith.constant 0.000000e+00 : f32
    %broadcast_in_dim3A_358 = vector.broadcast %jit3A_357 : f32 to vector<8x2048xf32>
    %select_n3A_359 = arith.select %eq3A_356, %get3A_348, %broadcast_in_dim3A_358 : vector<8x2048xi1>, vector<8x2048xf32>
    %add3A_360 = arith.addf %add3A_345, %select_n3A_359 : vector<8x2048xf32>
    %get3A_361 = arith.constant 192 : index
    %get3A_362 = arith.constant 0 : index
    %get3A_363 = vector.load %arg1[%get3A_361, %get3A_362] : memref<1000x2048xf32, #tpu.memory_space<vmem>>, vector<8x2048xf32>
    %exp3A_364 = math.exp %get3A_363 : vector<8x2048xf32>
    %add3A_365 = arith.addf %add3A_350, %exp3A_364 : vector<8x2048xf32>
    %sub3A_366 = arith.constant 192 : i32
    %sub3A_367 = vector.broadcast %sub3A_366 : i32 to vector<2048xi32>
    %sub3A_368 = arith.subi %get3A_3, %sub3A_367 : vector<2048xi32>
    %broadcast_in_dim3A_369 = vector.shape_cast %sub3A_368 : vector<2048xi32> to vector<1x2048xi32>
    %eq3A_370 = vector.broadcast %broadcast_in_dim3A_369 : vector<1x2048xi32> to vector<8x2048xi32>
    %eq3A_371 = arith.cmpi eq, %iota3A, %eq3A_370 : vector<8x2048xi32>
    %jit3A_372 = arith.constant 0.000000e+00 : f32
    %broadcast_in_dim3A_373 = vector.broadcast %jit3A_372 : f32 to vector<8x2048xf32>
    %select_n3A_374 = arith.select %eq3A_371, %get3A_363, %broadcast_in_dim3A_373 : vector<8x2048xi1>, vector<8x2048xf32>
    %add3A_375 = arith.addf %add3A_360, %select_n3A_374 : vector<8x2048xf32>
    %get3A_376 = arith.constant 200 : index
    %get3A_377 = arith.constant 0 : index
    %get3A_378 = vector.load %arg1[%get3A_376, %get3A_377] : memref<1000x2048xf32, #tpu.memory_space<vmem>>, vector<8x2048xf32>
    %exp3A_379 = math.exp %get3A_378 : vector<8x2048xf32>
    %add3A_380 = arith.addf %add3A_365, %exp3A_379 : vector<8x2048xf32>
    %sub3A_381 = arith.constant 200 : i32
    %sub3A_382 = vector.broadcast %sub3A_381 : i32 to vector<2048xi32>
    %sub3A_383 = arith.subi %get3A_3, %sub3A_382 : vector<2048xi32>
    %broadcast_in_dim3A_384 = vector.shape_cast %sub3A_383 : vector<2048xi32> to vector<1x2048xi32>
    %eq3A_385 = vector.broadcast %broadcast_in_dim3A_384 : vector<1x2048xi32> to vector<8x2048xi32>
    %eq3A_386 = arith.cmpi eq, %iota3A, %eq3A_385 : vector<8x2048xi32>
    %jit3A_387 = arith.constant 0.000000e+00 : f32
    %broadcast_in_dim3A_388 = vector.broadcast %jit3A_387 : f32 to vector<8x2048xf32>
    %select_n3A_389 = arith.select %eq3A_386, %get3A_378, %broadcast_in_dim3A_388 : vector<8x2048xi1>, vector<8x2048xf32>
    %add3A_390 = arith.addf %add3A_375, %select_n3A_389 : vector<8x2048xf32>
    %get3A_391 = arith.constant 208 : index
    %get3A_392 = arith.constant 0 : index
    %get3A_393 = vector.load %arg1[%get3A_391, %get3A_392] : memref<1000x2048xf32, #tpu.memory_space<vmem>>, vector<8x2048xf32>
    %exp3A_394 = math.exp %get3A_393 : vector<8x2048xf32>
    %add3A_395 = arith.addf %add3A_380, %exp3A_394 : vector<8x2048xf32>
    %sub3A_396 = arith.constant 208 : i32
    %sub3A_397 = vector.broadcast %sub3A_396 : i32 to vector<2048xi32>
    %sub3A_398 = arith.subi %get3A_3, %sub3A_397 : vector<2048xi32>
    %broadcast_in_dim3A_399 = vector.shape_cast %sub3A_398 : vector<2048xi32> to vector<1x2048xi32>
    %eq3A_400 = vector.broadcast %broadcast_in_dim3A_399 : vector<1x2048xi32> to vector<8x2048xi32>
    %eq3A_401 = arith.cmpi eq, %iota3A, %eq3A_400 : vector<8x2048xi32>
    %jit3A_402 = arith.constant 0.000000e+00 : f32
    %broadcast_in_dim3A_403 = vector.broadcast %jit3A_402 : f32 to vector<8x2048xf32>
    %select_n3A_404 = arith.select %eq3A_401, %get3A_393, %broadcast_in_dim3A_403 : vector<8x2048xi1>, vector<8x2048xf32>
    %add3A_405 = arith.addf %add3A_390, %select_n3A_404 : vector<8x2048xf32>
    %get3A_406 = arith.constant 216 : index
    %get3A_407 = arith.constant 0 : index
    %get3A_408 = vector.load %arg1[%get3A_406, %get3A_407] : memref<1000x2048xf32, #tpu.memory_space<vmem>>, vector<8x2048xf32>
    %exp3A_409 = math.exp %get3A_408 : vector<8x2048xf32>
    %add3A_410 = arith.addf %add3A_395, %exp3A_409 : vector<8x2048xf32>
    %sub3A_411 = arith.constant 216 : i32
    %sub3A_412 = vector.broadcast %sub3A_411 : i32 to vector<2048xi32>
    %sub3A_413 = arith.subi %get3A_3, %sub3A_412 : vector<2048xi32>
    %broadcast_in_dim3A_414 = vector.shape_cast %sub3A_413 : vector<2048xi32> to vector<1x2048xi32>
    %eq3A_415 = vector.broadcast %broadcast_in_dim3A_414 : vector<1x2048xi32> to vector<8x2048xi32>
    %eq3A_416 = arith.cmpi eq, %iota3A, %eq3A_415 : vector<8x2048xi32>
    %jit3A_417 = arith.constant 0.000000e+00 : f32
    %broadcast_in_dim3A_418 = vector.broadcast %jit3A_417 : f32 to vector<8x2048xf32>
    %select_n3A_419 = arith.select %eq3A_416, %get3A_408, %broadcast_in_dim3A_418 : vector<8x2048xi1>, vector<8x2048xf32>
    %add3A_420 = arith.addf %add3A_405, %select_n3A_419 : vector<8x2048xf32>
    %get3A_421 = arith.constant 224 : index
    %get3A_422 = arith.constant 0 : index
    %get3A_423 = vector.load %arg1[%get3A_421, %get3A_422] : memref<1000x2048xf32, #tpu.memory_space<vmem>>, vector<8x2048xf32>
    %exp3A_424 = math.exp %get3A_423 : vector<8x2048xf32>
    %add3A_425 = arith.addf %add3A_410, %exp3A_424 : vector<8x2048xf32>
    %sub3A_426 = arith.constant 224 : i32
    %sub3A_427 = vector.broadcast %sub3A_426 : i32 to vector<2048xi32>
    %sub3A_428 = arith.subi %get3A_3, %sub3A_427 : vector<2048xi32>
    %broadcast_in_dim3A_429 = vector.shape_cast %sub3A_428 : vector<2048xi32> to vector<1x2048xi32>
    %eq3A_430 = vector.broadcast %broadcast_in_dim3A_429 : vector<1x2048xi32> to vector<8x2048xi32>
    %eq3A_431 = arith.cmpi eq, %iota3A, %eq3A_430 : vector<8x2048xi32>
    %jit3A_432 = arith.constant 0.000000e+00 : f32
    %broadcast_in_dim3A_433 = vector.broadcast %jit3A_432 : f32 to vector<8x2048xf32>
    %select_n3A_434 = arith.select %eq3A_431, %get3A_423, %broadcast_in_dim3A_433 : vector<8x2048xi1>, vector<8x2048xf32>
    %add3A_435 = arith.addf %add3A_420, %select_n3A_434 : vector<8x2048xf32>
    %get3A_436 = arith.constant 232 : index
    %get3A_437 = arith.constant 0 : index
    %get3A_438 = vector.load %arg1[%get3A_436, %get3A_437] : memref<1000x2048xf32, #tpu.memory_space<vmem>>, vector<8x2048xf32>
    %exp3A_439 = math.exp %get3A_438 : vector<8x2048xf32>
    %add3A_440 = arith.addf %add3A_425, %exp3A_439 : vector<8x2048xf32>
    %sub3A_441 = arith.constant 232 : i32
    %sub3A_442 = vector.broadcast %sub3A_441 : i32 to vector<2048xi32>
    %sub3A_443 = arith.subi %get3A_3, %sub3A_442 : vector<2048xi32>
    %broadcast_in_dim3A_444 = vector.shape_cast %sub3A_443 : vector<2048xi32> to vector<1x2048xi32>
    %eq3A_445 = vector.broadcast %broadcast_in_dim3A_444 : vector<1x2048xi32> to vector<8x2048xi32>
    %eq3A_446 = arith.cmpi eq, %iota3A, %eq3A_445 : vector<8x2048xi32>
    %jit3A_447 = arith.constant 0.000000e+00 : f32
    %broadcast_in_dim3A_448 = vector.broadcast %jit3A_447 : f32 to vector<8x2048xf32>
    %select_n3A_449 = arith.select %eq3A_446, %get3A_438, %broadcast_in_dim3A_448 : vector<8x2048xi1>, vector<8x2048xf32>
    %add3A_450 = arith.addf %add3A_435, %select_n3A_449 : vector<8x2048xf32>
    %get3A_451 = arith.constant 240 : index
    %get3A_452 = arith.constant 0 : index
    %get3A_453 = vector.load %arg1[%get3A_451, %get3A_452] : memref<1000x2048xf32, #tpu.memory_space<vmem>>, vector<8x2048xf32>
    %exp3A_454 = math.exp %get3A_453 : vector<8x2048xf32>
    %add3A_455 = arith.addf %add3A_440, %exp3A_454 : vector<8x2048xf32>
    %sub3A_456 = arith.constant 240 : i32
    %sub3A_457 = vector.broadcast %sub3A_456 : i32 to vector<2048xi32>
    %sub3A_458 = arith.subi %get3A_3, %sub3A_457 : vector<2048xi32>
    %broadcast_in_dim3A_459 = vector.shape_cast %sub3A_458 : vector<2048xi32> to vector<1x2048xi32>
    %eq3A_460 = vector.broadcast %broadcast_in_dim3A_459 : vector<1x2048xi32> to vector<8x2048xi32>
    %eq3A_461 = arith.cmpi eq, %iota3A, %eq3A_460 : vector<8x2048xi32>
    %jit3A_462 = arith.constant 0.000000e+00 : f32
    %broadcast_in_dim3A_463 = vector.broadcast %jit3A_462 : f32 to vector<8x2048xf32>
    %select_n3A_464 = arith.select %eq3A_461, %get3A_453, %broadcast_in_dim3A_463 : vector<8x2048xi1>, vector<8x2048xf32>
    %add3A_465 = arith.addf %add3A_450, %select_n3A_464 : vector<8x2048xf32>
    %get3A_466 = arith.constant 248 : index
    %get3A_467 = arith.constant 0 : index
    %get3A_468 = vector.load %arg1[%get3A_466, %get3A_467] : memref<1000x2048xf32, #tpu.memory_space<vmem>>, vector<8x2048xf32>
    %exp3A_469 = math.exp %get3A_468 : vector<8x2048xf32>
    %add3A_470 = arith.addf %add3A_455, %exp3A_469 : vector<8x2048xf32>
    %sub3A_471 = arith.constant 248 : i32
    %sub3A_472 = vector.broadcast %sub3A_471 : i32 to vector<2048xi32>
    %sub3A_473 = arith.subi %get3A_3, %sub3A_472 : vector<2048xi32>
    %broadcast_in_dim3A_474 = vector.shape_cast %sub3A_473 : vector<2048xi32> to vector<1x2048xi32>
    %eq3A_475 = vector.broadcast %broadcast_in_dim3A_474 : vector<1x2048xi32> to vector<8x2048xi32>
    %eq3A_476 = arith.cmpi eq, %iota3A, %eq3A_475 : vector<8x2048xi32>
    %jit3A_477 = arith.constant 0.000000e+00 : f32
    %broadcast_in_dim3A_478 = vector.broadcast %jit3A_477 : f32 to vector<8x2048xf32>
    %select_n3A_479 = arith.select %eq3A_476, %get3A_468, %broadcast_in_dim3A_478 : vector<8x2048xi1>, vector<8x2048xf32>
    %add3A_480 = arith.addf %add3A_465, %select_n3A_479 : vector<8x2048xf32>
    %get3A_481 = arith.constant 256 : index
    %get3A_482 = arith.constant 0 : index
    %get3A_483 = vector.load %arg1[%get3A_481, %get3A_482] : memref<1000x2048xf32, #tpu.memory_space<vmem>>, vector<8x2048xf32>
    %exp3A_484 = math.exp %get3A_483 : vector<8x2048xf32>
    %add3A_485 = arith.addf %add3A_470, %exp3A_484 : vector<8x2048xf32>
    %sub3A_486 = arith.constant 256 : i32
    %sub3A_487 = vector.broadcast %sub3A_486 : i32 to vector<2048xi32>
    %sub3A_488 = arith.subi %get3A_3, %sub3A_487 : vector<2048xi32>
    %broadcast_in_dim3A_489 = vector.shape_cast %sub3A_488 : vector<2048xi32> to vector<1x2048xi32>
    %eq3A_490 = vector.broadcast %broadcast_in_dim3A_489 : vector<1x2048xi32> to vector<8x2048xi32>
    %eq3A_491 = arith.cmpi eq, %iota3A, %eq3A_490 : vector<8x2048xi32>
    %jit3A_492 = arith.constant 0.000000e+00 : f32
    %broadcast_in_dim3A_493 = vector.broadcast %jit3A_492 : f32 to vector<8x2048xf32>
    %select_n3A_494 = arith.select %eq3A_491, %get3A_483, %broadcast_in_dim3A_493 : vector<8x2048xi1>, vector<8x2048xf32>
    %add3A_495 = arith.addf %add3A_480, %select_n3A_494 : vector<8x2048xf32>
    %get3A_496 = arith.constant 264 : index
    %get3A_497 = arith.constant 0 : index
    %get3A_498 = vector.load %arg1[%get3A_496, %get3A_497] : memref<1000x2048xf32, #tpu.memory_space<vmem>>, vector<8x2048xf32>
    %exp3A_499 = math.exp %get3A_498 : vector<8x2048xf32>
    %add3A_500 = arith.addf %add3A_485, %exp3A_499 : vector<8x2048xf32>
    %sub3A_501 = arith.constant 264 : i32
    %sub3A_502 = vector.broadcast %sub3A_501 : i32 to vector<2048xi32>
    %sub3A_503 = arith.subi %get3A_3, %sub3A_502 : vector<2048xi32>
    %broadcast_in_dim3A_504 = vector.shape_cast %sub3A_503 : vector<2048xi32> to vector<1x2048xi32>
    %eq3A_505 = vector.broadcast %broadcast_in_dim3A_504 : vector<1x2048xi32> to vector<8x2048xi32>
    %eq3A_506 = arith.cmpi eq, %iota3A, %eq3A_505 : vector<8x2048xi32>
    %jit3A_507 = arith.constant 0.000000e+00 : f32
    %broadcast_in_dim3A_508 = vector.broadcast %jit3A_507 : f32 to vector<8x2048xf32>
    %select_n3A_509 = arith.select %eq3A_506, %get3A_498, %broadcast_in_dim3A_508 : vector<8x2048xi1>, vector<8x2048xf32>
    %add3A_510 = arith.addf %add3A_495, %select_n3A_509 : vector<8x2048xf32>
    %get3A_511 = arith.constant 272 : index
    %get3A_512 = arith.constant 0 : index
    %get3A_513 = vector.load %arg1[%get3A_511, %get3A_512] : memref<1000x2048xf32, #tpu.memory_space<vmem>>, vector<8x2048xf32>
    %exp3A_514 = math.exp %get3A_513 : vector<8x2048xf32>
    %add3A_515 = arith.addf %add3A_500, %exp3A_514 : vector<8x2048xf32>
    %sub3A_516 = arith.constant 272 : i32
    %sub3A_517 = vector.broadcast %sub3A_516 : i32 to vector<2048xi32>
    %sub3A_518 = arith.subi %get3A_3, %sub3A_517 : vector<2048xi32>
    %broadcast_in_dim3A_519 = vector.shape_cast %sub3A_518 : vector<2048xi32> to vector<1x2048xi32>
    %eq3A_520 = vector.broadcast %broadcast_in_dim3A_519 : vector<1x2048xi32> to vector<8x2048xi32>
    %eq3A_521 = arith.cmpi eq, %iota3A, %eq3A_520 : vector<8x2048xi32>
    %jit3A_522 = arith.constant 0.000000e+00 : f32
    %broadcast_in_dim3A_523 = vector.broadcast %jit3A_522 : f32 to vector<8x2048xf32>
    %select_n3A_524 = arith.select %eq3A_521, %get3A_513, %broadcast_in_dim3A_523 : vector<8x2048xi1>, vector<8x2048xf32>
    %add3A_525 = arith.addf %add3A_510, %select_n3A_524 : vector<8x2048xf32>
    %get3A_526 = arith.constant 280 : index
    %get3A_527 = arith.constant 0 : index
    %get3A_528 = vector.load %arg1[%get3A_526, %get3A_527] : memref<1000x2048xf32, #tpu.memory_space<vmem>>, vector<8x2048xf32>
    %exp3A_529 = math.exp %get3A_528 : vector<8x2048xf32>
    %add3A_530 = arith.addf %add3A_515, %exp3A_529 : vector<8x2048xf32>
    %sub3A_531 = arith.constant 280 : i32
    %sub3A_532 = vector.broadcast %sub3A_531 : i32 to vector<2048xi32>
    %sub3A_533 = arith.subi %get3A_3, %sub3A_532 : vector<2048xi32>
    %broadcast_in_dim3A_534 = vector.shape_cast %sub3A_533 : vector<2048xi32> to vector<1x2048xi32>
    %eq3A_535 = vector.broadcast %broadcast_in_dim3A_534 : vector<1x2048xi32> to vector<8x2048xi32>
    %eq3A_536 = arith.cmpi eq, %iota3A, %eq3A_535 : vector<8x2048xi32>
    %jit3A_537 = arith.constant 0.000000e+00 : f32
    %broadcast_in_dim3A_538 = vector.broadcast %jit3A_537 : f32 to vector<8x2048xf32>
    %select_n3A_539 = arith.select %eq3A_536, %get3A_528, %broadcast_in_dim3A_538 : vector<8x2048xi1>, vector<8x2048xf32>
    %add3A_540 = arith.addf %add3A_525, %select_n3A_539 : vector<8x2048xf32>
    %get3A_541 = arith.constant 288 : index
    %get3A_542 = arith.constant 0 : index
    %get3A_543 = vector.load %arg1[%get3A_541, %get3A_542] : memref<1000x2048xf32, #tpu.memory_space<vmem>>, vector<8x2048xf32>
    %exp3A_544 = math.exp %get3A_543 : vector<8x2048xf32>
    %add3A_545 = arith.addf %add3A_530, %exp3A_544 : vector<8x2048xf32>
    %sub3A_546 = arith.constant 288 : i32
    %sub3A_547 = vector.broadcast %sub3A_546 : i32 to vector<2048xi32>
    %sub3A_548 = arith.subi %get3A_3, %sub3A_547 : vector<2048xi32>
    %broadcast_in_dim3A_549 = vector.shape_cast %sub3A_548 : vector<2048xi32> to vector<1x2048xi32>
    %eq3A_550 = vector.broadcast %broadcast_in_dim3A_549 : vector<1x2048xi32> to vector<8x2048xi32>
    %eq3A_551 = arith.cmpi eq, %iota3A, %eq3A_550 : vector<8x2048xi32>
    %jit3A_552 = arith.constant 0.000000e+00 : f32
    %broadcast_in_dim3A_553 = vector.broadcast %jit3A_552 : f32 to vector<8x2048xf32>
    %select_n3A_554 = arith.select %eq3A_551, %get3A_543, %broadcast_in_dim3A_553 : vector<8x2048xi1>, vector<8x2048xf32>
    %add3A_555 = arith.addf %add3A_540, %select_n3A_554 : vector<8x2048xf32>
    %get3A_556 = arith.constant 296 : index
    %get3A_557 = arith.constant 0 : index
    %get3A_558 = vector.load %arg1[%get3A_556, %get3A_557] : memref<1000x2048xf32, #tpu.memory_space<vmem>>, vector<8x2048xf32>
    %exp3A_559 = math.exp %get3A_558 : vector<8x2048xf32>
    %add3A_560 = arith.addf %add3A_545, %exp3A_559 : vector<8x2048xf32>
    %sub3A_561 = arith.constant 296 : i32
    %sub3A_562 = vector.broadcast %sub3A_561 : i32 to vector<2048xi32>
    %sub3A_563 = arith.subi %get3A_3, %sub3A_562 : vector<2048xi32>
    %broadcast_in_dim3A_564 = vector.shape_cast %sub3A_563 : vector<2048xi32> to vector<1x2048xi32>
    %eq3A_565 = vector.broadcast %broadcast_in_dim3A_564 : vector<1x2048xi32> to vector<8x2048xi32>
    %eq3A_566 = arith.cmpi eq, %iota3A, %eq3A_565 : vector<8x2048xi32>
    %jit3A_567 = arith.constant 0.000000e+00 : f32
    %broadcast_in_dim3A_568 = vector.broadcast %jit3A_567 : f32 to vector<8x2048xf32>
    %select_n3A_569 = arith.select %eq3A_566, %get3A_558, %broadcast_in_dim3A_568 : vector<8x2048xi1>, vector<8x2048xf32>
    %add3A_570 = arith.addf %add3A_555, %select_n3A_569 : vector<8x2048xf32>
    %get3A_571 = arith.constant 304 : index
    %get3A_572 = arith.constant 0 : index
    %get3A_573 = vector.load %arg1[%get3A_571, %get3A_572] : memref<1000x2048xf32, #tpu.memory_space<vmem>>, vector<8x2048xf32>
    %exp3A_574 = math.exp %get3A_573 : vector<8x2048xf32>
    %add3A_575 = arith.addf %add3A_560, %exp3A_574 : vector<8x2048xf32>
    %sub3A_576 = arith.constant 304 : i32
    %sub3A_577 = vector.broadcast %sub3A_576 : i32 to vector<2048xi32>
    %sub3A_578 = arith.subi %get3A_3, %sub3A_577 : vector<2048xi32>
    %broadcast_in_dim3A_579 = vector.shape_cast %sub3A_578 : vector<2048xi32> to vector<1x2048xi32>
    %eq3A_580 = vector.broadcast %broadcast_in_dim3A_579 : vector<1x2048xi32> to vector<8x2048xi32>
    %eq3A_581 = arith.cmpi eq, %iota3A, %eq3A_580 : vector<8x2048xi32>
    %jit3A_582 = arith.constant 0.000000e+00 : f32
    %broadcast_in_dim3A_583 = vector.broadcast %jit3A_582 : f32 to vector<8x2048xf32>
    %select_n3A_584 = arith.select %eq3A_581, %get3A_573, %broadcast_in_dim3A_583 : vector<8x2048xi1>, vector<8x2048xf32>
    %add3A_585 = arith.addf %add3A_570, %select_n3A_584 : vector<8x2048xf32>
    %get3A_586 = arith.constant 312 : index
    %get3A_587 = arith.constant 0 : index
    %get3A_588 = vector.load %arg1[%get3A_586, %get3A_587] : memref<1000x2048xf32, #tpu.memory_space<vmem>>, vector<8x2048xf32>
    %exp3A_589 = math.exp %get3A_588 : vector<8x2048xf32>
    %add3A_590 = arith.addf %add3A_575, %exp3A_589 : vector<8x2048xf32>
    %sub3A_591 = arith.constant 312 : i32
    %sub3A_592 = vector.broadcast %sub3A_591 : i32 to vector<2048xi32>
    %sub3A_593 = arith.subi %get3A_3, %sub3A_592 : vector<2048xi32>
    %broadcast_in_dim3A_594 = vector.shape_cast %sub3A_593 : vector<2048xi32> to vector<1x2048xi32>
    %eq3A_595 = vector.broadcast %broadcast_in_dim3A_594 : vector<1x2048xi32> to vector<8x2048xi32>
    %eq3A_596 = arith.cmpi eq, %iota3A, %eq3A_595 : vector<8x2048xi32>
    %jit3A_597 = arith.constant 0.000000e+00 : f32
    %broadcast_in_dim3A_598 = vector.broadcast %jit3A_597 : f32 to vector<8x2048xf32>
    %select_n3A_599 = arith.select %eq3A_596, %get3A_588, %broadcast_in_dim3A_598 : vector<8x2048xi1>, vector<8x2048xf32>
    %add3A_600 = arith.addf %add3A_585, %select_n3A_599 : vector<8x2048xf32>
    %get3A_601 = arith.constant 320 : index
    %get3A_602 = arith.constant 0 : index
    %get3A_603 = vector.load %arg1[%get3A_601, %get3A_602] : memref<1000x2048xf32, #tpu.memory_space<vmem>>, vector<8x2048xf32>
    %exp3A_604 = math.exp %get3A_603 : vector<8x2048xf32>
    %add3A_605 = arith.addf %add3A_590, %exp3A_604 : vector<8x2048xf32>
    %sub3A_606 = arith.constant 320 : i32
    %sub3A_607 = vector.broadcast %sub3A_606 : i32 to vector<2048xi32>
    %sub3A_608 = arith.subi %get3A_3, %sub3A_607 : vector<2048xi32>
    %broadcast_in_dim3A_609 = vector.shape_cast %sub3A_608 : vector<2048xi32> to vector<1x2048xi32>
    %eq3A_610 = vector.broadcast %broadcast_in_dim3A_609 : vector<1x2048xi32> to vector<8x2048xi32>
    %eq3A_611 = arith.cmpi eq, %iota3A, %eq3A_610 : vector<8x2048xi32>
    %jit3A_612 = arith.constant 0.000000e+00 : f32
    %broadcast_in_dim3A_613 = vector.broadcast %jit3A_612 : f32 to vector<8x2048xf32>
    %select_n3A_614 = arith.select %eq3A_611, %get3A_603, %broadcast_in_dim3A_613 : vector<8x2048xi1>, vector<8x2048xf32>
    %add3A_615 = arith.addf %add3A_600, %select_n3A_614 : vector<8x2048xf32>
    %get3A_616 = arith.constant 328 : index
    %get3A_617 = arith.constant 0 : index
    %get3A_618 = vector.load %arg1[%get3A_616, %get3A_617] : memref<1000x2048xf32, #tpu.memory_space<vmem>>, vector<8x2048xf32>
    %exp3A_619 = math.exp %get3A_618 : vector<8x2048xf32>
    %add3A_620 = arith.addf %add3A_605, %exp3A_619 : vector<8x2048xf32>
    %sub3A_621 = arith.constant 328 : i32
    %sub3A_622 = vector.broadcast %sub3A_621 : i32 to vector<2048xi32>
    %sub3A_623 = arith.subi %get3A_3, %sub3A_622 : vector<2048xi32>
    %broadcast_in_dim3A_624 = vector.shape_cast %sub3A_623 : vector<2048xi32> to vector<1x2048xi32>
    %eq3A_625 = vector.broadcast %broadcast_in_dim3A_624 : vector<1x2048xi32> to vector<8x2048xi32>
    %eq3A_626 = arith.cmpi eq, %iota3A, %eq3A_625 : vector<8x2048xi32>
    %jit3A_627 = arith.constant 0.000000e+00 : f32
    %broadcast_in_dim3A_628 = vector.broadcast %jit3A_627 : f32 to vector<8x2048xf32>
    %select_n3A_629 = arith.select %eq3A_626, %get3A_618, %broadcast_in_dim3A_628 : vector<8x2048xi1>, vector<8x2048xf32>
    %add3A_630 = arith.addf %add3A_615, %select_n3A_629 : vector<8x2048xf32>
    %get3A_631 = arith.constant 336 : index
    %get3A_632 = arith.constant 0 : index
    %get3A_633 = vector.load %arg1[%get3A_631, %get3A_632] : memref<1000x2048xf32, #tpu.memory_space<vmem>>, vector<8x2048xf32>
    %exp3A_634 = math.exp %get3A_633 : vector<8x2048xf32>
    %add3A_635 = arith.addf %add3A_620, %exp3A_634 : vector<8x2048xf32>
    %sub3A_636 = arith.constant 336 : i32
    %sub3A_637 = vector.broadcast %sub3A_636 : i32 to vector<2048xi32>
    %sub3A_638 = arith.subi %get3A_3, %sub3A_637 : vector<2048xi32>
    %broadcast_in_dim3A_639 = vector.shape_cast %sub3A_638 : vector<2048xi32> to vector<1x2048xi32>
    %eq3A_640 = vector.broadcast %broadcast_in_dim3A_639 : vector<1x2048xi32> to vector<8x2048xi32>
    %eq3A_641 = arith.cmpi eq, %iota3A, %eq3A_640 : vector<8x2048xi32>
    %jit3A_642 = arith.constant 0.000000e+00 : f32
    %broadcast_in_dim3A_643 = vector.broadcast %jit3A_642 : f32 to vector<8x2048xf32>
    %select_n3A_644 = arith.select %eq3A_641, %get3A_633, %broadcast_in_dim3A_643 : vector<8x2048xi1>, vector<8x2048xf32>
    %add3A_645 = arith.addf %add3A_630, %select_n3A_644 : vector<8x2048xf32>
    %get3A_646 = arith.constant 344 : index
    %get3A_647 = arith.constant 0 : index
    %get3A_648 = vector.load %arg1[%get3A_646, %get3A_647] : memref<1000x2048xf32, #tpu.memory_space<vmem>>, vector<8x2048xf32>
    %exp3A_649 = math.exp %get3A_648 : vector<8x2048xf32>
    %add3A_650 = arith.addf %add3A_635, %exp3A_649 : vector<8x2048xf32>
    %sub3A_651 = arith.constant 344 : i32
    %sub3A_652 = vector.broadcast %sub3A_651 : i32 to vector<2048xi32>
    %sub3A_653 = arith.subi %get3A_3, %sub3A_652 : vector<2048xi32>
    %broadcast_in_dim3A_654 = vector.shape_cast %sub3A_653 : vector<2048xi32> to vector<1x2048xi32>
    %eq3A_655 = vector.broadcast %broadcast_in_dim3A_654 : vector<1x2048xi32> to vector<8x2048xi32>
    %eq3A_656 = arith.cmpi eq, %iota3A, %eq3A_655 : vector<8x2048xi32>
    %jit3A_657 = arith.constant 0.000000e+00 : f32
    %broadcast_in_dim3A_658 = vector.broadcast %jit3A_657 : f32 to vector<8x2048xf32>
    %select_n3A_659 = arith.select %eq3A_656, %get3A_648, %broadcast_in_dim3A_658 : vector<8x2048xi1>, vector<8x2048xf32>
    %add3A_660 = arith.addf %add3A_645, %select_n3A_659 : vector<8x2048xf32>
    %get3A_661 = arith.constant 352 : index
    %get3A_662 = arith.constant 0 : index
    %get3A_663 = vector.load %arg1[%get3A_661, %get3A_662] : memref<1000x2048xf32, #tpu.memory_space<vmem>>, vector<8x2048xf32>
    %exp3A_664 = math.exp %get3A_663 : vector<8x2048xf32>
    %add3A_665 = arith.addf %add3A_650, %exp3A_664 : vector<8x2048xf32>
    %sub3A_666 = arith.constant 352 : i32
    %sub3A_667 = vector.broadcast %sub3A_666 : i32 to vector<2048xi32>
    %sub3A_668 = arith.subi %get3A_3, %sub3A_667 : vector<2048xi32>
    %broadcast_in_dim3A_669 = vector.shape_cast %sub3A_668 : vector<2048xi32> to vector<1x2048xi32>
    %eq3A_670 = vector.broadcast %broadcast_in_dim3A_669 : vector<1x2048xi32> to vector<8x2048xi32>
    %eq3A_671 = arith.cmpi eq, %iota3A, %eq3A_670 : vector<8x2048xi32>
    %jit3A_672 = arith.constant 0.000000e+00 : f32
    %broadcast_in_dim3A_673 = vector.broadcast %jit3A_672 : f32 to vector<8x2048xf32>
    %select_n3A_674 = arith.select %eq3A_671, %get3A_663, %broadcast_in_dim3A_673 : vector<8x2048xi1>, vector<8x2048xf32>
    %add3A_675 = arith.addf %add3A_660, %select_n3A_674 : vector<8x2048xf32>
    %get3A_676 = arith.constant 360 : index
    %get3A_677 = arith.constant 0 : index
    %get3A_678 = vector.load %arg1[%get3A_676, %get3A_677] : memref<1000x2048xf32, #tpu.memory_space<vmem>>, vector<8x2048xf32>
    %exp3A_679 = math.exp %get3A_678 : vector<8x2048xf32>
    %add3A_680 = arith.addf %add3A_665, %exp3A_679 : vector<8x2048xf32>
    %sub3A_681 = arith.constant 360 : i32
    %sub3A_682 = vector.broadcast %sub3A_681 : i32 to vector<2048xi32>
    %sub3A_683 = arith.subi %get3A_3, %sub3A_682 : vector<2048xi32>
    %broadcast_in_dim3A_684 = vector.shape_cast %sub3A_683 : vector<2048xi32> to vector<1x2048xi32>
    %eq3A_685 = vector.broadcast %broadcast_in_dim3A_684 : vector<1x2048xi32> to vector<8x2048xi32>
    %eq3A_686 = arith.cmpi eq, %iota3A, %eq3A_685 : vector<8x2048xi32>
    %jit3A_687 = arith.constant 0.000000e+00 : f32
    %broadcast_in_dim3A_688 = vector.broadcast %jit3A_687 : f32 to vector<8x2048xf32>
    %select_n3A_689 = arith.select %eq3A_686, %get3A_678, %broadcast_in_dim3A_688 : vector<8x2048xi1>, vector<8x2048xf32>
    %add3A_690 = arith.addf %add3A_675, %select_n3A_689 : vector<8x2048xf32>
    %get3A_691 = arith.constant 368 : index
    %get3A_692 = arith.constant 0 : index
    %get3A_693 = vector.load %arg1[%get3A_691, %get3A_692] : memref<1000x2048xf32, #tpu.memory_space<vmem>>, vector<8x2048xf32>
    %exp3A_694 = math.exp %get3A_693 : vector<8x2048xf32>
    %add3A_695 = arith.addf %add3A_680, %exp3A_694 : vector<8x2048xf32>
    %sub3A_696 = arith.constant 368 : i32
    %sub3A_697 = vector.broadcast %sub3A_696 : i32 to vector<2048xi32>
    %sub3A_698 = arith.subi %get3A_3, %sub3A_697 : vector<2048xi32>
    %broadcast_in_dim3A_699 = vector.shape_cast %sub3A_698 : vector<2048xi32> to vector<1x2048xi32>
    %eq3A_700 = vector.broadcast %broadcast_in_dim3A_699 : vector<1x2048xi32> to vector<8x2048xi32>
    %eq3A_701 = arith.cmpi eq, %iota3A, %eq3A_700 : vector<8x2048xi32>
    %jit3A_702 = arith.constant 0.000000e+00 : f32
    %broadcast_in_dim3A_703 = vector.broadcast %jit3A_702 : f32 to vector<8x2048xf32>
    %select_n3A_704 = arith.select %eq3A_701, %get3A_693, %broadcast_in_dim3A_703 : vector<8x2048xi1>, vector<8x2048xf32>
    %add3A_705 = arith.addf %add3A_690, %select_n3A_704 : vector<8x2048xf32>
    %get3A_706 = arith.constant 376 : index
    %get3A_707 = arith.constant 0 : index
    %get3A_708 = vector.load %arg1[%get3A_706, %get3A_707] : memref<1000x2048xf32, #tpu.memory_space<vmem>>, vector<8x2048xf32>
    %exp3A_709 = math.exp %get3A_708 : vector<8x2048xf32>
    %add3A_710 = arith.addf %add3A_695, %exp3A_709 : vector<8x2048xf32>
    %sub3A_711 = arith.constant 376 : i32
    %sub3A_712 = vector.broadcast %sub3A_711 : i32 to vector<2048xi32>
    %sub3A_713 = arith.subi %get3A_3, %sub3A_712 : vector<2048xi32>
    %broadcast_in_dim3A_714 = vector.shape_cast %sub3A_713 : vector<2048xi32> to vector<1x2048xi32>
    %eq3A_715 = vector.broadcast %broadcast_in_dim3A_714 : vector<1x2048xi32> to vector<8x2048xi32>
    %eq3A_716 = arith.cmpi eq, %iota3A, %eq3A_715 : vector<8x2048xi32>
    %jit3A_717 = arith.constant 0.000000e+00 : f32
    %broadcast_in_dim3A_718 = vector.broadcast %jit3A_717 : f32 to vector<8x2048xf32>
    %select_n3A_719 = arith.select %eq3A_716, %get3A_708, %broadcast_in_dim3A_718 : vector<8x2048xi1>, vector<8x2048xf32>
    %add3A_720 = arith.addf %add3A_705, %select_n3A_719 : vector<8x2048xf32>
    %get3A_721 = arith.constant 384 : index
    %get3A_722 = arith.constant 0 : index
    %get3A_723 = vector.load %arg1[%get3A_721, %get3A_722] : memref<1000x2048xf32, #tpu.memory_space<vmem>>, vector<8x2048xf32>
    %exp3A_724 = math.exp %get3A_723 : vector<8x2048xf32>
    %add3A_725 = arith.addf %add3A_710, %exp3A_724 : vector<8x2048xf32>
    %sub3A_726 = arith.constant 384 : i32
    %sub3A_727 = vector.broadcast %sub3A_726 : i32 to vector<2048xi32>
    %sub3A_728 = arith.subi %get3A_3, %sub3A_727 : vector<2048xi32>
    %broadcast_in_dim3A_729 = vector.shape_cast %sub3A_728 : vector<2048xi32> to vector<1x2048xi32>
    %eq3A_730 = vector.broadcast %broadcast_in_dim3A_729 : vector<1x2048xi32> to vector<8x2048xi32>
    %eq3A_731 = arith.cmpi eq, %iota3A, %eq3A_730 : vector<8x2048xi32>
    %jit3A_732 = arith.constant 0.000000e+00 : f32
    %broadcast_in_dim3A_733 = vector.broadcast %jit3A_732 : f32 to vector<8x2048xf32>
    %select_n3A_734 = arith.select %eq3A_731, %get3A_723, %broadcast_in_dim3A_733 : vector<8x2048xi1>, vector<8x2048xf32>
    %add3A_735 = arith.addf %add3A_720, %select_n3A_734 : vector<8x2048xf32>
    %get3A_736 = arith.constant 392 : index
    %get3A_737 = arith.constant 0 : index
    %get3A_738 = vector.load %arg1[%get3A_736, %get3A_737] : memref<1000x2048xf32, #tpu.memory_space<vmem>>, vector<8x2048xf32>
    %exp3A_739 = math.exp %get3A_738 : vector<8x2048xf32>
    %add3A_740 = arith.addf %add3A_725, %exp3A_739 : vector<8x2048xf32>
    %sub3A_741 = arith.constant 392 : i32
    %sub3A_742 = vector.broadcast %sub3A_741 : i32 to vector<2048xi32>
    %sub3A_743 = arith.subi %get3A_3, %sub3A_742 : vector<2048xi32>
    %broadcast_in_dim3A_744 = vector.shape_cast %sub3A_743 : vector<2048xi32> to vector<1x2048xi32>
    %eq3A_745 = vector.broadcast %broadcast_in_dim3A_744 : vector<1x2048xi32> to vector<8x2048xi32>
    %eq3A_746 = arith.cmpi eq, %iota3A, %eq3A_745 : vector<8x2048xi32>
    %jit3A_747 = arith.constant 0.000000e+00 : f32
    %broadcast_in_dim3A_748 = vector.broadcast %jit3A_747 : f32 to vector<8x2048xf32>
    %select_n3A_749 = arith.select %eq3A_746, %get3A_738, %broadcast_in_dim3A_748 : vector<8x2048xi1>, vector<8x2048xf32>
    %add3A_750 = arith.addf %add3A_735, %select_n3A_749 : vector<8x2048xf32>
    %get3A_751 = arith.constant 400 : index
    %get3A_752 = arith.constant 0 : index
    %get3A_753 = vector.load %arg1[%get3A_751, %get3A_752] : memref<1000x2048xf32, #tpu.memory_space<vmem>>, vector<8x2048xf32>
    %exp3A_754 = math.exp %get3A_753 : vector<8x2048xf32>
    %add3A_755 = arith.addf %add3A_740, %exp3A_754 : vector<8x2048xf32>
    %sub3A_756 = arith.constant 400 : i32
    %sub3A_757 = vector.broadcast %sub3A_756 : i32 to vector<2048xi32>
    %sub3A_758 = arith.subi %get3A_3, %sub3A_757 : vector<2048xi32>
    %broadcast_in_dim3A_759 = vector.shape_cast %sub3A_758 : vector<2048xi32> to vector<1x2048xi32>
    %eq3A_760 = vector.broadcast %broadcast_in_dim3A_759 : vector<1x2048xi32> to vector<8x2048xi32>
    %eq3A_761 = arith.cmpi eq, %iota3A, %eq3A_760 : vector<8x2048xi32>
    %jit3A_762 = arith.constant 0.000000e+00 : f32
    %broadcast_in_dim3A_763 = vector.broadcast %jit3A_762 : f32 to vector<8x2048xf32>
    %select_n3A_764 = arith.select %eq3A_761, %get3A_753, %broadcast_in_dim3A_763 : vector<8x2048xi1>, vector<8x2048xf32>
    %add3A_765 = arith.addf %add3A_750, %select_n3A_764 : vector<8x2048xf32>
    %get3A_766 = arith.constant 408 : index
    %get3A_767 = arith.constant 0 : index
    %get3A_768 = vector.load %arg1[%get3A_766, %get3A_767] : memref<1000x2048xf32, #tpu.memory_space<vmem>>, vector<8x2048xf32>
    %exp3A_769 = math.exp %get3A_768 : vector<8x2048xf32>
    %add3A_770 = arith.addf %add3A_755, %exp3A_769 : vector<8x2048xf32>
    %sub3A_771 = arith.constant 408 : i32
    %sub3A_772 = vector.broadcast %sub3A_771 : i32 to vector<2048xi32>
    %sub3A_773 = arith.subi %get3A_3, %sub3A_772 : vector<2048xi32>
    %broadcast_in_dim3A_774 = vector.shape_cast %sub3A_773 : vector<2048xi32> to vector<1x2048xi32>
    %eq3A_775 = vector.broadcast %broadcast_in_dim3A_774 : vector<1x2048xi32> to vector<8x2048xi32>
    %eq3A_776 = arith.cmpi eq, %iota3A, %eq3A_775 : vector<8x2048xi32>
    %jit3A_777 = arith.constant 0.000000e+00 : f32
    %broadcast_in_dim3A_778 = vector.broadcast %jit3A_777 : f32 to vector<8x2048xf32>
    %select_n3A_779 = arith.select %eq3A_776, %get3A_768, %broadcast_in_dim3A_778 : vector<8x2048xi1>, vector<8x2048xf32>
    %add3A_780 = arith.addf %add3A_765, %select_n3A_779 : vector<8x2048xf32>
    %get3A_781 = arith.constant 416 : index
    %get3A_782 = arith.constant 0 : index
    %get3A_783 = vector.load %arg1[%get3A_781, %get3A_782] : memref<1000x2048xf32, #tpu.memory_space<vmem>>, vector<8x2048xf32>
    %exp3A_784 = math.exp %get3A_783 : vector<8x2048xf32>
    %add3A_785 = arith.addf %add3A_770, %exp3A_784 : vector<8x2048xf32>
    %sub3A_786 = arith.constant 416 : i32
    %sub3A_787 = vector.broadcast %sub3A_786 : i32 to vector<2048xi32>
    %sub3A_788 = arith.subi %get3A_3, %sub3A_787 : vector<2048xi32>
    %broadcast_in_dim3A_789 = vector.shape_cast %sub3A_788 : vector<2048xi32> to vector<1x2048xi32>
    %eq3A_790 = vector.broadcast %broadcast_in_dim3A_789 : vector<1x2048xi32> to vector<8x2048xi32>
    %eq3A_791 = arith.cmpi eq, %iota3A, %eq3A_790 : vector<8x2048xi32>
    %jit3A_792 = arith.constant 0.000000e+00 : f32
    %broadcast_in_dim3A_793 = vector.broadcast %jit3A_792 : f32 to vector<8x2048xf32>
    %select_n3A_794 = arith.select %eq3A_791, %get3A_783, %broadcast_in_dim3A_793 : vector<8x2048xi1>, vector<8x2048xf32>
    %add3A_795 = arith.addf %add3A_780, %select_n3A_794 : vector<8x2048xf32>
    %get3A_796 = arith.constant 424 : index
    %get3A_797 = arith.constant 0 : index
    %get3A_798 = vector.load %arg1[%get3A_796, %get3A_797] : memref<1000x2048xf32, #tpu.memory_space<vmem>>, vector<8x2048xf32>
    %exp3A_799 = math.exp %get3A_798 : vector<8x2048xf32>
    %add3A_800 = arith.addf %add3A_785, %exp3A_799 : vector<8x2048xf32>
    %sub3A_801 = arith.constant 424 : i32
    %sub3A_802 = vector.broadcast %sub3A_801 : i32 to vector<2048xi32>
    %sub3A_803 = arith.subi %get3A_3, %sub3A_802 : vector<2048xi32>
    %broadcast_in_dim3A_804 = vector.shape_cast %sub3A_803 : vector<2048xi32> to vector<1x2048xi32>
    %eq3A_805 = vector.broadcast %broadcast_in_dim3A_804 : vector<1x2048xi32> to vector<8x2048xi32>
    %eq3A_806 = arith.cmpi eq, %iota3A, %eq3A_805 : vector<8x2048xi32>
    %jit3A_807 = arith.constant 0.000000e+00 : f32
    %broadcast_in_dim3A_808 = vector.broadcast %jit3A_807 : f32 to vector<8x2048xf32>
    %select_n3A_809 = arith.select %eq3A_806, %get3A_798, %broadcast_in_dim3A_808 : vector<8x2048xi1>, vector<8x2048xf32>
    %add3A_810 = arith.addf %add3A_795, %select_n3A_809 : vector<8x2048xf32>
    %get3A_811 = arith.constant 432 : index
    %get3A_812 = arith.constant 0 : index
    %get3A_813 = vector.load %arg1[%get3A_811, %get3A_812] : memref<1000x2048xf32, #tpu.memory_space<vmem>>, vector<8x2048xf32>
    %exp3A_814 = math.exp %get3A_813 : vector<8x2048xf32>
    %add3A_815 = arith.addf %add3A_800, %exp3A_814 : vector<8x2048xf32>
    %sub3A_816 = arith.constant 432 : i32
    %sub3A_817 = vector.broadcast %sub3A_816 : i32 to vector<2048xi32>
    %sub3A_818 = arith.subi %get3A_3, %sub3A_817 : vector<2048xi32>
    %broadcast_in_dim3A_819 = vector.shape_cast %sub3A_818 : vector<2048xi32> to vector<1x2048xi32>
    %eq3A_820 = vector.broadcast %broadcast_in_dim3A_819 : vector<1x2048xi32> to vector<8x2048xi32>
    %eq3A_821 = arith.cmpi eq, %iota3A, %eq3A_820 : vector<8x2048xi32>
    %jit3A_822 = arith.constant 0.000000e+00 : f32
    %broadcast_in_dim3A_823 = vector.broadcast %jit3A_822 : f32 to vector<8x2048xf32>
    %select_n3A_824 = arith.select %eq3A_821, %get3A_813, %broadcast_in_dim3A_823 : vector<8x2048xi1>, vector<8x2048xf32>
    %add3A_825 = arith.addf %add3A_810, %select_n3A_824 : vector<8x2048xf32>
    %get3A_826 = arith.constant 440 : index
    %get3A_827 = arith.constant 0 : index
    %get3A_828 = vector.load %arg1[%get3A_826, %get3A_827] : memref<1000x2048xf32, #tpu.memory_space<vmem>>, vector<8x2048xf32>
    %exp3A_829 = math.exp %get3A_828 : vector<8x2048xf32>
    %add3A_830 = arith.addf %add3A_815, %exp3A_829 : vector<8x2048xf32>
    %sub3A_831 = arith.constant 440 : i32
    %sub3A_832 = vector.broadcast %sub3A_831 : i32 to vector<2048xi32>
    %sub3A_833 = arith.subi %get3A_3, %sub3A_832 : vector<2048xi32>
    %broadcast_in_dim3A_834 = vector.shape_cast %sub3A_833 : vector<2048xi32> to vector<1x2048xi32>
    %eq3A_835 = vector.broadcast %broadcast_in_dim3A_834 : vector<1x2048xi32> to vector<8x2048xi32>
    %eq3A_836 = arith.cmpi eq, %iota3A, %eq3A_835 : vector<8x2048xi32>
    %jit3A_837 = arith.constant 0.000000e+00 : f32
    %broadcast_in_dim3A_838 = vector.broadcast %jit3A_837 : f32 to vector<8x2048xf32>
    %select_n3A_839 = arith.select %eq3A_836, %get3A_828, %broadcast_in_dim3A_838 : vector<8x2048xi1>, vector<8x2048xf32>
    %add3A_840 = arith.addf %add3A_825, %select_n3A_839 : vector<8x2048xf32>
    %get3A_841 = arith.constant 448 : index
    %get3A_842 = arith.constant 0 : index
    %get3A_843 = vector.load %arg1[%get3A_841, %get3A_842] : memref<1000x2048xf32, #tpu.memory_space<vmem>>, vector<8x2048xf32>
    %exp3A_844 = math.exp %get3A_843 : vector<8x2048xf32>
    %add3A_845 = arith.addf %add3A_830, %exp3A_844 : vector<8x2048xf32>
    %sub3A_846 = arith.constant 448 : i32
    %sub3A_847 = vector.broadcast %sub3A_846 : i32 to vector<2048xi32>
    %sub3A_848 = arith.subi %get3A_3, %sub3A_847 : vector<2048xi32>
    %broadcast_in_dim3A_849 = vector.shape_cast %sub3A_848 : vector<2048xi32> to vector<1x2048xi32>
    %eq3A_850 = vector.broadcast %broadcast_in_dim3A_849 : vector<1x2048xi32> to vector<8x2048xi32>
    %eq3A_851 = arith.cmpi eq, %iota3A, %eq3A_850 : vector<8x2048xi32>
    %jit3A_852 = arith.constant 0.000000e+00 : f32
    %broadcast_in_dim3A_853 = vector.broadcast %jit3A_852 : f32 to vector<8x2048xf32>
    %select_n3A_854 = arith.select %eq3A_851, %get3A_843, %broadcast_in_dim3A_853 : vector<8x2048xi1>, vector<8x2048xf32>
    %add3A_855 = arith.addf %add3A_840, %select_n3A_854 : vector<8x2048xf32>
    %get3A_856 = arith.constant 456 : index
    %get3A_857 = arith.constant 0 : index
    %get3A_858 = vector.load %arg1[%get3A_856, %get3A_857] : memref<1000x2048xf32, #tpu.memory_space<vmem>>, vector<8x2048xf32>
    %exp3A_859 = math.exp %get3A_858 : vector<8x2048xf32>
    %add3A_860 = arith.addf %add3A_845, %exp3A_859 : vector<8x2048xf32>
    %sub3A_861 = arith.constant 456 : i32
    %sub3A_862 = vector.broadcast %sub3A_861 : i32 to vector<2048xi32>
    %sub3A_863 = arith.subi %get3A_3, %sub3A_862 : vector<2048xi32>
    %broadcast_in_dim3A_864 = vector.shape_cast %sub3A_863 : vector<2048xi32> to vector<1x2048xi32>
    %eq3A_865 = vector.broadcast %broadcast_in_dim3A_864 : vector<1x2048xi32> to vector<8x2048xi32>
    %eq3A_866 = arith.cmpi eq, %iota3A, %eq3A_865 : vector<8x2048xi32>
    %jit3A_867 = arith.constant 0.000000e+00 : f32
    %broadcast_in_dim3A_868 = vector.broadcast %jit3A_867 : f32 to vector<8x2048xf32>
    %select_n3A_869 = arith.select %eq3A_866, %get3A_858, %broadcast_in_dim3A_868 : vector<8x2048xi1>, vector<8x2048xf32>
    %add3A_870 = arith.addf %add3A_855, %select_n3A_869 : vector<8x2048xf32>
    %get3A_871 = arith.constant 464 : index
    %get3A_872 = arith.constant 0 : index
    %get3A_873 = vector.load %arg1[%get3A_871, %get3A_872] : memref<1000x2048xf32, #tpu.memory_space<vmem>>, vector<8x2048xf32>
    %exp3A_874 = math.exp %get3A_873 : vector<8x2048xf32>
    %add3A_875 = arith.addf %add3A_860, %exp3A_874 : vector<8x2048xf32>
    %sub3A_876 = arith.constant 464 : i32
    %sub3A_877 = vector.broadcast %sub3A_876 : i32 to vector<2048xi32>
    %sub3A_878 = arith.subi %get3A_3, %sub3A_877 : vector<2048xi32>
    %broadcast_in_dim3A_879 = vector.shape_cast %sub3A_878 : vector<2048xi32> to vector<1x2048xi32>
    %eq3A_880 = vector.broadcast %broadcast_in_dim3A_879 : vector<1x2048xi32> to vector<8x2048xi32>
    %eq3A_881 = arith.cmpi eq, %iota3A, %eq3A_880 : vector<8x2048xi32>
    %jit3A_882 = arith.constant 0.000000e+00 : f32
    %broadcast_in_dim3A_883 = vector.broadcast %jit3A_882 : f32 to vector<8x2048xf32>
    %select_n3A_884 = arith.select %eq3A_881, %get3A_873, %broadcast_in_dim3A_883 : vector<8x2048xi1>, vector<8x2048xf32>
    %add3A_885 = arith.addf %add3A_870, %select_n3A_884 : vector<8x2048xf32>
    %get3A_886 = arith.constant 472 : index
    %get3A_887 = arith.constant 0 : index
    %get3A_888 = vector.load %arg1[%get3A_886, %get3A_887] : memref<1000x2048xf32, #tpu.memory_space<vmem>>, vector<8x2048xf32>
    %exp3A_889 = math.exp %get3A_888 : vector<8x2048xf32>
    %add3A_890 = arith.addf %add3A_875, %exp3A_889 : vector<8x2048xf32>
    %sub3A_891 = arith.constant 472 : i32
    %sub3A_892 = vector.broadcast %sub3A_891 : i32 to vector<2048xi32>
    %sub3A_893 = arith.subi %get3A_3, %sub3A_892 : vector<2048xi32>
    %broadcast_in_dim3A_894 = vector.shape_cast %sub3A_893 : vector<2048xi32> to vector<1x2048xi32>
    %eq3A_895 = vector.broadcast %broadcast_in_dim3A_894 : vector<1x2048xi32> to vector<8x2048xi32>
    %eq3A_896 = arith.cmpi eq, %iota3A, %eq3A_895 : vector<8x2048xi32>
    %jit3A_897 = arith.constant 0.000000e+00 : f32
    %broadcast_in_dim3A_898 = vector.broadcast %jit3A_897 : f32 to vector<8x2048xf32>
    %select_n3A_899 = arith.select %eq3A_896, %get3A_888, %broadcast_in_dim3A_898 : vector<8x2048xi1>, vector<8x2048xf32>
    %add3A_900 = arith.addf %add3A_885, %select_n3A_899 : vector<8x2048xf32>
    %get3A_901 = arith.constant 480 : index
    %get3A_902 = arith.constant 0 : index
    %get3A_903 = vector.load %arg1[%get3A_901, %get3A_902] : memref<1000x2048xf32, #tpu.memory_space<vmem>>, vector<8x2048xf32>
    %exp3A_904 = math.exp %get3A_903 : vector<8x2048xf32>
    %add3A_905 = arith.addf %add3A_890, %exp3A_904 : vector<8x2048xf32>
    %sub3A_906 = arith.constant 480 : i32
    %sub3A_907 = vector.broadcast %sub3A_906 : i32 to vector<2048xi32>
    %sub3A_908 = arith.subi %get3A_3, %sub3A_907 : vector<2048xi32>
    %broadcast_in_dim3A_909 = vector.shape_cast %sub3A_908 : vector<2048xi32> to vector<1x2048xi32>
    %eq3A_910 = vector.broadcast %broadcast_in_dim3A_909 : vector<1x2048xi32> to vector<8x2048xi32>
    %eq3A_911 = arith.cmpi eq, %iota3A, %eq3A_910 : vector<8x2048xi32>
    %jit3A_912 = arith.constant 0.000000e+00 : f32
    %broadcast_in_dim3A_913 = vector.broadcast %jit3A_912 : f32 to vector<8x2048xf32>
    %select_n3A_914 = arith.select %eq3A_911, %get3A_903, %broadcast_in_dim3A_913 : vector<8x2048xi1>, vector<8x2048xf32>
    %add3A_915 = arith.addf %add3A_900, %select_n3A_914 : vector<8x2048xf32>
    %get3A_916 = arith.constant 488 : index
    %get3A_917 = arith.constant 0 : index
    %get3A_918 = vector.load %arg1[%get3A_916, %get3A_917] : memref<1000x2048xf32, #tpu.memory_space<vmem>>, vector<8x2048xf32>
    %exp3A_919 = math.exp %get3A_918 : vector<8x2048xf32>
    %add3A_920 = arith.addf %add3A_905, %exp3A_919 : vector<8x2048xf32>
    %sub3A_921 = arith.constant 488 : i32
    %sub3A_922 = vector.broadcast %sub3A_921 : i32 to vector<2048xi32>
    %sub3A_923 = arith.subi %get3A_3, %sub3A_922 : vector<2048xi32>
    %broadcast_in_dim3A_924 = vector.shape_cast %sub3A_923 : vector<2048xi32> to vector<1x2048xi32>
    %eq3A_925 = vector.broadcast %broadcast_in_dim3A_924 : vector<1x2048xi32> to vector<8x2048xi32>
    %eq3A_926 = arith.cmpi eq, %iota3A, %eq3A_925 : vector<8x2048xi32>
    %jit3A_927 = arith.constant 0.000000e+00 : f32
    %broadcast_in_dim3A_928 = vector.broadcast %jit3A_927 : f32 to vector<8x2048xf32>
    %select_n3A_929 = arith.select %eq3A_926, %get3A_918, %broadcast_in_dim3A_928 : vector<8x2048xi1>, vector<8x2048xf32>
    %add3A_930 = arith.addf %add3A_915, %select_n3A_929 : vector<8x2048xf32>
    %get3A_931 = arith.constant 496 : index
    %get3A_932 = arith.constant 0 : index
    %get3A_933 = vector.load %arg1[%get3A_931, %get3A_932] : memref<1000x2048xf32, #tpu.memory_space<vmem>>, vector<8x2048xf32>
    %exp3A_934 = math.exp %get3A_933 : vector<8x2048xf32>
    %add3A_935 = arith.addf %add3A_920, %exp3A_934 : vector<8x2048xf32>
    %sub3A_936 = arith.constant 496 : i32
    %sub3A_937 = vector.broadcast %sub3A_936 : i32 to vector<2048xi32>
    %sub3A_938 = arith.subi %get3A_3, %sub3A_937 : vector<2048xi32>
    %broadcast_in_dim3A_939 = vector.shape_cast %sub3A_938 : vector<2048xi32> to vector<1x2048xi32>
    %eq3A_940 = vector.broadcast %broadcast_in_dim3A_939 : vector<1x2048xi32> to vector<8x2048xi32>
    %eq3A_941 = arith.cmpi eq, %iota3A, %eq3A_940 : vector<8x2048xi32>
    %jit3A_942 = arith.constant 0.000000e+00 : f32
    %broadcast_in_dim3A_943 = vector.broadcast %jit3A_942 : f32 to vector<8x2048xf32>
    %select_n3A_944 = arith.select %eq3A_941, %get3A_933, %broadcast_in_dim3A_943 : vector<8x2048xi1>, vector<8x2048xf32>
    %add3A_945 = arith.addf %add3A_930, %select_n3A_944 : vector<8x2048xf32>
    %get3A_946 = arith.constant 504 : index
    %get3A_947 = arith.constant 0 : index
    %get3A_948 = vector.load %arg1[%get3A_946, %get3A_947] : memref<1000x2048xf32, #tpu.memory_space<vmem>>, vector<8x2048xf32>
    %exp3A_949 = math.exp %get3A_948 : vector<8x2048xf32>
    %add3A_950 = arith.addf %add3A_935, %exp3A_949 : vector<8x2048xf32>
    %sub3A_951 = arith.constant 504 : i32
    %sub3A_952 = vector.broadcast %sub3A_951 : i32 to vector<2048xi32>
    %sub3A_953 = arith.subi %get3A_3, %sub3A_952 : vector<2048xi32>
    %broadcast_in_dim3A_954 = vector.shape_cast %sub3A_953 : vector<2048xi32> to vector<1x2048xi32>
    %eq3A_955 = vector.broadcast %broadcast_in_dim3A_954 : vector<1x2048xi32> to vector<8x2048xi32>
    %eq3A_956 = arith.cmpi eq, %iota3A, %eq3A_955 : vector<8x2048xi32>
    %jit3A_957 = arith.constant 0.000000e+00 : f32
    %broadcast_in_dim3A_958 = vector.broadcast %jit3A_957 : f32 to vector<8x2048xf32>
    %select_n3A_959 = arith.select %eq3A_956, %get3A_948, %broadcast_in_dim3A_958 : vector<8x2048xi1>, vector<8x2048xf32>
    %add3A_960 = arith.addf %add3A_945, %select_n3A_959 : vector<8x2048xf32>
    %get3A_961 = arith.constant 512 : index
    %get3A_962 = arith.constant 0 : index
    %get3A_963 = vector.load %arg1[%get3A_961, %get3A_962] : memref<1000x2048xf32, #tpu.memory_space<vmem>>, vector<8x2048xf32>
    %exp3A_964 = math.exp %get3A_963 : vector<8x2048xf32>
    %add3A_965 = arith.addf %add3A_950, %exp3A_964 : vector<8x2048xf32>
    %sub3A_966 = arith.constant 512 : i32
    %sub3A_967 = vector.broadcast %sub3A_966 : i32 to vector<2048xi32>
    %sub3A_968 = arith.subi %get3A_3, %sub3A_967 : vector<2048xi32>
    %broadcast_in_dim3A_969 = vector.shape_cast %sub3A_968 : vector<2048xi32> to vector<1x2048xi32>
    %eq3A_970 = vector.broadcast %broadcast_in_dim3A_969 : vector<1x2048xi32> to vector<8x2048xi32>
    %eq3A_971 = arith.cmpi eq, %iota3A, %eq3A_970 : vector<8x2048xi32>
    %jit3A_972 = arith.constant 0.000000e+00 : f32
    %broadcast_in_dim3A_973 = vector.broadcast %jit3A_972 : f32 to vector<8x2048xf32>
    %select_n3A_974 = arith.select %eq3A_971, %get3A_963, %broadcast_in_dim3A_973 : vector<8x2048xi1>, vector<8x2048xf32>
    %add3A_975 = arith.addf %add3A_960, %select_n3A_974 : vector<8x2048xf32>
    %get3A_976 = arith.constant 520 : index
    %get3A_977 = arith.constant 0 : index
    %get3A_978 = vector.load %arg1[%get3A_976, %get3A_977] : memref<1000x2048xf32, #tpu.memory_space<vmem>>, vector<8x2048xf32>
    %exp3A_979 = math.exp %get3A_978 : vector<8x2048xf32>
    %add3A_980 = arith.addf %add3A_965, %exp3A_979 : vector<8x2048xf32>
    %sub3A_981 = arith.constant 520 : i32
    %sub3A_982 = vector.broadcast %sub3A_981 : i32 to vector<2048xi32>
    %sub3A_983 = arith.subi %get3A_3, %sub3A_982 : vector<2048xi32>
    %broadcast_in_dim3A_984 = vector.shape_cast %sub3A_983 : vector<2048xi32> to vector<1x2048xi32>
    %eq3A_985 = vector.broadcast %broadcast_in_dim3A_984 : vector<1x2048xi32> to vector<8x2048xi32>
    %eq3A_986 = arith.cmpi eq, %iota3A, %eq3A_985 : vector<8x2048xi32>
    %jit3A_987 = arith.constant 0.000000e+00 : f32
    %broadcast_in_dim3A_988 = vector.broadcast %jit3A_987 : f32 to vector<8x2048xf32>
    %select_n3A_989 = arith.select %eq3A_986, %get3A_978, %broadcast_in_dim3A_988 : vector<8x2048xi1>, vector<8x2048xf32>
    %add3A_990 = arith.addf %add3A_975, %select_n3A_989 : vector<8x2048xf32>
    %get3A_991 = arith.constant 528 : index
    %get3A_992 = arith.constant 0 : index
    %get3A_993 = vector.load %arg1[%get3A_991, %get3A_992] : memref<1000x2048xf32, #tpu.memory_space<vmem>>, vector<8x2048xf32>
    %exp3A_994 = math.exp %get3A_993 : vector<8x2048xf32>
    %add3A_995 = arith.addf %add3A_980, %exp3A_994 : vector<8x2048xf32>
    %sub3A_996 = arith.constant 528 : i32
    %sub3A_997 = vector.broadcast %sub3A_996 : i32 to vector<2048xi32>
    %sub3A_998 = arith.subi %get3A_3, %sub3A_997 : vector<2048xi32>
    %broadcast_in_dim3A_999 = vector.shape_cast %sub3A_998 : vector<2048xi32> to vector<1x2048xi32>
    %eq3A_1000 = vector.broadcast %broadcast_in_dim3A_999 : vector<1x2048xi32> to vector<8x2048xi32>
    %eq3A_1001 = arith.cmpi eq, %iota3A, %eq3A_1000 : vector<8x2048xi32>
    %jit3A_1002 = arith.constant 0.000000e+00 : f32
    %broadcast_in_dim3A_1003 = vector.broadcast %jit3A_1002 : f32 to vector<8x2048xf32>
    %select_n3A_1004 = arith.select %eq3A_1001, %get3A_993, %broadcast_in_dim3A_1003 : vector<8x2048xi1>, vector<8x2048xf32>
    %add3A_1005 = arith.addf %add3A_990, %select_n3A_1004 : vector<8x2048xf32>
    %get3A_1006 = arith.constant 536 : index
    %get3A_1007 = arith.constant 0 : index
    %get3A_1008 = vector.load %arg1[%get3A_1006, %get3A_1007] : memref<1000x2048xf32, #tpu.memory_space<vmem>>, vector<8x2048xf32>
    %exp3A_1009 = math.exp %get3A_1008 : vector<8x2048xf32>
    %add3A_1010 = arith.addf %add3A_995, %exp3A_1009 : vector<8x2048xf32>
    %sub3A_1011 = arith.constant 536 : i32
    %sub3A_1012 = vector.broadcast %sub3A_1011 : i32 to vector<2048xi32>
    %sub3A_1013 = arith.subi %get3A_3, %sub3A_1012 : vector<2048xi32>
    %broadcast_in_dim3A_1014 = vector.shape_cast %sub3A_1013 : vector<2048xi32> to vector<1x2048xi32>
    %eq3A_1015 = vector.broadcast %broadcast_in_dim3A_1014 : vector<1x2048xi32> to vector<8x2048xi32>
    %eq3A_1016 = arith.cmpi eq, %iota3A, %eq3A_1015 : vector<8x2048xi32>
    %jit3A_1017 = arith.constant 0.000000e+00 : f32
    %broadcast_in_dim3A_1018 = vector.broadcast %jit3A_1017 : f32 to vector<8x2048xf32>
    %select_n3A_1019 = arith.select %eq3A_1016, %get3A_1008, %broadcast_in_dim3A_1018 : vector<8x2048xi1>, vector<8x2048xf32>
    %add3A_1020 = arith.addf %add3A_1005, %select_n3A_1019 : vector<8x2048xf32>
    %get3A_1021 = arith.constant 544 : index
    %get3A_1022 = arith.constant 0 : index
    %get3A_1023 = vector.load %arg1[%get3A_1021, %get3A_1022] : memref<1000x2048xf32, #tpu.memory_space<vmem>>, vector<8x2048xf32>
    %exp3A_1024 = math.exp %get3A_1023 : vector<8x2048xf32>
    %add3A_1025 = arith.addf %add3A_1010, %exp3A_1024 : vector<8x2048xf32>
    %sub3A_1026 = arith.constant 544 : i32
    %sub3A_1027 = vector.broadcast %sub3A_1026 : i32 to vector<2048xi32>
    %sub3A_1028 = arith.subi %get3A_3, %sub3A_1027 : vector<2048xi32>
    %broadcast_in_dim3A_1029 = vector.shape_cast %sub3A_1028 : vector<2048xi32> to vector<1x2048xi32>
    %eq3A_1030 = vector.broadcast %broadcast_in_dim3A_1029 : vector<1x2048xi32> to vector<8x2048xi32>
    %eq3A_1031 = arith.cmpi eq, %iota3A, %eq3A_1030 : vector<8x2048xi32>
    %jit3A_1032 = arith.constant 0.000000e+00 : f32
    %broadcast_in_dim3A_1033 = vector.broadcast %jit3A_1032 : f32 to vector<8x2048xf32>
    %select_n3A_1034 = arith.select %eq3A_1031, %get3A_1023, %broadcast_in_dim3A_1033 : vector<8x2048xi1>, vector<8x2048xf32>
    %add3A_1035 = arith.addf %add3A_1020, %select_n3A_1034 : vector<8x2048xf32>
    %get3A_1036 = arith.constant 552 : index
    %get3A_1037 = arith.constant 0 : index
    %get3A_1038 = vector.load %arg1[%get3A_1036, %get3A_1037] : memref<1000x2048xf32, #tpu.memory_space<vmem>>, vector<8x2048xf32>
    %exp3A_1039 = math.exp %get3A_1038 : vector<8x2048xf32>
    %add3A_1040 = arith.addf %add3A_1025, %exp3A_1039 : vector<8x2048xf32>
    %sub3A_1041 = arith.constant 552 : i32
    %sub3A_1042 = vector.broadcast %sub3A_1041 : i32 to vector<2048xi32>
    %sub3A_1043 = arith.subi %get3A_3, %sub3A_1042 : vector<2048xi32>
    %broadcast_in_dim3A_1044 = vector.shape_cast %sub3A_1043 : vector<2048xi32> to vector<1x2048xi32>
    %eq3A_1045 = vector.broadcast %broadcast_in_dim3A_1044 : vector<1x2048xi32> to vector<8x2048xi32>
    %eq3A_1046 = arith.cmpi eq, %iota3A, %eq3A_1045 : vector<8x2048xi32>
    %jit3A_1047 = arith.constant 0.000000e+00 : f32
    %broadcast_in_dim3A_1048 = vector.broadcast %jit3A_1047 : f32 to vector<8x2048xf32>
    %select_n3A_1049 = arith.select %eq3A_1046, %get3A_1038, %broadcast_in_dim3A_1048 : vector<8x2048xi1>, vector<8x2048xf32>
    %add3A_1050 = arith.addf %add3A_1035, %select_n3A_1049 : vector<8x2048xf32>
    %get3A_1051 = arith.constant 560 : index
    %get3A_1052 = arith.constant 0 : index
    %get3A_1053 = vector.load %arg1[%get3A_1051, %get3A_1052] : memref<1000x2048xf32, #tpu.memory_space<vmem>>, vector<8x2048xf32>
    %exp3A_1054 = math.exp %get3A_1053 : vector<8x2048xf32>
    %add3A_1055 = arith.addf %add3A_1040, %exp3A_1054 : vector<8x2048xf32>
    %sub3A_1056 = arith.constant 560 : i32
    %sub3A_1057 = vector.broadcast %sub3A_1056 : i32 to vector<2048xi32>
    %sub3A_1058 = arith.subi %get3A_3, %sub3A_1057 : vector<2048xi32>
    %broadcast_in_dim3A_1059 = vector.shape_cast %sub3A_1058 : vector<2048xi32> to vector<1x2048xi32>
    %eq3A_1060 = vector.broadcast %broadcast_in_dim3A_1059 : vector<1x2048xi32> to vector<8x2048xi32>
    %eq3A_1061 = arith.cmpi eq, %iota3A, %eq3A_1060 : vector<8x2048xi32>
    %jit3A_1062 = arith.constant 0.000000e+00 : f32
    %broadcast_in_dim3A_1063 = vector.broadcast %jit3A_1062 : f32 to vector<8x2048xf32>
    %select_n3A_1064 = arith.select %eq3A_1061, %get3A_1053, %broadcast_in_dim3A_1063 : vector<8x2048xi1>, vector<8x2048xf32>
    %add3A_1065 = arith.addf %add3A_1050, %select_n3A_1064 : vector<8x2048xf32>
    %get3A_1066 = arith.constant 568 : index
    %get3A_1067 = arith.constant 0 : index
    %get3A_1068 = vector.load %arg1[%get3A_1066, %get3A_1067] : memref<1000x2048xf32, #tpu.memory_space<vmem>>, vector<8x2048xf32>
    %exp3A_1069 = math.exp %get3A_1068 : vector<8x2048xf32>
    %add3A_1070 = arith.addf %add3A_1055, %exp3A_1069 : vector<8x2048xf32>
    %sub3A_1071 = arith.constant 568 : i32
    %sub3A_1072 = vector.broadcast %sub3A_1071 : i32 to vector<2048xi32>
    %sub3A_1073 = arith.subi %get3A_3, %sub3A_1072 : vector<2048xi32>
    %broadcast_in_dim3A_1074 = vector.shape_cast %sub3A_1073 : vector<2048xi32> to vector<1x2048xi32>
    %eq3A_1075 = vector.broadcast %broadcast_in_dim3A_1074 : vector<1x2048xi32> to vector<8x2048xi32>
    %eq3A_1076 = arith.cmpi eq, %iota3A, %eq3A_1075 : vector<8x2048xi32>
    %jit3A_1077 = arith.constant 0.000000e+00 : f32
    %broadcast_in_dim3A_1078 = vector.broadcast %jit3A_1077 : f32 to vector<8x2048xf32>
    %select_n3A_1079 = arith.select %eq3A_1076, %get3A_1068, %broadcast_in_dim3A_1078 : vector<8x2048xi1>, vector<8x2048xf32>
    %add3A_1080 = arith.addf %add3A_1065, %select_n3A_1079 : vector<8x2048xf32>
    %get3A_1081 = arith.constant 576 : index
    %get3A_1082 = arith.constant 0 : index
    %get3A_1083 = vector.load %arg1[%get3A_1081, %get3A_1082] : memref<1000x2048xf32, #tpu.memory_space<vmem>>, vector<8x2048xf32>
    %exp3A_1084 = math.exp %get3A_1083 : vector<8x2048xf32>
    %add3A_1085 = arith.addf %add3A_1070, %exp3A_1084 : vector<8x2048xf32>
    %sub3A_1086 = arith.constant 576 : i32
    %sub3A_1087 = vector.broadcast %sub3A_1086 : i32 to vector<2048xi32>
    %sub3A_1088 = arith.subi %get3A_3, %sub3A_1087 : vector<2048xi32>
    %broadcast_in_dim3A_1089 = vector.shape_cast %sub3A_1088 : vector<2048xi32> to vector<1x2048xi32>
    %eq3A_1090 = vector.broadcast %broadcast_in_dim3A_1089 : vector<1x2048xi32> to vector<8x2048xi32>
    %eq3A_1091 = arith.cmpi eq, %iota3A, %eq3A_1090 : vector<8x2048xi32>
    %jit3A_1092 = arith.constant 0.000000e+00 : f32
    %broadcast_in_dim3A_1093 = vector.broadcast %jit3A_1092 : f32 to vector<8x2048xf32>
    %select_n3A_1094 = arith.select %eq3A_1091, %get3A_1083, %broadcast_in_dim3A_1093 : vector<8x2048xi1>, vector<8x2048xf32>
    %add3A_1095 = arith.addf %add3A_1080, %select_n3A_1094 : vector<8x2048xf32>
    %get3A_1096 = arith.constant 584 : index
    %get3A_1097 = arith.constant 0 : index
    %get3A_1098 = vector.load %arg1[%get3A_1096, %get3A_1097] : memref<1000x2048xf32, #tpu.memory_space<vmem>>, vector<8x2048xf32>
    %exp3A_1099 = math.exp %get3A_1098 : vector<8x2048xf32>
    %add3A_1100 = arith.addf %add3A_1085, %exp3A_1099 : vector<8x2048xf32>
    %sub3A_1101 = arith.constant 584 : i32
    %sub3A_1102 = vector.broadcast %sub3A_1101 : i32 to vector<2048xi32>
    %sub3A_1103 = arith.subi %get3A_3, %sub3A_1102 : vector<2048xi32>
    %broadcast_in_dim3A_1104 = vector.shape_cast %sub3A_1103 : vector<2048xi32> to vector<1x2048xi32>
    %eq3A_1105 = vector.broadcast %broadcast_in_dim3A_1104 : vector<1x2048xi32> to vector<8x2048xi32>
    %eq3A_1106 = arith.cmpi eq, %iota3A, %eq3A_1105 : vector<8x2048xi32>
    %jit3A_1107 = arith.constant 0.000000e+00 : f32
    %broadcast_in_dim3A_1108 = vector.broadcast %jit3A_1107 : f32 to vector<8x2048xf32>
    %select_n3A_1109 = arith.select %eq3A_1106, %get3A_1098, %broadcast_in_dim3A_1108 : vector<8x2048xi1>, vector<8x2048xf32>
    %add3A_1110 = arith.addf %add3A_1095, %select_n3A_1109 : vector<8x2048xf32>
    %get3A_1111 = arith.constant 592 : index
    %get3A_1112 = arith.constant 0 : index
    %get3A_1113 = vector.load %arg1[%get3A_1111, %get3A_1112] : memref<1000x2048xf32, #tpu.memory_space<vmem>>, vector<8x2048xf32>
    %exp3A_1114 = math.exp %get3A_1113 : vector<8x2048xf32>
    %add3A_1115 = arith.addf %add3A_1100, %exp3A_1114 : vector<8x2048xf32>
    %sub3A_1116 = arith.constant 592 : i32
    %sub3A_1117 = vector.broadcast %sub3A_1116 : i32 to vector<2048xi32>
    %sub3A_1118 = arith.subi %get3A_3, %sub3A_1117 : vector<2048xi32>
    %broadcast_in_dim3A_1119 = vector.shape_cast %sub3A_1118 : vector<2048xi32> to vector<1x2048xi32>
    %eq3A_1120 = vector.broadcast %broadcast_in_dim3A_1119 : vector<1x2048xi32> to vector<8x2048xi32>
    %eq3A_1121 = arith.cmpi eq, %iota3A, %eq3A_1120 : vector<8x2048xi32>
    %jit3A_1122 = arith.constant 0.000000e+00 : f32
    %broadcast_in_dim3A_1123 = vector.broadcast %jit3A_1122 : f32 to vector<8x2048xf32>
    %select_n3A_1124 = arith.select %eq3A_1121, %get3A_1113, %broadcast_in_dim3A_1123 : vector<8x2048xi1>, vector<8x2048xf32>
    %add3A_1125 = arith.addf %add3A_1110, %select_n3A_1124 : vector<8x2048xf32>
    %get3A_1126 = arith.constant 600 : index
    %get3A_1127 = arith.constant 0 : index
    %get3A_1128 = vector.load %arg1[%get3A_1126, %get3A_1127] : memref<1000x2048xf32, #tpu.memory_space<vmem>>, vector<8x2048xf32>
    %exp3A_1129 = math.exp %get3A_1128 : vector<8x2048xf32>
    %add3A_1130 = arith.addf %add3A_1115, %exp3A_1129 : vector<8x2048xf32>
    %sub3A_1131 = arith.constant 600 : i32
    %sub3A_1132 = vector.broadcast %sub3A_1131 : i32 to vector<2048xi32>
    %sub3A_1133 = arith.subi %get3A_3, %sub3A_1132 : vector<2048xi32>
    %broadcast_in_dim3A_1134 = vector.shape_cast %sub3A_1133 : vector<2048xi32> to vector<1x2048xi32>
    %eq3A_1135 = vector.broadcast %broadcast_in_dim3A_1134 : vector<1x2048xi32> to vector<8x2048xi32>
    %eq3A_1136 = arith.cmpi eq, %iota3A, %eq3A_1135 : vector<8x2048xi32>
    %jit3A_1137 = arith.constant 0.000000e+00 : f32
    %broadcast_in_dim3A_1138 = vector.broadcast %jit3A_1137 : f32 to vector<8x2048xf32>
    %select_n3A_1139 = arith.select %eq3A_1136, %get3A_1128, %broadcast_in_dim3A_1138 : vector<8x2048xi1>, vector<8x2048xf32>
    %add3A_1140 = arith.addf %add3A_1125, %select_n3A_1139 : vector<8x2048xf32>
    %get3A_1141 = arith.constant 608 : index
    %get3A_1142 = arith.constant 0 : index
    %get3A_1143 = vector.load %arg1[%get3A_1141, %get3A_1142] : memref<1000x2048xf32, #tpu.memory_space<vmem>>, vector<8x2048xf32>
    %exp3A_1144 = math.exp %get3A_1143 : vector<8x2048xf32>
    %add3A_1145 = arith.addf %add3A_1130, %exp3A_1144 : vector<8x2048xf32>
    %sub3A_1146 = arith.constant 608 : i32
    %sub3A_1147 = vector.broadcast %sub3A_1146 : i32 to vector<2048xi32>
    %sub3A_1148 = arith.subi %get3A_3, %sub3A_1147 : vector<2048xi32>
    %broadcast_in_dim3A_1149 = vector.shape_cast %sub3A_1148 : vector<2048xi32> to vector<1x2048xi32>
    %eq3A_1150 = vector.broadcast %broadcast_in_dim3A_1149 : vector<1x2048xi32> to vector<8x2048xi32>
    %eq3A_1151 = arith.cmpi eq, %iota3A, %eq3A_1150 : vector<8x2048xi32>
    %jit3A_1152 = arith.constant 0.000000e+00 : f32
    %broadcast_in_dim3A_1153 = vector.broadcast %jit3A_1152 : f32 to vector<8x2048xf32>
    %select_n3A_1154 = arith.select %eq3A_1151, %get3A_1143, %broadcast_in_dim3A_1153 : vector<8x2048xi1>, vector<8x2048xf32>
    %add3A_1155 = arith.addf %add3A_1140, %select_n3A_1154 : vector<8x2048xf32>
    %get3A_1156 = arith.constant 616 : index
    %get3A_1157 = arith.constant 0 : index
    %get3A_1158 = vector.load %arg1[%get3A_1156, %get3A_1157] : memref<1000x2048xf32, #tpu.memory_space<vmem>>, vector<8x2048xf32>
    %exp3A_1159 = math.exp %get3A_1158 : vector<8x2048xf32>
    %add3A_1160 = arith.addf %add3A_1145, %exp3A_1159 : vector<8x2048xf32>
    %sub3A_1161 = arith.constant 616 : i32
    %sub3A_1162 = vector.broadcast %sub3A_1161 : i32 to vector<2048xi32>
    %sub3A_1163 = arith.subi %get3A_3, %sub3A_1162 : vector<2048xi32>
    %broadcast_in_dim3A_1164 = vector.shape_cast %sub3A_1163 : vector<2048xi32> to vector<1x2048xi32>
    %eq3A_1165 = vector.broadcast %broadcast_in_dim3A_1164 : vector<1x2048xi32> to vector<8x2048xi32>
    %eq3A_1166 = arith.cmpi eq, %iota3A, %eq3A_1165 : vector<8x2048xi32>
    %jit3A_1167 = arith.constant 0.000000e+00 : f32
    %broadcast_in_dim3A_1168 = vector.broadcast %jit3A_1167 : f32 to vector<8x2048xf32>
    %select_n3A_1169 = arith.select %eq3A_1166, %get3A_1158, %broadcast_in_dim3A_1168 : vector<8x2048xi1>, vector<8x2048xf32>
    %add3A_1170 = arith.addf %add3A_1155, %select_n3A_1169 : vector<8x2048xf32>
    %get3A_1171 = arith.constant 624 : index
    %get3A_1172 = arith.constant 0 : index
    %get3A_1173 = vector.load %arg1[%get3A_1171, %get3A_1172] : memref<1000x2048xf32, #tpu.memory_space<vmem>>, vector<8x2048xf32>
    %exp3A_1174 = math.exp %get3A_1173 : vector<8x2048xf32>
    %add3A_1175 = arith.addf %add3A_1160, %exp3A_1174 : vector<8x2048xf32>
    %sub3A_1176 = arith.constant 624 : i32
    %sub3A_1177 = vector.broadcast %sub3A_1176 : i32 to vector<2048xi32>
    %sub3A_1178 = arith.subi %get3A_3, %sub3A_1177 : vector<2048xi32>
    %broadcast_in_dim3A_1179 = vector.shape_cast %sub3A_1178 : vector<2048xi32> to vector<1x2048xi32>
    %eq3A_1180 = vector.broadcast %broadcast_in_dim3A_1179 : vector<1x2048xi32> to vector<8x2048xi32>
    %eq3A_1181 = arith.cmpi eq, %iota3A, %eq3A_1180 : vector<8x2048xi32>
    %jit3A_1182 = arith.constant 0.000000e+00 : f32
    %broadcast_in_dim3A_1183 = vector.broadcast %jit3A_1182 : f32 to vector<8x2048xf32>
    %select_n3A_1184 = arith.select %eq3A_1181, %get3A_1173, %broadcast_in_dim3A_1183 : vector<8x2048xi1>, vector<8x2048xf32>
    %add3A_1185 = arith.addf %add3A_1170, %select_n3A_1184 : vector<8x2048xf32>
    %get3A_1186 = arith.constant 632 : index
    %get3A_1187 = arith.constant 0 : index
    %get3A_1188 = vector.load %arg1[%get3A_1186, %get3A_1187] : memref<1000x2048xf32, #tpu.memory_space<vmem>>, vector<8x2048xf32>
    %exp3A_1189 = math.exp %get3A_1188 : vector<8x2048xf32>
    %add3A_1190 = arith.addf %add3A_1175, %exp3A_1189 : vector<8x2048xf32>
    %sub3A_1191 = arith.constant 632 : i32
    %sub3A_1192 = vector.broadcast %sub3A_1191 : i32 to vector<2048xi32>
    %sub3A_1193 = arith.subi %get3A_3, %sub3A_1192 : vector<2048xi32>
    %broadcast_in_dim3A_1194 = vector.shape_cast %sub3A_1193 : vector<2048xi32> to vector<1x2048xi32>
    %eq3A_1195 = vector.broadcast %broadcast_in_dim3A_1194 : vector<1x2048xi32> to vector<8x2048xi32>
    %eq3A_1196 = arith.cmpi eq, %iota3A, %eq3A_1195 : vector<8x2048xi32>
    %jit3A_1197 = arith.constant 0.000000e+00 : f32
    %broadcast_in_dim3A_1198 = vector.broadcast %jit3A_1197 : f32 to vector<8x2048xf32>
    %select_n3A_1199 = arith.select %eq3A_1196, %get3A_1188, %broadcast_in_dim3A_1198 : vector<8x2048xi1>, vector<8x2048xf32>
    %add3A_1200 = arith.addf %add3A_1185, %select_n3A_1199 : vector<8x2048xf32>
    %get3A_1201 = arith.constant 640 : index
    %get3A_1202 = arith.constant 0 : index
    %get3A_1203 = vector.load %arg1[%get3A_1201, %get3A_1202] : memref<1000x2048xf32, #tpu.memory_space<vmem>>, vector<8x2048xf32>
    %exp3A_1204 = math.exp %get3A_1203 : vector<8x2048xf32>
    %add3A_1205 = arith.addf %add3A_1190, %exp3A_1204 : vector<8x2048xf32>
    %sub3A_1206 = arith.constant 640 : i32
    %sub3A_1207 = vector.broadcast %sub3A_1206 : i32 to vector<2048xi32>
    %sub3A_1208 = arith.subi %get3A_3, %sub3A_1207 : vector<2048xi32>
    %broadcast_in_dim3A_1209 = vector.shape_cast %sub3A_1208 : vector<2048xi32> to vector<1x2048xi32>
    %eq3A_1210 = vector.broadcast %broadcast_in_dim3A_1209 : vector<1x2048xi32> to vector<8x2048xi32>
    %eq3A_1211 = arith.cmpi eq, %iota3A, %eq3A_1210 : vector<8x2048xi32>
    %jit3A_1212 = arith.constant 0.000000e+00 : f32
    %broadcast_in_dim3A_1213 = vector.broadcast %jit3A_1212 : f32 to vector<8x2048xf32>
    %select_n3A_1214 = arith.select %eq3A_1211, %get3A_1203, %broadcast_in_dim3A_1213 : vector<8x2048xi1>, vector<8x2048xf32>
    %add3A_1215 = arith.addf %add3A_1200, %select_n3A_1214 : vector<8x2048xf32>
    %get3A_1216 = arith.constant 648 : index
    %get3A_1217 = arith.constant 0 : index
    %get3A_1218 = vector.load %arg1[%get3A_1216, %get3A_1217] : memref<1000x2048xf32, #tpu.memory_space<vmem>>, vector<8x2048xf32>
    %exp3A_1219 = math.exp %get3A_1218 : vector<8x2048xf32>
    %add3A_1220 = arith.addf %add3A_1205, %exp3A_1219 : vector<8x2048xf32>
    %sub3A_1221 = arith.constant 648 : i32
    %sub3A_1222 = vector.broadcast %sub3A_1221 : i32 to vector<2048xi32>
    %sub3A_1223 = arith.subi %get3A_3, %sub3A_1222 : vector<2048xi32>
    %broadcast_in_dim3A_1224 = vector.shape_cast %sub3A_1223 : vector<2048xi32> to vector<1x2048xi32>
    %eq3A_1225 = vector.broadcast %broadcast_in_dim3A_1224 : vector<1x2048xi32> to vector<8x2048xi32>
    %eq3A_1226 = arith.cmpi eq, %iota3A, %eq3A_1225 : vector<8x2048xi32>
    %jit3A_1227 = arith.constant 0.000000e+00 : f32
    %broadcast_in_dim3A_1228 = vector.broadcast %jit3A_1227 : f32 to vector<8x2048xf32>
    %select_n3A_1229 = arith.select %eq3A_1226, %get3A_1218, %broadcast_in_dim3A_1228 : vector<8x2048xi1>, vector<8x2048xf32>
    %add3A_1230 = arith.addf %add3A_1215, %select_n3A_1229 : vector<8x2048xf32>
    %get3A_1231 = arith.constant 656 : index
    %get3A_1232 = arith.constant 0 : index
    %get3A_1233 = vector.load %arg1[%get3A_1231, %get3A_1232] : memref<1000x2048xf32, #tpu.memory_space<vmem>>, vector<8x2048xf32>
    %exp3A_1234 = math.exp %get3A_1233 : vector<8x2048xf32>
    %add3A_1235 = arith.addf %add3A_1220, %exp3A_1234 : vector<8x2048xf32>
    %sub3A_1236 = arith.constant 656 : i32
    %sub3A_1237 = vector.broadcast %sub3A_1236 : i32 to vector<2048xi32>
    %sub3A_1238 = arith.subi %get3A_3, %sub3A_1237 : vector<2048xi32>
    %broadcast_in_dim3A_1239 = vector.shape_cast %sub3A_1238 : vector<2048xi32> to vector<1x2048xi32>
    %eq3A_1240 = vector.broadcast %broadcast_in_dim3A_1239 : vector<1x2048xi32> to vector<8x2048xi32>
    %eq3A_1241 = arith.cmpi eq, %iota3A, %eq3A_1240 : vector<8x2048xi32>
    %jit3A_1242 = arith.constant 0.000000e+00 : f32
    %broadcast_in_dim3A_1243 = vector.broadcast %jit3A_1242 : f32 to vector<8x2048xf32>
    %select_n3A_1244 = arith.select %eq3A_1241, %get3A_1233, %broadcast_in_dim3A_1243 : vector<8x2048xi1>, vector<8x2048xf32>
    %add3A_1245 = arith.addf %add3A_1230, %select_n3A_1244 : vector<8x2048xf32>
    %get3A_1246 = arith.constant 664 : index
    %get3A_1247 = arith.constant 0 : index
    %get3A_1248 = vector.load %arg1[%get3A_1246, %get3A_1247] : memref<1000x2048xf32, #tpu.memory_space<vmem>>, vector<8x2048xf32>
    %exp3A_1249 = math.exp %get3A_1248 : vector<8x2048xf32>
    %add3A_1250 = arith.addf %add3A_1235, %exp3A_1249 : vector<8x2048xf32>
    %sub3A_1251 = arith.constant 664 : i32
    %sub3A_1252 = vector.broadcast %sub3A_1251 : i32 to vector<2048xi32>
    %sub3A_1253 = arith.subi %get3A_3, %sub3A_1252 : vector<2048xi32>
    %broadcast_in_dim3A_1254 = vector.shape_cast %sub3A_1253 : vector<2048xi32> to vector<1x2048xi32>
    %eq3A_1255 = vector.broadcast %broadcast_in_dim3A_1254 : vector<1x2048xi32> to vector<8x2048xi32>
    %eq3A_1256 = arith.cmpi eq, %iota3A, %eq3A_1255 : vector<8x2048xi32>
    %jit3A_1257 = arith.constant 0.000000e+00 : f32
    %broadcast_in_dim3A_1258 = vector.broadcast %jit3A_1257 : f32 to vector<8x2048xf32>
    %select_n3A_1259 = arith.select %eq3A_1256, %get3A_1248, %broadcast_in_dim3A_1258 : vector<8x2048xi1>, vector<8x2048xf32>
    %add3A_1260 = arith.addf %add3A_1245, %select_n3A_1259 : vector<8x2048xf32>
    %get3A_1261 = arith.constant 672 : index
    %get3A_1262 = arith.constant 0 : index
    %get3A_1263 = vector.load %arg1[%get3A_1261, %get3A_1262] : memref<1000x2048xf32, #tpu.memory_space<vmem>>, vector<8x2048xf32>
    %exp3A_1264 = math.exp %get3A_1263 : vector<8x2048xf32>
    %add3A_1265 = arith.addf %add3A_1250, %exp3A_1264 : vector<8x2048xf32>
    %sub3A_1266 = arith.constant 672 : i32
    %sub3A_1267 = vector.broadcast %sub3A_1266 : i32 to vector<2048xi32>
    %sub3A_1268 = arith.subi %get3A_3, %sub3A_1267 : vector<2048xi32>
    %broadcast_in_dim3A_1269 = vector.shape_cast %sub3A_1268 : vector<2048xi32> to vector<1x2048xi32>
    %eq3A_1270 = vector.broadcast %broadcast_in_dim3A_1269 : vector<1x2048xi32> to vector<8x2048xi32>
    %eq3A_1271 = arith.cmpi eq, %iota3A, %eq3A_1270 : vector<8x2048xi32>
    %jit3A_1272 = arith.constant 0.000000e+00 : f32
    %broadcast_in_dim3A_1273 = vector.broadcast %jit3A_1272 : f32 to vector<8x2048xf32>
    %select_n3A_1274 = arith.select %eq3A_1271, %get3A_1263, %broadcast_in_dim3A_1273 : vector<8x2048xi1>, vector<8x2048xf32>
    %add3A_1275 = arith.addf %add3A_1260, %select_n3A_1274 : vector<8x2048xf32>
    %get3A_1276 = arith.constant 680 : index
    %get3A_1277 = arith.constant 0 : index
    %get3A_1278 = vector.load %arg1[%get3A_1276, %get3A_1277] : memref<1000x2048xf32, #tpu.memory_space<vmem>>, vector<8x2048xf32>
    %exp3A_1279 = math.exp %get3A_1278 : vector<8x2048xf32>
    %add3A_1280 = arith.addf %add3A_1265, %exp3A_1279 : vector<8x2048xf32>
    %sub3A_1281 = arith.constant 680 : i32
    %sub3A_1282 = vector.broadcast %sub3A_1281 : i32 to vector<2048xi32>
    %sub3A_1283 = arith.subi %get3A_3, %sub3A_1282 : vector<2048xi32>
    %broadcast_in_dim3A_1284 = vector.shape_cast %sub3A_1283 : vector<2048xi32> to vector<1x2048xi32>
    %eq3A_1285 = vector.broadcast %broadcast_in_dim3A_1284 : vector<1x2048xi32> to vector<8x2048xi32>
    %eq3A_1286 = arith.cmpi eq, %iota3A, %eq3A_1285 : vector<8x2048xi32>
    %jit3A_1287 = arith.constant 0.000000e+00 : f32
    %broadcast_in_dim3A_1288 = vector.broadcast %jit3A_1287 : f32 to vector<8x2048xf32>
    %select_n3A_1289 = arith.select %eq3A_1286, %get3A_1278, %broadcast_in_dim3A_1288 : vector<8x2048xi1>, vector<8x2048xf32>
    %add3A_1290 = arith.addf %add3A_1275, %select_n3A_1289 : vector<8x2048xf32>
    %get3A_1291 = arith.constant 688 : index
    %get3A_1292 = arith.constant 0 : index
    %get3A_1293 = vector.load %arg1[%get3A_1291, %get3A_1292] : memref<1000x2048xf32, #tpu.memory_space<vmem>>, vector<8x2048xf32>
    %exp3A_1294 = math.exp %get3A_1293 : vector<8x2048xf32>
    %add3A_1295 = arith.addf %add3A_1280, %exp3A_1294 : vector<8x2048xf32>
    %sub3A_1296 = arith.constant 688 : i32
    %sub3A_1297 = vector.broadcast %sub3A_1296 : i32 to vector<2048xi32>
    %sub3A_1298 = arith.subi %get3A_3, %sub3A_1297 : vector<2048xi32>
    %broadcast_in_dim3A_1299 = vector.shape_cast %sub3A_1298 : vector<2048xi32> to vector<1x2048xi32>
    %eq3A_1300 = vector.broadcast %broadcast_in_dim3A_1299 : vector<1x2048xi32> to vector<8x2048xi32>
    %eq3A_1301 = arith.cmpi eq, %iota3A, %eq3A_1300 : vector<8x2048xi32>
    %jit3A_1302 = arith.constant 0.000000e+00 : f32
    %broadcast_in_dim3A_1303 = vector.broadcast %jit3A_1302 : f32 to vector<8x2048xf32>
    %select_n3A_1304 = arith.select %eq3A_1301, %get3A_1293, %broadcast_in_dim3A_1303 : vector<8x2048xi1>, vector<8x2048xf32>
    %add3A_1305 = arith.addf %add3A_1290, %select_n3A_1304 : vector<8x2048xf32>
    %get3A_1306 = arith.constant 696 : index
    %get3A_1307 = arith.constant 0 : index
    %get3A_1308 = vector.load %arg1[%get3A_1306, %get3A_1307] : memref<1000x2048xf32, #tpu.memory_space<vmem>>, vector<8x2048xf32>
    %exp3A_1309 = math.exp %get3A_1308 : vector<8x2048xf32>
    %add3A_1310 = arith.addf %add3A_1295, %exp3A_1309 : vector<8x2048xf32>
    %sub3A_1311 = arith.constant 696 : i32
    %sub3A_1312 = vector.broadcast %sub3A_1311 : i32 to vector<2048xi32>
    %sub3A_1313 = arith.subi %get3A_3, %sub3A_1312 : vector<2048xi32>
    %broadcast_in_dim3A_1314 = vector.shape_cast %sub3A_1313 : vector<2048xi32> to vector<1x2048xi32>
    %eq3A_1315 = vector.broadcast %broadcast_in_dim3A_1314 : vector<1x2048xi32> to vector<8x2048xi32>
    %eq3A_1316 = arith.cmpi eq, %iota3A, %eq3A_1315 : vector<8x2048xi32>
    %jit3A_1317 = arith.constant 0.000000e+00 : f32
    %broadcast_in_dim3A_1318 = vector.broadcast %jit3A_1317 : f32 to vector<8x2048xf32>
    %select_n3A_1319 = arith.select %eq3A_1316, %get3A_1308, %broadcast_in_dim3A_1318 : vector<8x2048xi1>, vector<8x2048xf32>
    %add3A_1320 = arith.addf %add3A_1305, %select_n3A_1319 : vector<8x2048xf32>
    %get3A_1321 = arith.constant 704 : index
    %get3A_1322 = arith.constant 0 : index
    %get3A_1323 = vector.load %arg1[%get3A_1321, %get3A_1322] : memref<1000x2048xf32, #tpu.memory_space<vmem>>, vector<8x2048xf32>
    %exp3A_1324 = math.exp %get3A_1323 : vector<8x2048xf32>
    %add3A_1325 = arith.addf %add3A_1310, %exp3A_1324 : vector<8x2048xf32>
    %sub3A_1326 = arith.constant 704 : i32
    %sub3A_1327 = vector.broadcast %sub3A_1326 : i32 to vector<2048xi32>
    %sub3A_1328 = arith.subi %get3A_3, %sub3A_1327 : vector<2048xi32>
    %broadcast_in_dim3A_1329 = vector.shape_cast %sub3A_1328 : vector<2048xi32> to vector<1x2048xi32>
    %eq3A_1330 = vector.broadcast %broadcast_in_dim3A_1329 : vector<1x2048xi32> to vector<8x2048xi32>
    %eq3A_1331 = arith.cmpi eq, %iota3A, %eq3A_1330 : vector<8x2048xi32>
    %jit3A_1332 = arith.constant 0.000000e+00 : f32
    %broadcast_in_dim3A_1333 = vector.broadcast %jit3A_1332 : f32 to vector<8x2048xf32>
    %select_n3A_1334 = arith.select %eq3A_1331, %get3A_1323, %broadcast_in_dim3A_1333 : vector<8x2048xi1>, vector<8x2048xf32>
    %add3A_1335 = arith.addf %add3A_1320, %select_n3A_1334 : vector<8x2048xf32>
    %get3A_1336 = arith.constant 712 : index
    %get3A_1337 = arith.constant 0 : index
    %get3A_1338 = vector.load %arg1[%get3A_1336, %get3A_1337] : memref<1000x2048xf32, #tpu.memory_space<vmem>>, vector<8x2048xf32>
    %exp3A_1339 = math.exp %get3A_1338 : vector<8x2048xf32>
    %add3A_1340 = arith.addf %add3A_1325, %exp3A_1339 : vector<8x2048xf32>
    %sub3A_1341 = arith.constant 712 : i32
    %sub3A_1342 = vector.broadcast %sub3A_1341 : i32 to vector<2048xi32>
    %sub3A_1343 = arith.subi %get3A_3, %sub3A_1342 : vector<2048xi32>
    %broadcast_in_dim3A_1344 = vector.shape_cast %sub3A_1343 : vector<2048xi32> to vector<1x2048xi32>
    %eq3A_1345 = vector.broadcast %broadcast_in_dim3A_1344 : vector<1x2048xi32> to vector<8x2048xi32>
    %eq3A_1346 = arith.cmpi eq, %iota3A, %eq3A_1345 : vector<8x2048xi32>
    %jit3A_1347 = arith.constant 0.000000e+00 : f32
    %broadcast_in_dim3A_1348 = vector.broadcast %jit3A_1347 : f32 to vector<8x2048xf32>
    %select_n3A_1349 = arith.select %eq3A_1346, %get3A_1338, %broadcast_in_dim3A_1348 : vector<8x2048xi1>, vector<8x2048xf32>
    %add3A_1350 = arith.addf %add3A_1335, %select_n3A_1349 : vector<8x2048xf32>
    %get3A_1351 = arith.constant 720 : index
    %get3A_1352 = arith.constant 0 : index
    %get3A_1353 = vector.load %arg1[%get3A_1351, %get3A_1352] : memref<1000x2048xf32, #tpu.memory_space<vmem>>, vector<8x2048xf32>
    %exp3A_1354 = math.exp %get3A_1353 : vector<8x2048xf32>
    %add3A_1355 = arith.addf %add3A_1340, %exp3A_1354 : vector<8x2048xf32>
    %sub3A_1356 = arith.constant 720 : i32
    %sub3A_1357 = vector.broadcast %sub3A_1356 : i32 to vector<2048xi32>
    %sub3A_1358 = arith.subi %get3A_3, %sub3A_1357 : vector<2048xi32>
    %broadcast_in_dim3A_1359 = vector.shape_cast %sub3A_1358 : vector<2048xi32> to vector<1x2048xi32>
    %eq3A_1360 = vector.broadcast %broadcast_in_dim3A_1359 : vector<1x2048xi32> to vector<8x2048xi32>
    %eq3A_1361 = arith.cmpi eq, %iota3A, %eq3A_1360 : vector<8x2048xi32>
    %jit3A_1362 = arith.constant 0.000000e+00 : f32
    %broadcast_in_dim3A_1363 = vector.broadcast %jit3A_1362 : f32 to vector<8x2048xf32>
    %select_n3A_1364 = arith.select %eq3A_1361, %get3A_1353, %broadcast_in_dim3A_1363 : vector<8x2048xi1>, vector<8x2048xf32>
    %add3A_1365 = arith.addf %add3A_1350, %select_n3A_1364 : vector<8x2048xf32>
    %get3A_1366 = arith.constant 728 : index
    %get3A_1367 = arith.constant 0 : index
    %get3A_1368 = vector.load %arg1[%get3A_1366, %get3A_1367] : memref<1000x2048xf32, #tpu.memory_space<vmem>>, vector<8x2048xf32>
    %exp3A_1369 = math.exp %get3A_1368 : vector<8x2048xf32>
    %add3A_1370 = arith.addf %add3A_1355, %exp3A_1369 : vector<8x2048xf32>
    %sub3A_1371 = arith.constant 728 : i32
    %sub3A_1372 = vector.broadcast %sub3A_1371 : i32 to vector<2048xi32>
    %sub3A_1373 = arith.subi %get3A_3, %sub3A_1372 : vector<2048xi32>
    %broadcast_in_dim3A_1374 = vector.shape_cast %sub3A_1373 : vector<2048xi32> to vector<1x2048xi32>
    %eq3A_1375 = vector.broadcast %broadcast_in_dim3A_1374 : vector<1x2048xi32> to vector<8x2048xi32>
    %eq3A_1376 = arith.cmpi eq, %iota3A, %eq3A_1375 : vector<8x2048xi32>
    %jit3A_1377 = arith.constant 0.000000e+00 : f32
    %broadcast_in_dim3A_1378 = vector.broadcast %jit3A_1377 : f32 to vector<8x2048xf32>
    %select_n3A_1379 = arith.select %eq3A_1376, %get3A_1368, %broadcast_in_dim3A_1378 : vector<8x2048xi1>, vector<8x2048xf32>
    %add3A_1380 = arith.addf %add3A_1365, %select_n3A_1379 : vector<8x2048xf32>
    %get3A_1381 = arith.constant 736 : index
    %get3A_1382 = arith.constant 0 : index
    %get3A_1383 = vector.load %arg1[%get3A_1381, %get3A_1382] : memref<1000x2048xf32, #tpu.memory_space<vmem>>, vector<8x2048xf32>
    %exp3A_1384 = math.exp %get3A_1383 : vector<8x2048xf32>
    %add3A_1385 = arith.addf %add3A_1370, %exp3A_1384 : vector<8x2048xf32>
    %sub3A_1386 = arith.constant 736 : i32
    %sub3A_1387 = vector.broadcast %sub3A_1386 : i32 to vector<2048xi32>
    %sub3A_1388 = arith.subi %get3A_3, %sub3A_1387 : vector<2048xi32>
    %broadcast_in_dim3A_1389 = vector.shape_cast %sub3A_1388 : vector<2048xi32> to vector<1x2048xi32>
    %eq3A_1390 = vector.broadcast %broadcast_in_dim3A_1389 : vector<1x2048xi32> to vector<8x2048xi32>
    %eq3A_1391 = arith.cmpi eq, %iota3A, %eq3A_1390 : vector<8x2048xi32>
    %jit3A_1392 = arith.constant 0.000000e+00 : f32
    %broadcast_in_dim3A_1393 = vector.broadcast %jit3A_1392 : f32 to vector<8x2048xf32>
    %select_n3A_1394 = arith.select %eq3A_1391, %get3A_1383, %broadcast_in_dim3A_1393 : vector<8x2048xi1>, vector<8x2048xf32>
    %add3A_1395 = arith.addf %add3A_1380, %select_n3A_1394 : vector<8x2048xf32>
    %get3A_1396 = arith.constant 744 : index
    %get3A_1397 = arith.constant 0 : index
    %get3A_1398 = vector.load %arg1[%get3A_1396, %get3A_1397] : memref<1000x2048xf32, #tpu.memory_space<vmem>>, vector<8x2048xf32>
    %exp3A_1399 = math.exp %get3A_1398 : vector<8x2048xf32>
    %add3A_1400 = arith.addf %add3A_1385, %exp3A_1399 : vector<8x2048xf32>
    %sub3A_1401 = arith.constant 744 : i32
    %sub3A_1402 = vector.broadcast %sub3A_1401 : i32 to vector<2048xi32>
    %sub3A_1403 = arith.subi %get3A_3, %sub3A_1402 : vector<2048xi32>
    %broadcast_in_dim3A_1404 = vector.shape_cast %sub3A_1403 : vector<2048xi32> to vector<1x2048xi32>
    %eq3A_1405 = vector.broadcast %broadcast_in_dim3A_1404 : vector<1x2048xi32> to vector<8x2048xi32>
    %eq3A_1406 = arith.cmpi eq, %iota3A, %eq3A_1405 : vector<8x2048xi32>
    %jit3A_1407 = arith.constant 0.000000e+00 : f32
    %broadcast_in_dim3A_1408 = vector.broadcast %jit3A_1407 : f32 to vector<8x2048xf32>
    %select_n3A_1409 = arith.select %eq3A_1406, %get3A_1398, %broadcast_in_dim3A_1408 : vector<8x2048xi1>, vector<8x2048xf32>
    %add3A_1410 = arith.addf %add3A_1395, %select_n3A_1409 : vector<8x2048xf32>
    %get3A_1411 = arith.constant 752 : index
    %get3A_1412 = arith.constant 0 : index
    %get3A_1413 = vector.load %arg1[%get3A_1411, %get3A_1412] : memref<1000x2048xf32, #tpu.memory_space<vmem>>, vector<8x2048xf32>
    %exp3A_1414 = math.exp %get3A_1413 : vector<8x2048xf32>
    %add3A_1415 = arith.addf %add3A_1400, %exp3A_1414 : vector<8x2048xf32>
    %sub3A_1416 = arith.constant 752 : i32
    %sub3A_1417 = vector.broadcast %sub3A_1416 : i32 to vector<2048xi32>
    %sub3A_1418 = arith.subi %get3A_3, %sub3A_1417 : vector<2048xi32>
    %broadcast_in_dim3A_1419 = vector.shape_cast %sub3A_1418 : vector<2048xi32> to vector<1x2048xi32>
    %eq3A_1420 = vector.broadcast %broadcast_in_dim3A_1419 : vector<1x2048xi32> to vector<8x2048xi32>
    %eq3A_1421 = arith.cmpi eq, %iota3A, %eq3A_1420 : vector<8x2048xi32>
    %jit3A_1422 = arith.constant 0.000000e+00 : f32
    %broadcast_in_dim3A_1423 = vector.broadcast %jit3A_1422 : f32 to vector<8x2048xf32>
    %select_n3A_1424 = arith.select %eq3A_1421, %get3A_1413, %broadcast_in_dim3A_1423 : vector<8x2048xi1>, vector<8x2048xf32>
    %add3A_1425 = arith.addf %add3A_1410, %select_n3A_1424 : vector<8x2048xf32>
    %get3A_1426 = arith.constant 760 : index
    %get3A_1427 = arith.constant 0 : index
    %get3A_1428 = vector.load %arg1[%get3A_1426, %get3A_1427] : memref<1000x2048xf32, #tpu.memory_space<vmem>>, vector<8x2048xf32>
    %exp3A_1429 = math.exp %get3A_1428 : vector<8x2048xf32>
    %add3A_1430 = arith.addf %add3A_1415, %exp3A_1429 : vector<8x2048xf32>
    %sub3A_1431 = arith.constant 760 : i32
    %sub3A_1432 = vector.broadcast %sub3A_1431 : i32 to vector<2048xi32>
    %sub3A_1433 = arith.subi %get3A_3, %sub3A_1432 : vector<2048xi32>
    %broadcast_in_dim3A_1434 = vector.shape_cast %sub3A_1433 : vector<2048xi32> to vector<1x2048xi32>
    %eq3A_1435 = vector.broadcast %broadcast_in_dim3A_1434 : vector<1x2048xi32> to vector<8x2048xi32>
    %eq3A_1436 = arith.cmpi eq, %iota3A, %eq3A_1435 : vector<8x2048xi32>
    %jit3A_1437 = arith.constant 0.000000e+00 : f32
    %broadcast_in_dim3A_1438 = vector.broadcast %jit3A_1437 : f32 to vector<8x2048xf32>
    %select_n3A_1439 = arith.select %eq3A_1436, %get3A_1428, %broadcast_in_dim3A_1438 : vector<8x2048xi1>, vector<8x2048xf32>
    %add3A_1440 = arith.addf %add3A_1425, %select_n3A_1439 : vector<8x2048xf32>
    %get3A_1441 = arith.constant 768 : index
    %get3A_1442 = arith.constant 0 : index
    %get3A_1443 = vector.load %arg1[%get3A_1441, %get3A_1442] : memref<1000x2048xf32, #tpu.memory_space<vmem>>, vector<8x2048xf32>
    %exp3A_1444 = math.exp %get3A_1443 : vector<8x2048xf32>
    %add3A_1445 = arith.addf %add3A_1430, %exp3A_1444 : vector<8x2048xf32>
    %sub3A_1446 = arith.constant 768 : i32
    %sub3A_1447 = vector.broadcast %sub3A_1446 : i32 to vector<2048xi32>
    %sub3A_1448 = arith.subi %get3A_3, %sub3A_1447 : vector<2048xi32>
    %broadcast_in_dim3A_1449 = vector.shape_cast %sub3A_1448 : vector<2048xi32> to vector<1x2048xi32>
    %eq3A_1450 = vector.broadcast %broadcast_in_dim3A_1449 : vector<1x2048xi32> to vector<8x2048xi32>
    %eq3A_1451 = arith.cmpi eq, %iota3A, %eq3A_1450 : vector<8x2048xi32>
    %jit3A_1452 = arith.constant 0.000000e+00 : f32
    %broadcast_in_dim3A_1453 = vector.broadcast %jit3A_1452 : f32 to vector<8x2048xf32>
    %select_n3A_1454 = arith.select %eq3A_1451, %get3A_1443, %broadcast_in_dim3A_1453 : vector<8x2048xi1>, vector<8x2048xf32>
    %add3A_1455 = arith.addf %add3A_1440, %select_n3A_1454 : vector<8x2048xf32>
    %get3A_1456 = arith.constant 776 : index
    %get3A_1457 = arith.constant 0 : index
    %get3A_1458 = vector.load %arg1[%get3A_1456, %get3A_1457] : memref<1000x2048xf32, #tpu.memory_space<vmem>>, vector<8x2048xf32>
    %exp3A_1459 = math.exp %get3A_1458 : vector<8x2048xf32>
    %add3A_1460 = arith.addf %add3A_1445, %exp3A_1459 : vector<8x2048xf32>
    %sub3A_1461 = arith.constant 776 : i32
    %sub3A_1462 = vector.broadcast %sub3A_1461 : i32 to vector<2048xi32>
    %sub3A_1463 = arith.subi %get3A_3, %sub3A_1462 : vector<2048xi32>
    %broadcast_in_dim3A_1464 = vector.shape_cast %sub3A_1463 : vector<2048xi32> to vector<1x2048xi32>
    %eq3A_1465 = vector.broadcast %broadcast_in_dim3A_1464 : vector<1x2048xi32> to vector<8x2048xi32>
    %eq3A_1466 = arith.cmpi eq, %iota3A, %eq3A_1465 : vector<8x2048xi32>
    %jit3A_1467 = arith.constant 0.000000e+00 : f32
    %broadcast_in_dim3A_1468 = vector.broadcast %jit3A_1467 : f32 to vector<8x2048xf32>
    %select_n3A_1469 = arith.select %eq3A_1466, %get3A_1458, %broadcast_in_dim3A_1468 : vector<8x2048xi1>, vector<8x2048xf32>
    %add3A_1470 = arith.addf %add3A_1455, %select_n3A_1469 : vector<8x2048xf32>
    %get3A_1471 = arith.constant 784 : index
    %get3A_1472 = arith.constant 0 : index
    %get3A_1473 = vector.load %arg1[%get3A_1471, %get3A_1472] : memref<1000x2048xf32, #tpu.memory_space<vmem>>, vector<8x2048xf32>
    %exp3A_1474 = math.exp %get3A_1473 : vector<8x2048xf32>
    %add3A_1475 = arith.addf %add3A_1460, %exp3A_1474 : vector<8x2048xf32>
    %sub3A_1476 = arith.constant 784 : i32
    %sub3A_1477 = vector.broadcast %sub3A_1476 : i32 to vector<2048xi32>
    %sub3A_1478 = arith.subi %get3A_3, %sub3A_1477 : vector<2048xi32>
    %broadcast_in_dim3A_1479 = vector.shape_cast %sub3A_1478 : vector<2048xi32> to vector<1x2048xi32>
    %eq3A_1480 = vector.broadcast %broadcast_in_dim3A_1479 : vector<1x2048xi32> to vector<8x2048xi32>
    %eq3A_1481 = arith.cmpi eq, %iota3A, %eq3A_1480 : vector<8x2048xi32>
    %jit3A_1482 = arith.constant 0.000000e+00 : f32
    %broadcast_in_dim3A_1483 = vector.broadcast %jit3A_1482 : f32 to vector<8x2048xf32>
    %select_n3A_1484 = arith.select %eq3A_1481, %get3A_1473, %broadcast_in_dim3A_1483 : vector<8x2048xi1>, vector<8x2048xf32>
    %add3A_1485 = arith.addf %add3A_1470, %select_n3A_1484 : vector<8x2048xf32>
    %get3A_1486 = arith.constant 792 : index
    %get3A_1487 = arith.constant 0 : index
    %get3A_1488 = vector.load %arg1[%get3A_1486, %get3A_1487] : memref<1000x2048xf32, #tpu.memory_space<vmem>>, vector<8x2048xf32>
    %exp3A_1489 = math.exp %get3A_1488 : vector<8x2048xf32>
    %add3A_1490 = arith.addf %add3A_1475, %exp3A_1489 : vector<8x2048xf32>
    %sub3A_1491 = arith.constant 792 : i32
    %sub3A_1492 = vector.broadcast %sub3A_1491 : i32 to vector<2048xi32>
    %sub3A_1493 = arith.subi %get3A_3, %sub3A_1492 : vector<2048xi32>
    %broadcast_in_dim3A_1494 = vector.shape_cast %sub3A_1493 : vector<2048xi32> to vector<1x2048xi32>
    %eq3A_1495 = vector.broadcast %broadcast_in_dim3A_1494 : vector<1x2048xi32> to vector<8x2048xi32>
    %eq3A_1496 = arith.cmpi eq, %iota3A, %eq3A_1495 : vector<8x2048xi32>
    %jit3A_1497 = arith.constant 0.000000e+00 : f32
    %broadcast_in_dim3A_1498 = vector.broadcast %jit3A_1497 : f32 to vector<8x2048xf32>
    %select_n3A_1499 = arith.select %eq3A_1496, %get3A_1488, %broadcast_in_dim3A_1498 : vector<8x2048xi1>, vector<8x2048xf32>
    %add3A_1500 = arith.addf %add3A_1485, %select_n3A_1499 : vector<8x2048xf32>
    %get3A_1501 = arith.constant 800 : index
    %get3A_1502 = arith.constant 0 : index
    %get3A_1503 = vector.load %arg1[%get3A_1501, %get3A_1502] : memref<1000x2048xf32, #tpu.memory_space<vmem>>, vector<8x2048xf32>
    %exp3A_1504 = math.exp %get3A_1503 : vector<8x2048xf32>
    %add3A_1505 = arith.addf %add3A_1490, %exp3A_1504 : vector<8x2048xf32>
    %sub3A_1506 = arith.constant 800 : i32
    %sub3A_1507 = vector.broadcast %sub3A_1506 : i32 to vector<2048xi32>
    %sub3A_1508 = arith.subi %get3A_3, %sub3A_1507 : vector<2048xi32>
    %broadcast_in_dim3A_1509 = vector.shape_cast %sub3A_1508 : vector<2048xi32> to vector<1x2048xi32>
    %eq3A_1510 = vector.broadcast %broadcast_in_dim3A_1509 : vector<1x2048xi32> to vector<8x2048xi32>
    %eq3A_1511 = arith.cmpi eq, %iota3A, %eq3A_1510 : vector<8x2048xi32>
    %jit3A_1512 = arith.constant 0.000000e+00 : f32
    %broadcast_in_dim3A_1513 = vector.broadcast %jit3A_1512 : f32 to vector<8x2048xf32>
    %select_n3A_1514 = arith.select %eq3A_1511, %get3A_1503, %broadcast_in_dim3A_1513 : vector<8x2048xi1>, vector<8x2048xf32>
    %add3A_1515 = arith.addf %add3A_1500, %select_n3A_1514 : vector<8x2048xf32>
    %get3A_1516 = arith.constant 808 : index
    %get3A_1517 = arith.constant 0 : index
    %get3A_1518 = vector.load %arg1[%get3A_1516, %get3A_1517] : memref<1000x2048xf32, #tpu.memory_space<vmem>>, vector<8x2048xf32>
    %exp3A_1519 = math.exp %get3A_1518 : vector<8x2048xf32>
    %add3A_1520 = arith.addf %add3A_1505, %exp3A_1519 : vector<8x2048xf32>
    %sub3A_1521 = arith.constant 808 : i32
    %sub3A_1522 = vector.broadcast %sub3A_1521 : i32 to vector<2048xi32>
    %sub3A_1523 = arith.subi %get3A_3, %sub3A_1522 : vector<2048xi32>
    %broadcast_in_dim3A_1524 = vector.shape_cast %sub3A_1523 : vector<2048xi32> to vector<1x2048xi32>
    %eq3A_1525 = vector.broadcast %broadcast_in_dim3A_1524 : vector<1x2048xi32> to vector<8x2048xi32>
    %eq3A_1526 = arith.cmpi eq, %iota3A, %eq3A_1525 : vector<8x2048xi32>
    %jit3A_1527 = arith.constant 0.000000e+00 : f32
    %broadcast_in_dim3A_1528 = vector.broadcast %jit3A_1527 : f32 to vector<8x2048xf32>
    %select_n3A_1529 = arith.select %eq3A_1526, %get3A_1518, %broadcast_in_dim3A_1528 : vector<8x2048xi1>, vector<8x2048xf32>
    %add3A_1530 = arith.addf %add3A_1515, %select_n3A_1529 : vector<8x2048xf32>
    %get3A_1531 = arith.constant 816 : index
    %get3A_1532 = arith.constant 0 : index
    %get3A_1533 = vector.load %arg1[%get3A_1531, %get3A_1532] : memref<1000x2048xf32, #tpu.memory_space<vmem>>, vector<8x2048xf32>
    %exp3A_1534 = math.exp %get3A_1533 : vector<8x2048xf32>
    %add3A_1535 = arith.addf %add3A_1520, %exp3A_1534 : vector<8x2048xf32>
    %sub3A_1536 = arith.constant 816 : i32
    %sub3A_1537 = vector.broadcast %sub3A_1536 : i32 to vector<2048xi32>
    %sub3A_1538 = arith.subi %get3A_3, %sub3A_1537 : vector<2048xi32>
    %broadcast_in_dim3A_1539 = vector.shape_cast %sub3A_1538 : vector<2048xi32> to vector<1x2048xi32>
    %eq3A_1540 = vector.broadcast %broadcast_in_dim3A_1539 : vector<1x2048xi32> to vector<8x2048xi32>
    %eq3A_1541 = arith.cmpi eq, %iota3A, %eq3A_1540 : vector<8x2048xi32>
    %jit3A_1542 = arith.constant 0.000000e+00 : f32
    %broadcast_in_dim3A_1543 = vector.broadcast %jit3A_1542 : f32 to vector<8x2048xf32>
    %select_n3A_1544 = arith.select %eq3A_1541, %get3A_1533, %broadcast_in_dim3A_1543 : vector<8x2048xi1>, vector<8x2048xf32>
    %add3A_1545 = arith.addf %add3A_1530, %select_n3A_1544 : vector<8x2048xf32>
    %get3A_1546 = arith.constant 824 : index
    %get3A_1547 = arith.constant 0 : index
    %get3A_1548 = vector.load %arg1[%get3A_1546, %get3A_1547] : memref<1000x2048xf32, #tpu.memory_space<vmem>>, vector<8x2048xf32>
    %exp3A_1549 = math.exp %get3A_1548 : vector<8x2048xf32>
    %add3A_1550 = arith.addf %add3A_1535, %exp3A_1549 : vector<8x2048xf32>
    %sub3A_1551 = arith.constant 824 : i32
    %sub3A_1552 = vector.broadcast %sub3A_1551 : i32 to vector<2048xi32>
    %sub3A_1553 = arith.subi %get3A_3, %sub3A_1552 : vector<2048xi32>
    %broadcast_in_dim3A_1554 = vector.shape_cast %sub3A_1553 : vector<2048xi32> to vector<1x2048xi32>
    %eq3A_1555 = vector.broadcast %broadcast_in_dim3A_1554 : vector<1x2048xi32> to vector<8x2048xi32>
    %eq3A_1556 = arith.cmpi eq, %iota3A, %eq3A_1555 : vector<8x2048xi32>
    %jit3A_1557 = arith.constant 0.000000e+00 : f32
    %broadcast_in_dim3A_1558 = vector.broadcast %jit3A_1557 : f32 to vector<8x2048xf32>
    %select_n3A_1559 = arith.select %eq3A_1556, %get3A_1548, %broadcast_in_dim3A_1558 : vector<8x2048xi1>, vector<8x2048xf32>
    %add3A_1560 = arith.addf %add3A_1545, %select_n3A_1559 : vector<8x2048xf32>
    %get3A_1561 = arith.constant 832 : index
    %get3A_1562 = arith.constant 0 : index
    %get3A_1563 = vector.load %arg1[%get3A_1561, %get3A_1562] : memref<1000x2048xf32, #tpu.memory_space<vmem>>, vector<8x2048xf32>
    %exp3A_1564 = math.exp %get3A_1563 : vector<8x2048xf32>
    %add3A_1565 = arith.addf %add3A_1550, %exp3A_1564 : vector<8x2048xf32>
    %sub3A_1566 = arith.constant 832 : i32
    %sub3A_1567 = vector.broadcast %sub3A_1566 : i32 to vector<2048xi32>
    %sub3A_1568 = arith.subi %get3A_3, %sub3A_1567 : vector<2048xi32>
    %broadcast_in_dim3A_1569 = vector.shape_cast %sub3A_1568 : vector<2048xi32> to vector<1x2048xi32>
    %eq3A_1570 = vector.broadcast %broadcast_in_dim3A_1569 : vector<1x2048xi32> to vector<8x2048xi32>
    %eq3A_1571 = arith.cmpi eq, %iota3A, %eq3A_1570 : vector<8x2048xi32>
    %jit3A_1572 = arith.constant 0.000000e+00 : f32
    %broadcast_in_dim3A_1573 = vector.broadcast %jit3A_1572 : f32 to vector<8x2048xf32>
    %select_n3A_1574 = arith.select %eq3A_1571, %get3A_1563, %broadcast_in_dim3A_1573 : vector<8x2048xi1>, vector<8x2048xf32>
    %add3A_1575 = arith.addf %add3A_1560, %select_n3A_1574 : vector<8x2048xf32>
    %get3A_1576 = arith.constant 840 : index
    %get3A_1577 = arith.constant 0 : index
    %get3A_1578 = vector.load %arg1[%get3A_1576, %get3A_1577] : memref<1000x2048xf32, #tpu.memory_space<vmem>>, vector<8x2048xf32>
    %exp3A_1579 = math.exp %get3A_1578 : vector<8x2048xf32>
    %add3A_1580 = arith.addf %add3A_1565, %exp3A_1579 : vector<8x2048xf32>
    %sub3A_1581 = arith.constant 840 : i32
    %sub3A_1582 = vector.broadcast %sub3A_1581 : i32 to vector<2048xi32>
    %sub3A_1583 = arith.subi %get3A_3, %sub3A_1582 : vector<2048xi32>
    %broadcast_in_dim3A_1584 = vector.shape_cast %sub3A_1583 : vector<2048xi32> to vector<1x2048xi32>
    %eq3A_1585 = vector.broadcast %broadcast_in_dim3A_1584 : vector<1x2048xi32> to vector<8x2048xi32>
    %eq3A_1586 = arith.cmpi eq, %iota3A, %eq3A_1585 : vector<8x2048xi32>
    %jit3A_1587 = arith.constant 0.000000e+00 : f32
    %broadcast_in_dim3A_1588 = vector.broadcast %jit3A_1587 : f32 to vector<8x2048xf32>
    %select_n3A_1589 = arith.select %eq3A_1586, %get3A_1578, %broadcast_in_dim3A_1588 : vector<8x2048xi1>, vector<8x2048xf32>
    %add3A_1590 = arith.addf %add3A_1575, %select_n3A_1589 : vector<8x2048xf32>
    %get3A_1591 = arith.constant 848 : index
    %get3A_1592 = arith.constant 0 : index
    %get3A_1593 = vector.load %arg1[%get3A_1591, %get3A_1592] : memref<1000x2048xf32, #tpu.memory_space<vmem>>, vector<8x2048xf32>
    %exp3A_1594 = math.exp %get3A_1593 : vector<8x2048xf32>
    %add3A_1595 = arith.addf %add3A_1580, %exp3A_1594 : vector<8x2048xf32>
    %sub3A_1596 = arith.constant 848 : i32
    %sub3A_1597 = vector.broadcast %sub3A_1596 : i32 to vector<2048xi32>
    %sub3A_1598 = arith.subi %get3A_3, %sub3A_1597 : vector<2048xi32>
    %broadcast_in_dim3A_1599 = vector.shape_cast %sub3A_1598 : vector<2048xi32> to vector<1x2048xi32>
    %eq3A_1600 = vector.broadcast %broadcast_in_dim3A_1599 : vector<1x2048xi32> to vector<8x2048xi32>
    %eq3A_1601 = arith.cmpi eq, %iota3A, %eq3A_1600 : vector<8x2048xi32>
    %jit3A_1602 = arith.constant 0.000000e+00 : f32
    %broadcast_in_dim3A_1603 = vector.broadcast %jit3A_1602 : f32 to vector<8x2048xf32>
    %select_n3A_1604 = arith.select %eq3A_1601, %get3A_1593, %broadcast_in_dim3A_1603 : vector<8x2048xi1>, vector<8x2048xf32>
    %add3A_1605 = arith.addf %add3A_1590, %select_n3A_1604 : vector<8x2048xf32>
    %get3A_1606 = arith.constant 856 : index
    %get3A_1607 = arith.constant 0 : index
    %get3A_1608 = vector.load %arg1[%get3A_1606, %get3A_1607] : memref<1000x2048xf32, #tpu.memory_space<vmem>>, vector<8x2048xf32>
    %exp3A_1609 = math.exp %get3A_1608 : vector<8x2048xf32>
    %add3A_1610 = arith.addf %add3A_1595, %exp3A_1609 : vector<8x2048xf32>
    %sub3A_1611 = arith.constant 856 : i32
    %sub3A_1612 = vector.broadcast %sub3A_1611 : i32 to vector<2048xi32>
    %sub3A_1613 = arith.subi %get3A_3, %sub3A_1612 : vector<2048xi32>
    %broadcast_in_dim3A_1614 = vector.shape_cast %sub3A_1613 : vector<2048xi32> to vector<1x2048xi32>
    %eq3A_1615 = vector.broadcast %broadcast_in_dim3A_1614 : vector<1x2048xi32> to vector<8x2048xi32>
    %eq3A_1616 = arith.cmpi eq, %iota3A, %eq3A_1615 : vector<8x2048xi32>
    %jit3A_1617 = arith.constant 0.000000e+00 : f32
    %broadcast_in_dim3A_1618 = vector.broadcast %jit3A_1617 : f32 to vector<8x2048xf32>
    %select_n3A_1619 = arith.select %eq3A_1616, %get3A_1608, %broadcast_in_dim3A_1618 : vector<8x2048xi1>, vector<8x2048xf32>
    %add3A_1620 = arith.addf %add3A_1605, %select_n3A_1619 : vector<8x2048xf32>
    %get3A_1621 = arith.constant 864 : index
    %get3A_1622 = arith.constant 0 : index
    %get3A_1623 = vector.load %arg1[%get3A_1621, %get3A_1622] : memref<1000x2048xf32, #tpu.memory_space<vmem>>, vector<8x2048xf32>
    %exp3A_1624 = math.exp %get3A_1623 : vector<8x2048xf32>
    %add3A_1625 = arith.addf %add3A_1610, %exp3A_1624 : vector<8x2048xf32>
    %sub3A_1626 = arith.constant 864 : i32
    %sub3A_1627 = vector.broadcast %sub3A_1626 : i32 to vector<2048xi32>
    %sub3A_1628 = arith.subi %get3A_3, %sub3A_1627 : vector<2048xi32>
    %broadcast_in_dim3A_1629 = vector.shape_cast %sub3A_1628 : vector<2048xi32> to vector<1x2048xi32>
    %eq3A_1630 = vector.broadcast %broadcast_in_dim3A_1629 : vector<1x2048xi32> to vector<8x2048xi32>
    %eq3A_1631 = arith.cmpi eq, %iota3A, %eq3A_1630 : vector<8x2048xi32>
    %jit3A_1632 = arith.constant 0.000000e+00 : f32
    %broadcast_in_dim3A_1633 = vector.broadcast %jit3A_1632 : f32 to vector<8x2048xf32>
    %select_n3A_1634 = arith.select %eq3A_1631, %get3A_1623, %broadcast_in_dim3A_1633 : vector<8x2048xi1>, vector<8x2048xf32>
    %add3A_1635 = arith.addf %add3A_1620, %select_n3A_1634 : vector<8x2048xf32>
    %get3A_1636 = arith.constant 872 : index
    %get3A_1637 = arith.constant 0 : index
    %get3A_1638 = vector.load %arg1[%get3A_1636, %get3A_1637] : memref<1000x2048xf32, #tpu.memory_space<vmem>>, vector<8x2048xf32>
    %exp3A_1639 = math.exp %get3A_1638 : vector<8x2048xf32>
    %add3A_1640 = arith.addf %add3A_1625, %exp3A_1639 : vector<8x2048xf32>
    %sub3A_1641 = arith.constant 872 : i32
    %sub3A_1642 = vector.broadcast %sub3A_1641 : i32 to vector<2048xi32>
    %sub3A_1643 = arith.subi %get3A_3, %sub3A_1642 : vector<2048xi32>
    %broadcast_in_dim3A_1644 = vector.shape_cast %sub3A_1643 : vector<2048xi32> to vector<1x2048xi32>
    %eq3A_1645 = vector.broadcast %broadcast_in_dim3A_1644 : vector<1x2048xi32> to vector<8x2048xi32>
    %eq3A_1646 = arith.cmpi eq, %iota3A, %eq3A_1645 : vector<8x2048xi32>
    %jit3A_1647 = arith.constant 0.000000e+00 : f32
    %broadcast_in_dim3A_1648 = vector.broadcast %jit3A_1647 : f32 to vector<8x2048xf32>
    %select_n3A_1649 = arith.select %eq3A_1646, %get3A_1638, %broadcast_in_dim3A_1648 : vector<8x2048xi1>, vector<8x2048xf32>
    %add3A_1650 = arith.addf %add3A_1635, %select_n3A_1649 : vector<8x2048xf32>
    %get3A_1651 = arith.constant 880 : index
    %get3A_1652 = arith.constant 0 : index
    %get3A_1653 = vector.load %arg1[%get3A_1651, %get3A_1652] : memref<1000x2048xf32, #tpu.memory_space<vmem>>, vector<8x2048xf32>
    %exp3A_1654 = math.exp %get3A_1653 : vector<8x2048xf32>
    %add3A_1655 = arith.addf %add3A_1640, %exp3A_1654 : vector<8x2048xf32>
    %sub3A_1656 = arith.constant 880 : i32
    %sub3A_1657 = vector.broadcast %sub3A_1656 : i32 to vector<2048xi32>
    %sub3A_1658 = arith.subi %get3A_3, %sub3A_1657 : vector<2048xi32>
    %broadcast_in_dim3A_1659 = vector.shape_cast %sub3A_1658 : vector<2048xi32> to vector<1x2048xi32>
    %eq3A_1660 = vector.broadcast %broadcast_in_dim3A_1659 : vector<1x2048xi32> to vector<8x2048xi32>
    %eq3A_1661 = arith.cmpi eq, %iota3A, %eq3A_1660 : vector<8x2048xi32>
    %jit3A_1662 = arith.constant 0.000000e+00 : f32
    %broadcast_in_dim3A_1663 = vector.broadcast %jit3A_1662 : f32 to vector<8x2048xf32>
    %select_n3A_1664 = arith.select %eq3A_1661, %get3A_1653, %broadcast_in_dim3A_1663 : vector<8x2048xi1>, vector<8x2048xf32>
    %add3A_1665 = arith.addf %add3A_1650, %select_n3A_1664 : vector<8x2048xf32>
    %get3A_1666 = arith.constant 888 : index
    %get3A_1667 = arith.constant 0 : index
    %get3A_1668 = vector.load %arg1[%get3A_1666, %get3A_1667] : memref<1000x2048xf32, #tpu.memory_space<vmem>>, vector<8x2048xf32>
    %exp3A_1669 = math.exp %get3A_1668 : vector<8x2048xf32>
    %add3A_1670 = arith.addf %add3A_1655, %exp3A_1669 : vector<8x2048xf32>
    %sub3A_1671 = arith.constant 888 : i32
    %sub3A_1672 = vector.broadcast %sub3A_1671 : i32 to vector<2048xi32>
    %sub3A_1673 = arith.subi %get3A_3, %sub3A_1672 : vector<2048xi32>
    %broadcast_in_dim3A_1674 = vector.shape_cast %sub3A_1673 : vector<2048xi32> to vector<1x2048xi32>
    %eq3A_1675 = vector.broadcast %broadcast_in_dim3A_1674 : vector<1x2048xi32> to vector<8x2048xi32>
    %eq3A_1676 = arith.cmpi eq, %iota3A, %eq3A_1675 : vector<8x2048xi32>
    %jit3A_1677 = arith.constant 0.000000e+00 : f32
    %broadcast_in_dim3A_1678 = vector.broadcast %jit3A_1677 : f32 to vector<8x2048xf32>
    %select_n3A_1679 = arith.select %eq3A_1676, %get3A_1668, %broadcast_in_dim3A_1678 : vector<8x2048xi1>, vector<8x2048xf32>
    %add3A_1680 = arith.addf %add3A_1665, %select_n3A_1679 : vector<8x2048xf32>
    %get3A_1681 = arith.constant 896 : index
    %get3A_1682 = arith.constant 0 : index
    %get3A_1683 = vector.load %arg1[%get3A_1681, %get3A_1682] : memref<1000x2048xf32, #tpu.memory_space<vmem>>, vector<8x2048xf32>
    %exp3A_1684 = math.exp %get3A_1683 : vector<8x2048xf32>
    %add3A_1685 = arith.addf %add3A_1670, %exp3A_1684 : vector<8x2048xf32>
    %sub3A_1686 = arith.constant 896 : i32
    %sub3A_1687 = vector.broadcast %sub3A_1686 : i32 to vector<2048xi32>
    %sub3A_1688 = arith.subi %get3A_3, %sub3A_1687 : vector<2048xi32>
    %broadcast_in_dim3A_1689 = vector.shape_cast %sub3A_1688 : vector<2048xi32> to vector<1x2048xi32>
    %eq3A_1690 = vector.broadcast %broadcast_in_dim3A_1689 : vector<1x2048xi32> to vector<8x2048xi32>
    %eq3A_1691 = arith.cmpi eq, %iota3A, %eq3A_1690 : vector<8x2048xi32>
    %jit3A_1692 = arith.constant 0.000000e+00 : f32
    %broadcast_in_dim3A_1693 = vector.broadcast %jit3A_1692 : f32 to vector<8x2048xf32>
    %select_n3A_1694 = arith.select %eq3A_1691, %get3A_1683, %broadcast_in_dim3A_1693 : vector<8x2048xi1>, vector<8x2048xf32>
    %add3A_1695 = arith.addf %add3A_1680, %select_n3A_1694 : vector<8x2048xf32>
    %get3A_1696 = arith.constant 904 : index
    %get3A_1697 = arith.constant 0 : index
    %get3A_1698 = vector.load %arg1[%get3A_1696, %get3A_1697] : memref<1000x2048xf32, #tpu.memory_space<vmem>>, vector<8x2048xf32>
    %exp3A_1699 = math.exp %get3A_1698 : vector<8x2048xf32>
    %add3A_1700 = arith.addf %add3A_1685, %exp3A_1699 : vector<8x2048xf32>
    %sub3A_1701 = arith.constant 904 : i32
    %sub3A_1702 = vector.broadcast %sub3A_1701 : i32 to vector<2048xi32>
    %sub3A_1703 = arith.subi %get3A_3, %sub3A_1702 : vector<2048xi32>
    %broadcast_in_dim3A_1704 = vector.shape_cast %sub3A_1703 : vector<2048xi32> to vector<1x2048xi32>
    %eq3A_1705 = vector.broadcast %broadcast_in_dim3A_1704 : vector<1x2048xi32> to vector<8x2048xi32>
    %eq3A_1706 = arith.cmpi eq, %iota3A, %eq3A_1705 : vector<8x2048xi32>
    %jit3A_1707 = arith.constant 0.000000e+00 : f32
    %broadcast_in_dim3A_1708 = vector.broadcast %jit3A_1707 : f32 to vector<8x2048xf32>
    %select_n3A_1709 = arith.select %eq3A_1706, %get3A_1698, %broadcast_in_dim3A_1708 : vector<8x2048xi1>, vector<8x2048xf32>
    %add3A_1710 = arith.addf %add3A_1695, %select_n3A_1709 : vector<8x2048xf32>
    %get3A_1711 = arith.constant 912 : index
    %get3A_1712 = arith.constant 0 : index
    %get3A_1713 = vector.load %arg1[%get3A_1711, %get3A_1712] : memref<1000x2048xf32, #tpu.memory_space<vmem>>, vector<8x2048xf32>
    %exp3A_1714 = math.exp %get3A_1713 : vector<8x2048xf32>
    %add3A_1715 = arith.addf %add3A_1700, %exp3A_1714 : vector<8x2048xf32>
    %sub3A_1716 = arith.constant 912 : i32
    %sub3A_1717 = vector.broadcast %sub3A_1716 : i32 to vector<2048xi32>
    %sub3A_1718 = arith.subi %get3A_3, %sub3A_1717 : vector<2048xi32>
    %broadcast_in_dim3A_1719 = vector.shape_cast %sub3A_1718 : vector<2048xi32> to vector<1x2048xi32>
    %eq3A_1720 = vector.broadcast %broadcast_in_dim3A_1719 : vector<1x2048xi32> to vector<8x2048xi32>
    %eq3A_1721 = arith.cmpi eq, %iota3A, %eq3A_1720 : vector<8x2048xi32>
    %jit3A_1722 = arith.constant 0.000000e+00 : f32
    %broadcast_in_dim3A_1723 = vector.broadcast %jit3A_1722 : f32 to vector<8x2048xf32>
    %select_n3A_1724 = arith.select %eq3A_1721, %get3A_1713, %broadcast_in_dim3A_1723 : vector<8x2048xi1>, vector<8x2048xf32>
    %add3A_1725 = arith.addf %add3A_1710, %select_n3A_1724 : vector<8x2048xf32>
    %get3A_1726 = arith.constant 920 : index
    %get3A_1727 = arith.constant 0 : index
    %get3A_1728 = vector.load %arg1[%get3A_1726, %get3A_1727] : memref<1000x2048xf32, #tpu.memory_space<vmem>>, vector<8x2048xf32>
    %exp3A_1729 = math.exp %get3A_1728 : vector<8x2048xf32>
    %add3A_1730 = arith.addf %add3A_1715, %exp3A_1729 : vector<8x2048xf32>
    %sub3A_1731 = arith.constant 920 : i32
    %sub3A_1732 = vector.broadcast %sub3A_1731 : i32 to vector<2048xi32>
    %sub3A_1733 = arith.subi %get3A_3, %sub3A_1732 : vector<2048xi32>
    %broadcast_in_dim3A_1734 = vector.shape_cast %sub3A_1733 : vector<2048xi32> to vector<1x2048xi32>
    %eq3A_1735 = vector.broadcast %broadcast_in_dim3A_1734 : vector<1x2048xi32> to vector<8x2048xi32>
    %eq3A_1736 = arith.cmpi eq, %iota3A, %eq3A_1735 : vector<8x2048xi32>
    %jit3A_1737 = arith.constant 0.000000e+00 : f32
    %broadcast_in_dim3A_1738 = vector.broadcast %jit3A_1737 : f32 to vector<8x2048xf32>
    %select_n3A_1739 = arith.select %eq3A_1736, %get3A_1728, %broadcast_in_dim3A_1738 : vector<8x2048xi1>, vector<8x2048xf32>
    %add3A_1740 = arith.addf %add3A_1725, %select_n3A_1739 : vector<8x2048xf32>
    %get3A_1741 = arith.constant 928 : index
    %get3A_1742 = arith.constant 0 : index
    %get3A_1743 = vector.load %arg1[%get3A_1741, %get3A_1742] : memref<1000x2048xf32, #tpu.memory_space<vmem>>, vector<8x2048xf32>
    %exp3A_1744 = math.exp %get3A_1743 : vector<8x2048xf32>
    %add3A_1745 = arith.addf %add3A_1730, %exp3A_1744 : vector<8x2048xf32>
    %sub3A_1746 = arith.constant 928 : i32
    %sub3A_1747 = vector.broadcast %sub3A_1746 : i32 to vector<2048xi32>
    %sub3A_1748 = arith.subi %get3A_3, %sub3A_1747 : vector<2048xi32>
    %broadcast_in_dim3A_1749 = vector.shape_cast %sub3A_1748 : vector<2048xi32> to vector<1x2048xi32>
    %eq3A_1750 = vector.broadcast %broadcast_in_dim3A_1749 : vector<1x2048xi32> to vector<8x2048xi32>
    %eq3A_1751 = arith.cmpi eq, %iota3A, %eq3A_1750 : vector<8x2048xi32>
    %jit3A_1752 = arith.constant 0.000000e+00 : f32
    %broadcast_in_dim3A_1753 = vector.broadcast %jit3A_1752 : f32 to vector<8x2048xf32>
    %select_n3A_1754 = arith.select %eq3A_1751, %get3A_1743, %broadcast_in_dim3A_1753 : vector<8x2048xi1>, vector<8x2048xf32>
    %add3A_1755 = arith.addf %add3A_1740, %select_n3A_1754 : vector<8x2048xf32>
    %get3A_1756 = arith.constant 936 : index
    %get3A_1757 = arith.constant 0 : index
    %get3A_1758 = vector.load %arg1[%get3A_1756, %get3A_1757] : memref<1000x2048xf32, #tpu.memory_space<vmem>>, vector<8x2048xf32>
    %exp3A_1759 = math.exp %get3A_1758 : vector<8x2048xf32>
    %add3A_1760 = arith.addf %add3A_1745, %exp3A_1759 : vector<8x2048xf32>
    %sub3A_1761 = arith.constant 936 : i32
    %sub3A_1762 = vector.broadcast %sub3A_1761 : i32 to vector<2048xi32>
    %sub3A_1763 = arith.subi %get3A_3, %sub3A_1762 : vector<2048xi32>
    %broadcast_in_dim3A_1764 = vector.shape_cast %sub3A_1763 : vector<2048xi32> to vector<1x2048xi32>
    %eq3A_1765 = vector.broadcast %broadcast_in_dim3A_1764 : vector<1x2048xi32> to vector<8x2048xi32>
    %eq3A_1766 = arith.cmpi eq, %iota3A, %eq3A_1765 : vector<8x2048xi32>
    %jit3A_1767 = arith.constant 0.000000e+00 : f32
    %broadcast_in_dim3A_1768 = vector.broadcast %jit3A_1767 : f32 to vector<8x2048xf32>
    %select_n3A_1769 = arith.select %eq3A_1766, %get3A_1758, %broadcast_in_dim3A_1768 : vector<8x2048xi1>, vector<8x2048xf32>
    %add3A_1770 = arith.addf %add3A_1755, %select_n3A_1769 : vector<8x2048xf32>
    %get3A_1771 = arith.constant 944 : index
    %get3A_1772 = arith.constant 0 : index
    %get3A_1773 = vector.load %arg1[%get3A_1771, %get3A_1772] : memref<1000x2048xf32, #tpu.memory_space<vmem>>, vector<8x2048xf32>
    %exp3A_1774 = math.exp %get3A_1773 : vector<8x2048xf32>
    %add3A_1775 = arith.addf %add3A_1760, %exp3A_1774 : vector<8x2048xf32>
    %sub3A_1776 = arith.constant 944 : i32
    %sub3A_1777 = vector.broadcast %sub3A_1776 : i32 to vector<2048xi32>
    %sub3A_1778 = arith.subi %get3A_3, %sub3A_1777 : vector<2048xi32>
    %broadcast_in_dim3A_1779 = vector.shape_cast %sub3A_1778 : vector<2048xi32> to vector<1x2048xi32>
    %eq3A_1780 = vector.broadcast %broadcast_in_dim3A_1779 : vector<1x2048xi32> to vector<8x2048xi32>
    %eq3A_1781 = arith.cmpi eq, %iota3A, %eq3A_1780 : vector<8x2048xi32>
    %jit3A_1782 = arith.constant 0.000000e+00 : f32
    %broadcast_in_dim3A_1783 = vector.broadcast %jit3A_1782 : f32 to vector<8x2048xf32>
    %select_n3A_1784 = arith.select %eq3A_1781, %get3A_1773, %broadcast_in_dim3A_1783 : vector<8x2048xi1>, vector<8x2048xf32>
    %add3A_1785 = arith.addf %add3A_1770, %select_n3A_1784 : vector<8x2048xf32>
    %get3A_1786 = arith.constant 952 : index
    %get3A_1787 = arith.constant 0 : index
    %get3A_1788 = vector.load %arg1[%get3A_1786, %get3A_1787] : memref<1000x2048xf32, #tpu.memory_space<vmem>>, vector<8x2048xf32>
    %exp3A_1789 = math.exp %get3A_1788 : vector<8x2048xf32>
    %add3A_1790 = arith.addf %add3A_1775, %exp3A_1789 : vector<8x2048xf32>
    %sub3A_1791 = arith.constant 952 : i32
    %sub3A_1792 = vector.broadcast %sub3A_1791 : i32 to vector<2048xi32>
    %sub3A_1793 = arith.subi %get3A_3, %sub3A_1792 : vector<2048xi32>
    %broadcast_in_dim3A_1794 = vector.shape_cast %sub3A_1793 : vector<2048xi32> to vector<1x2048xi32>
    %eq3A_1795 = vector.broadcast %broadcast_in_dim3A_1794 : vector<1x2048xi32> to vector<8x2048xi32>
    %eq3A_1796 = arith.cmpi eq, %iota3A, %eq3A_1795 : vector<8x2048xi32>
    %jit3A_1797 = arith.constant 0.000000e+00 : f32
    %broadcast_in_dim3A_1798 = vector.broadcast %jit3A_1797 : f32 to vector<8x2048xf32>
    %select_n3A_1799 = arith.select %eq3A_1796, %get3A_1788, %broadcast_in_dim3A_1798 : vector<8x2048xi1>, vector<8x2048xf32>
    %add3A_1800 = arith.addf %add3A_1785, %select_n3A_1799 : vector<8x2048xf32>
    %get3A_1801 = arith.constant 960 : index
    %get3A_1802 = arith.constant 0 : index
    %get3A_1803 = vector.load %arg1[%get3A_1801, %get3A_1802] : memref<1000x2048xf32, #tpu.memory_space<vmem>>, vector<8x2048xf32>
    %exp3A_1804 = math.exp %get3A_1803 : vector<8x2048xf32>
    %add3A_1805 = arith.addf %add3A_1790, %exp3A_1804 : vector<8x2048xf32>
    %sub3A_1806 = arith.constant 960 : i32
    %sub3A_1807 = vector.broadcast %sub3A_1806 : i32 to vector<2048xi32>
    %sub3A_1808 = arith.subi %get3A_3, %sub3A_1807 : vector<2048xi32>
    %broadcast_in_dim3A_1809 = vector.shape_cast %sub3A_1808 : vector<2048xi32> to vector<1x2048xi32>
    %eq3A_1810 = vector.broadcast %broadcast_in_dim3A_1809 : vector<1x2048xi32> to vector<8x2048xi32>
    %eq3A_1811 = arith.cmpi eq, %iota3A, %eq3A_1810 : vector<8x2048xi32>
    %jit3A_1812 = arith.constant 0.000000e+00 : f32
    %broadcast_in_dim3A_1813 = vector.broadcast %jit3A_1812 : f32 to vector<8x2048xf32>
    %select_n3A_1814 = arith.select %eq3A_1811, %get3A_1803, %broadcast_in_dim3A_1813 : vector<8x2048xi1>, vector<8x2048xf32>
    %add3A_1815 = arith.addf %add3A_1800, %select_n3A_1814 : vector<8x2048xf32>
    %get3A_1816 = arith.constant 968 : index
    %get3A_1817 = arith.constant 0 : index
    %get3A_1818 = vector.load %arg1[%get3A_1816, %get3A_1817] : memref<1000x2048xf32, #tpu.memory_space<vmem>>, vector<8x2048xf32>
    %exp3A_1819 = math.exp %get3A_1818 : vector<8x2048xf32>
    %add3A_1820 = arith.addf %add3A_1805, %exp3A_1819 : vector<8x2048xf32>
    %sub3A_1821 = arith.constant 968 : i32
    %sub3A_1822 = vector.broadcast %sub3A_1821 : i32 to vector<2048xi32>
    %sub3A_1823 = arith.subi %get3A_3, %sub3A_1822 : vector<2048xi32>
    %broadcast_in_dim3A_1824 = vector.shape_cast %sub3A_1823 : vector<2048xi32> to vector<1x2048xi32>
    %eq3A_1825 = vector.broadcast %broadcast_in_dim3A_1824 : vector<1x2048xi32> to vector<8x2048xi32>
    %eq3A_1826 = arith.cmpi eq, %iota3A, %eq3A_1825 : vector<8x2048xi32>
    %jit3A_1827 = arith.constant 0.000000e+00 : f32
    %broadcast_in_dim3A_1828 = vector.broadcast %jit3A_1827 : f32 to vector<8x2048xf32>
    %select_n3A_1829 = arith.select %eq3A_1826, %get3A_1818, %broadcast_in_dim3A_1828 : vector<8x2048xi1>, vector<8x2048xf32>
    %add3A_1830 = arith.addf %add3A_1815, %select_n3A_1829 : vector<8x2048xf32>
    %get3A_1831 = arith.constant 976 : index
    %get3A_1832 = arith.constant 0 : index
    %get3A_1833 = vector.load %arg1[%get3A_1831, %get3A_1832] : memref<1000x2048xf32, #tpu.memory_space<vmem>>, vector<8x2048xf32>
    %exp3A_1834 = math.exp %get3A_1833 : vector<8x2048xf32>
    %add3A_1835 = arith.addf %add3A_1820, %exp3A_1834 : vector<8x2048xf32>
    %sub3A_1836 = arith.constant 976 : i32
    %sub3A_1837 = vector.broadcast %sub3A_1836 : i32 to vector<2048xi32>
    %sub3A_1838 = arith.subi %get3A_3, %sub3A_1837 : vector<2048xi32>
    %broadcast_in_dim3A_1839 = vector.shape_cast %sub3A_1838 : vector<2048xi32> to vector<1x2048xi32>
    %eq3A_1840 = vector.broadcast %broadcast_in_dim3A_1839 : vector<1x2048xi32> to vector<8x2048xi32>
    %eq3A_1841 = arith.cmpi eq, %iota3A, %eq3A_1840 : vector<8x2048xi32>
    %jit3A_1842 = arith.constant 0.000000e+00 : f32
    %broadcast_in_dim3A_1843 = vector.broadcast %jit3A_1842 : f32 to vector<8x2048xf32>
    %select_n3A_1844 = arith.select %eq3A_1841, %get3A_1833, %broadcast_in_dim3A_1843 : vector<8x2048xi1>, vector<8x2048xf32>
    %add3A_1845 = arith.addf %add3A_1830, %select_n3A_1844 : vector<8x2048xf32>
    %get3A_1846 = arith.constant 984 : index
    %get3A_1847 = arith.constant 0 : index
    %get3A_1848 = vector.load %arg1[%get3A_1846, %get3A_1847] : memref<1000x2048xf32, #tpu.memory_space<vmem>>, vector<8x2048xf32>
    %exp3A_1849 = math.exp %get3A_1848 : vector<8x2048xf32>
    %add3A_1850 = arith.addf %add3A_1835, %exp3A_1849 : vector<8x2048xf32>
    %sub3A_1851 = arith.constant 984 : i32
    %sub3A_1852 = vector.broadcast %sub3A_1851 : i32 to vector<2048xi32>
    %sub3A_1853 = arith.subi %get3A_3, %sub3A_1852 : vector<2048xi32>
    %broadcast_in_dim3A_1854 = vector.shape_cast %sub3A_1853 : vector<2048xi32> to vector<1x2048xi32>
    %eq3A_1855 = vector.broadcast %broadcast_in_dim3A_1854 : vector<1x2048xi32> to vector<8x2048xi32>
    %eq3A_1856 = arith.cmpi eq, %iota3A, %eq3A_1855 : vector<8x2048xi32>
    %jit3A_1857 = arith.constant 0.000000e+00 : f32
    %broadcast_in_dim3A_1858 = vector.broadcast %jit3A_1857 : f32 to vector<8x2048xf32>
    %select_n3A_1859 = arith.select %eq3A_1856, %get3A_1848, %broadcast_in_dim3A_1858 : vector<8x2048xi1>, vector<8x2048xf32>
    %add3A_1860 = arith.addf %add3A_1845, %select_n3A_1859 : vector<8x2048xf32>
    %get3A_1861 = arith.constant 992 : index
    %get3A_1862 = arith.constant 0 : index
    %get3A_1863 = vector.load %arg1[%get3A_1861, %get3A_1862] : memref<1000x2048xf32, #tpu.memory_space<vmem>>, vector<8x2048xf32>
    %exp3A_1864 = math.exp %get3A_1863 : vector<8x2048xf32>
    %add3A_1865 = arith.addf %add3A_1850, %exp3A_1864 : vector<8x2048xf32>
    %sub3A_1866 = arith.constant 992 : i32
    %sub3A_1867 = vector.broadcast %sub3A_1866 : i32 to vector<2048xi32>
    %sub3A_1868 = arith.subi %get3A_3, %sub3A_1867 : vector<2048xi32>
    %broadcast_in_dim3A_1869 = vector.shape_cast %sub3A_1868 : vector<2048xi32> to vector<1x2048xi32>
    %eq3A_1870 = vector.broadcast %broadcast_in_dim3A_1869 : vector<1x2048xi32> to vector<8x2048xi32>
    %eq3A_1871 = arith.cmpi eq, %iota3A, %eq3A_1870 : vector<8x2048xi32>
    %jit3A_1872 = arith.constant 0.000000e+00 : f32
    %broadcast_in_dim3A_1873 = vector.broadcast %jit3A_1872 : f32 to vector<8x2048xf32>
    %select_n3A_1874 = arith.select %eq3A_1871, %get3A_1863, %broadcast_in_dim3A_1873 : vector<8x2048xi1>, vector<8x2048xf32>
    %add3A_1875 = arith.addf %add3A_1860, %select_n3A_1874 : vector<8x2048xf32>
    %reduce_sum3A = arith.constant dense<0.000000e+00> : vector<2048xf32>
    %reduce_sum3A_1876 = vector.multi_reduction <add>, %add3A_1865, %reduce_sum3A [0] : vector<8x2048xf32> to vector<2048xf32>
    %reduce_sum3A_1877 = arith.constant dense<0.000000e+00> : vector<2048xf32>
    %reduce_sum3A_1878 = vector.multi_reduction <add>, %add3A_1875, %reduce_sum3A_1877 [0] : vector<8x2048xf32> to vector<2048xf32>
    %log3A = math.log %reduce_sum3A_1876 : vector<2048xf32>
    %sub3A_1879 = arith.subf %log3A, %reduce_sum3A_1878 : vector<2048xf32>
    %swap3A = arith.constant 0 : index
    %swap3A_1880 = arith.constant 0 : index
    %swap3A_1881 = arith.constant 0 : index
    %swap3A_1882 = vector.load %arg3[%swap3A, %swap3A_1880, %swap3A_1881] : memref<1x1x2048xf32, #tpu.memory_space<vmem>>, vector<1x1x2048xf32>
    %swap3A_1883 = vector.shape_cast %swap3A_1882 : vector<1x1x2048xf32> to vector<2048xf32>
    %swap3A_1884 = vector.shape_cast %sub3A_1879 : vector<2048xf32> to vector<1x1x2048xf32>
    tpu.vector_store %arg3[%swap3A, %swap3A_1880, %swap3A_1881], %swap3A_1884 {strides = array<i32>} : memref<1x1x2048xf32, #tpu.memory_space<vmem>>, vector<1x1x2048xf32>,
    %sub3A_1885 = arith.subf %reduce_sum3A_1878, %log3A : vector<2048xf32>
    %exp3A_1886 = math.exp %sub3A_1885 : vector<2048xf32>
    %sub3A_1887 = arith.constant 1.000000e+00 : f32
    %sub3A_1888 = vector.broadcast %sub3A_1887 : f32 to vector<2048xf32>
    %sub3A_1889 = arith.subf %sub3A_1888, %exp3A_1886 : vector<2048xf32>
    %swap3A_1890 = arith.constant 0 : index
    %swap3A_1891 = arith.constant 0 : index
    %swap3A_1892 = arith.constant 0 : index
    %swap3A_1893 = vector.load %arg4[%swap3A_1890, %swap3A_1891, %swap3A_1892] : memref<1x1x2048xf32, #tpu.memory_space<vmem>>, vector<1x1x2048xf32>
    %swap3A_1894 = vector.shape_cast %swap3A_1893 : vector<1x1x2048xf32> to vector<2048xf32>
    %swap3A_1895 = vector.shape_cast %sub3A_1889 : vector<2048xf32> to vector<1x1x2048xf32>
    tpu.vector_store %arg4[%swap3A_1890, %swap3A_1891, %swap3A_1892], %swap3A_1895 {strides = array<i32>} : memref<1x1x2048xf32, #tpu.memory_space<vmem>>, vector<1x1x2048xf32>,
    return
  }
  func.func @transform_0(%arg0: i32) -> (i32, i32) {
    %c0_i32 = arith.constant 0 : i32
    %c0_i32_0 = arith.constant 0 : i32
    return %c0_i32, %arg0 : i32, i32
  }
  func.func @transform_1(%arg0: i32) -> (i32, i32, i32) {
    %c0_i32 = arith.constant 0 : i32
    %c0_i32_0 = arith.constant 0 : i32
    %c0_i32_1 = arith.constant 0 : i32
    return %arg0, %c0_i32, %c0_i32_0 : i32, i32, i32
  }
  func.func @transform_2(%arg0: i32) -> (i32, i32, i32) {
    %c0_i32 = arith.constant 0 : i32
    %c0_i32_0 = arith.constant 0 : i32
    %c0_i32_1 = arith.constant 0 : i32
    return %arg0, %c0_i32, %c0_i32_0 : i32, i32, i32
  }
  func.func @transform_3(%arg0: i32) -> (i32, i32, i32) {
    %c0_i32 = arith.constant 0 : i32
    %c0_i32_0 = arith.constant 0 : i32
    %c0_i32_1 = arith.constant 0 : i32
    return %arg0, %c0_i32, %c0_i32_0 : i32, i32, i32
  }
}

</mosaic_0001>

<sc_bundles>
// kernel: kernel.4.cloned.1.call-start
scs
__scs_entry_jumppad:
0x0: {  	(pc) =	sbr.rel $0x88, $3  }
0x1: {  	(tag) =	ssettag $0x0;
	lr =	simm.s32 $0x1  }
0x2: {  	[smem:$0x3F9F] =	sst lr;
	_ =	strace $0xD0000000  }
0x3: {  	_ = 	snop  }
0x4: {  	_ = 	snop  }
0x5: {  	_ = 	snop  }
0x6: {  	_ = 	snop  }
0x7: {  	_ = 	snop  }
__scs_overlays_trampoline_lowered:
0x8: {  	[smem:$0x3FAE] =	sst s0  }
0x9: {  	[smem:$0x3FAF] =	sst s1  }
0xa: {  	[smem:$0x3FB0] =	sst s2  }
0xb: {  	[smem:$0x3FB1] =	sst s3  }
0xc: {  	[smem:$0x3FB2] =	sst s4  }
0xd: {  	[smem:$0x3FB3] =	sst s5  }
0xe: {  	[smem:$0x3FB4] =	sst s6  }
0xf: {  	[smem:$0x3FB5] =	sst s7  }
0x10: {  	[smem:$0x3FB6] =	sst s8  }
0x11: {  	[smem:$0x3FB7] =	sst s9;
	s0 =	simm.s32 @!p0 $0x0  }
0x12: {  	s1 =	sld [smem:$0x3F9D];
	s0 =	simm.s32 @p0 $0x1  }
0x13: {  	[smem:$0x3FB8] =	sst s0;
	s0 =	simm.s32 @!p1 $0x0  }
0x14: {  	s2 =	sld [smem:$0x3F9C];
	s0 =	simm.s32 @p1 $0x1  }
0x15: {  	[smem:$0x3FB9] =	sst s0;
	s0 =	simm.s32 @!p2 $0x0  }
0x16: {  	s3 =	sld [smem:$0x3FDB];
	s0 =	simm.s32 @p2 $0x1  }
0x17: {  	s4 =	simm.s32 $0x1BF5;
	[smem:$0x3FBB] =	sst s0  }
0x18: {  	s0 =	sld [smem:$0x3F9E];
	_ =	swait.ge [sflag:s4], $0x0  }
0x19: {  	s7 =	sld [smem:$0x3F9F]  }
0x1a: {  	s8 =	sadd.s32 $0xFFFFE003, lr  }
0x1b: {  	s9 =	sadd.s32 $0xFFFFFEF7, lr;
	s5 =	simm.s32 $0xFFFFFFFF;
	p2 =	slt.u32 s8, $0xFFFFF086  }
0x1c: {  	p1 =	slt.u32 s9, $0xF7A;
	s5 =	simm.s32 @!p2 $0x0  }
0x1d: {  	s5 =	simm.s32 @p1 $0x1;
	p0 =	seq.s32 s7, s2  }
0x1e: {  	s7 =	smul.u32 @!p0 $0xF7A, s2;
	p2 =	seq.s32 @!p0 s5, $0x0  }
0x1f: {  	s9 =	smul.u32 $0xF7A, s1;
	s8 =	simm.s32 @!p0 $0x1BF5;
	p2 =	por !p2, p0  }
0x20: {  	[sflag:s8] =	ssyncset.s32 @!p0 $0xFFFFF086;
	s6 =	sadd.s32 @!p0 s3, s7;
	s7 =	simm.s32 @!p0 $0x108  }
0x21: {  	s3 =	sadd.s32 s3, s9;
	s6 =	sadd.s32 @!p0 $0x88, s6;
	s7 =	simm.s32 @p2 $0x1082  }
0x22: {  	[simem:s7], [sflag:s8] =	dma.local @!p0 [hbm:s6], $0xF7A  }
0x23: {  	s9 =	sor.u32 $0xD0000000, s2;
	s6 =	simm.s32 $0x108;
	_ =	swait.ge @!p0 [sflag:s8], $0x0  }
0x24: {  	s3 =	sadd.s32 $0x88, s3;
	s6 =	simm.s32 @!p1 $0x1082;
	[sflag:s4] =	ssyncset.s32 $0xFFFFF086  }
0x25: {  	[simem:s6], [sflag:s4] =	dma.local [hbm:s3], $0xF7A  }
0x26: {  	[smem:$0x3F9F] =	sst s1;
	(tag) =	ssettag s2;
	_ =	strace s9  }
0x27: {  	s1 =	sld [smem:$0x3FAF]  }
0x28: {  	s2 =	sld [smem:$0x3FB0]  }
0x29: {  	s4 =	sld [smem:$0x3FB2]  }
0x2a: {  	p0 =	seq.s32 s5, $0x0;
	s5 =	sld [smem:$0x3FB3]  }
0x2b: {  	s6 =	sld [smem:$0x3FB4]  }
0x2c: {  	s7 =	sld [smem:$0x3FB5]  }
0x2d: {  	s3 =	simm.s32 $0x108;
	s8 =	sld [smem:$0x3FB6]  }
0x2e: {  	s3 =	simm.s32 @!p0 $0x1082;
	s9 =	sld [smem:$0x3FB7]  }
0x2f: {  	lr =	sadd.s32 s0, s3;
	s0 =	sld [smem:$0x3FAE]  }
0x30: {  	s3 =	sld [smem:$0x3FB1]  }
0x31: {  	[smem:$0x3FBA] =	sst s10  }
0x32: {  	s10 =	sld [smem:$0x3FB8];
	_ =	sdelay $0x3  }
0x33: {  	p0 =	seq.s32 s10, $0x1;
	s10 =	sld [smem:$0x3FBA];
	_ =	sdelay $0x3  }
0x34: {  	[smem:$0x3FBA] =	sst s10  }
0x35: {  	s10 =	sld [smem:$0x3FB9];
	_ =	sdelay $0x3  }
0x36: {  	p1 =	seq.s32 s10, $0x1;
	s10 =	sld [smem:$0x3FBA];
	_ =	sdelay $0x3  }
0x37: {  	[smem:$0x3FBA] =	sst s10  }
0x38: {  	s10 =	sld [smem:$0x3FBB]  }
0x39: {  	_ = 	snop;
	(pc) =	sbr.ind lr, $3  }
0x3a: {  	_ = 	snop  }
0x3b: {  	_ = 	snop  }
0x3c: {  	p2 =	seq.s32 s10, $0x1;
	s10 =	sld [smem:$0x3FBA]  }
0x3d: {  	_ =	shalt  }
0x3e: {  	_ =	shalt  }
0x3f: {  	_ =	shalt  }
0x40: {  	_ =	shalt  }
0x41: {  	_ =	shalt  }
0x42: {  	_ =	shalt  }
0x43: {  	_ =	shalt  }
0x44: {  	_ =	shalt  }
0x45: {  	_ =	shalt  }
0x46: {  	_ =	shalt  }
0x47: {  	_ =	shalt  }
0x48: {  	_ =	shalt  }
0x49: {  	_ =	shalt  }
0x4a: {  	_ =	shalt  }
0x4b: {  	_ =	shalt  }
0x4c: {  	_ =	shalt  }
0x4d: {  	_ =	shalt  }
0x4e: {  	_ =	shalt  }
0x4f: {  	_ =	shalt  }
0x50: {  	_ =	shalt  }
0x51: {  	_ =	shalt  }
0x52: {  	_ =	shalt  }
0x53: {  	_ =	shalt  }
0x54: {  	_ =	shalt  }
0x55: {  	_ =	shalt  }
0x56: {  	_ =	shalt  }
0x57: {  	_ =	shalt  }
0x58: {  	_ =	shalt  }
0x59: {  	_ =	shalt  }
0x5a: {  	_ =	shalt  }
0x5b: {  	_ =	shalt  }
0x5c: {  	_ =	shalt  }
0x5d: {  	_ =	shalt  }
0x5e: {  	_ =	shalt  }
0x5f: {  	_ =	shalt  }
0x60: {  	_ =	shalt  }
0x61: {  	_ =	shalt  }
0x62: {  	_ =	shalt  }
0x63: {  	_ =	shalt  }
0x64: {  	_ =	shalt  }
0x65: {  	_ =	shalt  }
0x66: {  	_ =	shalt  }
0x67: {  	_ =	shalt  }
0x68: {  	_ =	shalt  }
0x69: {  	_ =	shalt  }
0x6a: {  	_ =	shalt  }
0x6b: {  	_ =	shalt  }
0x6c: {  	_ =	shalt  }
0x6d: {  	_ =	shalt  }
0x6e: {  	_ =	shalt  }
0x6f: {  	_ =	shalt  }
0x70: {  	_ =	shalt  }
0x71: {  	_ =	shalt  }
0x72: {  	_ =	shalt  }
0x73: {  	_ =	shalt  }
0x74: {  	_ =	shalt  }
0x75: {  	_ =	shalt  }
0x76: {  	_ =	shalt  }
0x77: {  	_ =	shalt  }
0x78: {  	_ =	shalt  }
0x79: {  	_ =	shalt  }
0x7a: {  	_ =	shalt  }
0x7b: {  	_ =	shalt  }
0x7c: {  	_ =	shalt  }
0x7d: {  	_ =	shalt  }
0x7e: {  	_ =	shalt  }
0x7f: {  	_ =	shalt  }
0x80: {  	_ =	shalt  }
0x81: {  	_ =	shalt  }
0x82: {  	_ =	shalt  }
0x83: {  	_ =	shalt  }
0x84: {  	_ =	shalt  }
0x85: {  	_ =	shalt  }
0x86: {  	_ =	shalt  }
0x87: {  	_ =	shalt  }
.Lfunc_end0:
.L_simem_size_0:
called_computation_lowered:
.L_overlay_start_0:
0x88: {  	s0 =	sld [smem:$0x3FD9]  }
0x89: {  	s1 =	sld [smem:$0x3FFE];
	_ =	sdelay $0x3  }
0x8a: {  	s0 =	sadd.s32 s1, s0  }
0x8b: {  	[smem:$0x3FC6] =	sst s0  }
0x8c: {  	_ = 	snop  }
0x8d: {  	s0 =	sld [smem:$0x3FD0];
	(tm) =	ssettm $0x1  }
0x8e: {  	s16 =	sld [smem:$0x3FFB];
	_ =	sdelay $0x3  }
0x8f: {  	_ =	strace s16  }
0x90: {  	s1 =	sld [smem:$0x3FFC];
	_ =	sdelay $0x3  }
0x91: {  	_ =	strace s1  }
0x92: {  	s1 =	sld [smem:$0x3FFD];
	_ =	sdelay $0x3  }
0x93: {  	_ =	strace s1  }
0x94: {  	_ =	strace $0x8FFFFFFF  }
0x95: {  	s17 =	sld [smem:$0x3FDB];
	_ =	sdelay $0x1  }
0x96: {  	s2 =	simm.s32 $_scs_section_size  }
0x97: {  	s3 =	simm.s32 $_size__tile_overlayer_lowered;
	s4 =	simm.s32 $_tile_overlayer_lowered  }
0x98: {  	s20 =	simm.s32 $0x1BFF;
	s19 =	sshll.u32 s4, $0x1;
	s1 =	sadd.s32 s2, s17  }
0x99: {  	s5 =	simm.s32 $0x0;
	s18 =	sshll.u32 s3, $0x1;
	s3 =	sadd.s32 s19, s1  }
0x9a: {  	[timem:s5], [sflag:s20] =	dma.local [hbm:s3], s18  }
0x9b: {  	_ =	swait.ge [sflag:s20], s18  }
0x9c: {  	s2 =	ssub.s32 $0x0, s18;
	[sflag:s20] =	ssyncset.done $0x0  }
0x9d: {  	[sflag:s20] =	ssyncadd.s32 s2;
	_ =	sdelay $0x1  }
0x9e: {  	s21 =	simm.s32 $0x1B8B  }
0x9f: {  	_ =	swait.ge [sflag:s21], $0x1  }
0xa0: {  	[sflag:s21] =	ssyncset.done $0x0  }
0xa1: {  	s23 =	simm.s32 $0x1B8E;
	s22 =	sld [smem:$0x3FFE];
	[sflag:s21] =	ssyncadd.s32 $0xFFFFFFFF  }
0xa2: {  	s24 =	simm.s32 $execute0_lowered;
	[smem:$0x3FD2] =	sst s23  }
0xa3: {  	s3 =	sshll.u32 s24, $0x1;
	_ =	strace $0x80000046;
	[dreg:$0x1] =	wrdreg $0xFFFFFFFF  }
0xa4: {  	s25 =	simm.s32 $_size_execute0_lowered;
	s1 =	sadd.s32 s1, s3;
	[dreg:$0x0] =	wrdreg $0x0  }
0xa5: {  	s3 =	sshll.u32 s25, $0x1;
	[dreg:$0x2] =	wrdreg s1  }
0xa6: {  	[dreg:$0x3] =	wrdreg s3  }
0xa7: {  	[dreg:$0x4] =	wrdreg $0xC0  }
0xa8: {  	_ =	task [dreg:s5], $0x5FFFF  }
0xa9: {  	[dreg:$0x1] =	wrdreg $0xFFFFFFFF  }
0xaa: {  	[dreg:$0x0] =	wrdreg $0x60  }
0xab: {  	[dreg:$0x2] =	wrdreg s22  }
0xac: {  	[dreg:$0x3] =	wrdreg s0  }
0xad: {  	[dreg:$0x4] =	wrdreg $0x9  }
0xae: {  	_ =	task.clear_ibuf [dreg:s5], $0x5FFFF;
	_ =	strace $0x90000046  }
0xaf: {  	s26 =	simm.s32 $0x9;
	_ =	strace $0x80000048  }
0xb0: {  	_ =	swait.ge [sflag:s26], $0x1  }
0xb1: {  	[sflag:s26] =	ssyncadd.s32 $0xFFFFFFFF  }
0xb2: {  	_ =	strace $0x90000048  }
0xb3: {  	_ =	sfence  }
0xb4: {  	s28 =	sld [smem:$0x0];
	_ =	sdelay $0x1  }
0xb5: {  	s29 =	srdreg.scid  }
0xb6: {  	s30 =	sshll.u32 s29, $0xD;
	s31 =	sshrl.u32 s29, $0x2  }
0xb7: {  	s2 =	sand.u32 $0x4000, s30;
	s1 =	sand.u32 $0x1, s29;
	s0 =	sadd.s32 s31, s28  }
0xb8: {  	s1 =	sor.u32 s2, s1;
	s0 =	sshll.u32 s0, $0x11  }
0xb9: {  	s0 =	sor.u32 s0, s1  }
0xba: {  	s0 =	sadd.s32 $0x8F2B, s0  }
0xbb: {  	[sflag:s0] =	ssyncadd.remote.s32 $0x1  }
0xbc: {  	_ =	sfence.sel $0xFFFF  }
0xbd: {  	[dreg:$0x0] =	wrdreg $0xFFFFFFFF;
	(pc) =	sbr.abs _section_cstart, $3  }
0xbe: {  	[dreg:$0x1] =	wrdreg $0xFFFFFFFF  }
0xbf: {  	_ =	task.clear_ibuf [dreg:s5], $0x2FFFF;
	_ =	strace $0x9FFFFFFF  }
0xc0: {  	(tm) =	ssettm $0x7FFFFFFF  }
0xc1: {  	_ =	shalt  }
tec
execute0_lowered:
.L_overlay_start_1:
0x0: {  	(tag) =	ssettag $0x1  }
0x1: {  	s3 =	rddreg [dreg:$0x0]  }
0x2: {  	s1 =	rddreg [dreg:$0x1];
	s2 =	stileid.u32  }
0x3: {  	s0 =	rddreg [dreg:$0x2];
	s4 =	simm.s32 $0x0;
	s5 =	sshll.u32 s2, $0x7  }
0x4: {  	s7 =	simm.s32 $0x80;
	[smem:$0x7FF] =	sst s4;
	s5 =	sadd.s32 s5, s3  }
0x5: {  	s29 =	simm.s32 $0x1;
	_ =	strace $0x80000047;
	s6 =	sadd.s32 $0x1000, s5  }
0x6: {  	[tilespmem:s7], [sflag:$0x1] =	stream.linear.gather [hbm4b:s6+s4], $0x400, $0x38;
	[tilespmem:$0x1100] =	vst v63  }
0x7: {  	_ =	swait.ge [sflag:s29], $0x400  }
0x8: {  	[sflag:s29] =	ssyncset.done $0x0  }
0x9: {  	s30 =	simm.s32 $0x480;
	s5 =	sadd.s32 $0x1800, s5;
	[sflag:s29] =	ssyncadd.s32 $0xFFFFFC00  }
0xa: {  	[tilespmem:s30], [sflag:$0x1] =	stream.linear.gather [hbm4b:s5+s4], $0x400, $0x38;
	[tilespmem:$0x1100] =	vst v63  }
0xb: {  	_ =	swait.ge [sflag:s29], $0x400  }
0xc: {  	[sflag:s29] =	ssyncset.done $0x0  }
0xd: {  	s31 =	simm.s32 $0x0;
	[sflag:s29] =	ssyncadd.s32 $0xFFFFFC00  }
0xe: {  	v0 =	vld [tilespmem:s31+$0x480];
	_ =	sdelay $0x2  }
0xf: {  	v22 =	vimm.f32 $0.0e+00;
	v23 =	vimm.f32 $0.0e+00  }
0x10: {  	v12 =	vimm.f32 $0.0e+00;
	v21 =	vimm.f32 $0.0e+00;
	v13 =	vimm.f32 $0.0e+00  }
0x11: {  	v20 =	vimm.f32 $0.0e+00;
	v18 =	vimm.f32 $0.0e+00;
	v1 =	vmul.f32 $1.000000000e+01, v0  }
0x12: {  	v19 =	vimm.f32 $0.0e+00;
	v6 =	vimm.f32 $0.0e+00;
	v17 =	vimm.f32 $0.0e+00  }
0x13: {  	v10 =	vimm.f32 $0.0e+00;
	v7 =	vimm.f32 $0.0e+00;
	v1 =	vtrunc.f32 v1  }
0x14: {  	v11 =	vimm.f32 $0.0e+00;
	v8 =	vimm.f32 $0.0e+00;
	v0 =	vld [tilespmem:s31+$0x80];
	v5 =	vcvt.f32.s32 v1  }
0x15: {  	v3 =	vimm.f32 $0.0e+00;
	v9 =	vimm.f32 $0.0e+00;
	v16 =	vimm.f32 $0.0e+00  }
0x16: {  	v15 =	vimm.f32 $0.0e+00;
	v1 =	vimm.f32 $0.0e+00;
	vm4 =	vlt.s32 v5, $0x1  }
0x17: {  	vm5 =	veq.s32 v5, $0x1;
	vm6 =	veq.s32 v5, $0x5;
	vm7 =	veq.s32 v5, $0x2  }
0x18: {  	vm0 =	veq.s32 v5, $0x3;
	vm1 =	veq.s32 v5, $0x4;
	vm8 =	veq.s32 v5, $0x6  }
0x19: {  	vm2 =	veq.s32 v5, $0x7;
	vm3 =	vgt.s32 v5, $0x8;
	v27 =	vnsel vm7, $0x0, v0  }
0x1a: {  	v26 =	vsel vm4, $0x3F800000, v1;
	v2 =	vnsel vm6, $0x0, v0;
	v25 =	vsel vm5, $0x3F800000, v1  }
0x1b: {  	v30 =	vnsel vm5, $0x0, v0;
	v31 =	vsel vm7, $0x3F800000, v1;
	v14 =	vsel vm6, $0x3F800000, v1  }
0x1c: {  	v29 =	vsel vm8, $0x3F800000, v1;
	v28 =	vsel vm3, $0x3F800000, v1;
	v24 =	vnsel vm4, $0x0, v0  }
0x1d: {  	s3 =	sadd.s32 $0x2000, s3;
	s4 =	simm.s32 $0x40;
	v32 =	vnsel vm8, $0x0, v0;
	v4 =	vadd.f32 v2, v1;
	v2 =	vimm.f32 $0.0e+00  }
.LBB2_1:
0x1e: {  	s5 =	sshra.s32 s4, $0x2;
	p0 =	sne.s32 s4, $0xFC0;
	s4 =	sadd.s32 $0x40, s4;
	v22 =	vadd.f32 v30, v22;
	v23 =	vadd.f32 v31, v23;
	v30 =	vnsel vm3, $0x0, v0  }
0x1f: {  	v12 =	vadd.f32 v27, v12;
	v21 =	vadd.f32 v32, v21;
	v27 =	vsel vm2, $0x3F800000, v1;
	v31 =	vld [tilespmem:s5+$0x480]  }
0x20: {  	v32 =	vnsel vm0, $0x0, v0;
	v33 =	vnsel vm1, $0x0, v0;
	v13 =	vadd.f32 v29, v13  }
0x21: {  	v20 =	vadd.f32 v26, v20;
	vm3 =	veq.s32 v5, $0x8;
	v18 =	vadd.f32 v28, v18  }
0x22: {  	v26 =	vnsel vm2, $0x0, v0;
	v19 =	vadd.f32 v33, v19;
	v6 =	vadd.f32 v30, v6  }
0x23: {  	v17 =	vadd.f32 v25, v17;
	v25 =	vsel vm1, $0x3F800000, v1;
	v28 =	vnsel vm3, $0x0, v0  }
0x24: {  	v10 =	vadd.f32 v27, v10;
	v0 =	vsel vm3, $0x3F800000, v1;
	v5 =	vmul.f32 $1.000000000e+01, v31  }
0x25: {  	v27 =	vsel vm0, $0x3F800000, v1;
	v7 =	vadd.f32 v32, v7;
	v2 =	vadd.f32 v0, v2  }
0x26: {  	v11 =	vadd.f32 v24, v11;
	v8 =	vadd.f32 v27, v8;
	v0 =	vld [tilespmem:s5+$0x80];
	v5 =	vtrunc.f32 v5  }
0x27: {  	v3 =	vadd.f32 v25, v3;
	v9 =	vadd.f32 v28, v9;
	v5 =	vcvt.f32.s32 v5  }
0x28: {  	v16 =	vadd.f32 v14, v16;
	v15 =	vadd.f32 v26, v15  }
0x29: {  	vm4 =	vlt.s32 v5, $0x1;
	vm5 =	veq.s32 v5, $0x1;
	vm6 =	veq.s32 v5, $0x5  }
0x2a: {  	vm7 =	veq.s32 v5, $0x2;
	vm0 =	veq.s32 v5, $0x3;
	vm1 =	veq.s32 v5, $0x4  }
.Ltmp0:
0x2b: {  	vm8 =	veq.s32 v5, $0x6;
	vm2 =	veq.s32 v5, $0x7;
	v27 =	vnsel vm7, $0x0, v0;
	(pc) =	sbr.rel @p0 .LBB2_1-.Ltmp0, $4  }
0x2c: {  	vm3 =	vgt.s32 v5, $0x8;
	v26 =	vsel vm4, $0x3F800000, v1;
	v32 =	vnsel vm6, $0x0, v0  }
0x2d: {  	v25 =	vsel vm5, $0x3F800000, v1;
	v31 =	vsel vm7, $0x3F800000, v1;
	v30 =	vnsel vm5, $0x0, v0  }
0x2e: {  	v14 =	vsel vm6, $0x3F800000, v1;
	v29 =	vsel vm8, $0x3F800000, v1;
	v28 =	vsel vm3, $0x3F800000, v1  }
0x2f: {  	v24 =	vnsel vm4, $0x0, v0;
	v4 =	vadd.f32 v32, v4;
	v32 =	vnsel vm8, $0x0, v0  }
0x30: {  	v22 =	vadd.f32 v30, v22;
	v23 =	vadd.f32 v31, v23  }
0x31: {  	v52 =	vnsel vm3, $0x0, v0;
	v27 =	vadd.f32 v27, v12;
	v12 =	vadd.f32 v32, v21  }
0x32: {  	v53 =	vsel vm2, $0x3F800000, v1;
	v54 =	vnsel vm0, $0x0, v0;
	v55 =	vnsel vm1, $0x0, v0  }
0x33: {  	v13 =	vadd.f32 v29, v13;
	v20 =	vadd.f32 v26, v20;
	vm15 =	veq.s32 v5, $0x8  }
0x34: {  	v5 =	vadd.f32 v28, v18;
	v56 =	vimm.s32 $0xFEDCBA98;
	v57 =	vimm.s32 $0x76543210  }
0x35: {  	v17 =	vadd.f32 v25, v17;
	v58 =	vsel vm1, $0x3F800000, v1;
	v60 =	vimm.s32 $0xBA98FEDC  }
0x36: {  	v61 =	vimm.s32 $0x32107654;
	v24 =	vadd.f32 v24, v11;
	v36 =	vimm.s32 $0xDCFE98BA  }
0x37: {  	v37 =	vimm.s32 $0x54761032;
	v33 =	vsel vm0, $0x3F800000, v1;
	v45 =	vimm.s32 $0xEFCDAB89  }
0x38: {  	v46 =	vimm.s32 $0x67452301;
	v16 =	vadd.f32 v14, v16;
	vm6 =	vmmov $0x1  }
0x39: {  	vm7 =	vcmask $0x308;
	vm8 =	vcmask $0x70C;
	vm9 =	vcmask $0xB10  }
0x3a: {  	vm10 =	vcmask $0xF14;
	vm11 =	vcmask $0x1318;
	vm12 =	vcmask $0x171C  }
0x3b: {  	vm13 =	vcmask $0x1B20;
	vm14 =	vcmask $0x1F24;
	v18 =	vadd.f32 v55, v19  }
0x3c: {  	v19 =	vnsel vm2, $0x0, v0;
	v6 =	vadd.f32 v52, v6;
	v26 =	vunpack.c.l.s4.s8 v56  }
0x3d: {  	v28 =	vunpack.c.l.s4.s8 v57;
	v59 =	vnsel vm15, $0x0, v0;
	v10 =	vadd.f32 v53, v10  }
0x3e: {  	v62 =	vunpack.c.l.s4.s8 v61;
	v39 =	vsel vm15, $0x3F800000, v1;
	v42 =	vadd.f32 v54, v7  }
0x3f: {  	v47 =	vadd.f32 v33, v8;
	v0 =	vunpack.c.0.s8.s32 v26;
	v26 =	vunpack.c.l.s4.s8 v60  }
0x40: {  	v25 =	vadd.f32 v58, v3;
	vm15 =	vcmask $0x2328;
	v28 =	vunpack.c.0.s8.s32 v28  }
0x41: {  	v21 =	vunpack.c.0.s8.s32 v62;
	v0 =	vand.u32 $0xF, v0;
	v63 =	vunpack.c.0.s8.s32 v26  }
0x42: {  	v11 =	vadd.f32 v39, v2;
	v26 =	vunpack.c.l.s4.s8 v36;
	v0 =	vcombine.low v0, v28  }
0x43: {  	v14 =	vadd.f32 v19, v15;
	v28 =	vunpack.c.l.s4.s8 v37;
	v1 =	vcombine.low v21, v63  }
0x44: {  	v40 =	vunpack.c.0.s8.s32 v26;
	v21 =	vunpack.c.l.s4.s8 v45;
	v38 =	vperm.xlane v20, v0  }
0x45: {  	v26 =	vunpack.c.l.s4.s8 v46;
	v43 =	vperm.xlane v24, v0;
	v49 =	vperm.xlane v17, v0  }
0x46: {  	v41 =	vunpack.c.0.s8.s32 v28;
	v52 =	vperm.xlane v22, v0;
	v32 =	vperm.xlane v27, v0  }
0x47: {  	v34 =	vperm.xlane v47, v0;
	v7 =	vand.u32 $0xF, v1;
	v21 =	vunpack.c.0.s8.s32 v21  }
0x48: {  	v26 =	vunpack.c.0.s8.s32 v26;
	v20 =	vadd.f32 v38, v20;
	v24 =	vadd.f32 v43, v24  }
0x49: {  	v2 =	vcombine.low v41, v40;
	v51 =	vadd.f32 v49, v17;
	v17 =	vadd.f32 v59, v9  }
0x4a: {  	v22 =	vadd.f32 v52, v22;
	v59 =	vperm.xlane v23, v0;
	v38 =	vperm.xlane v42, v0  }
0x4b: {  	v33 =	vadd.f32 v32, v27;
	v27 =	vperm.xlane v12, v0;
	v3 =	vcombine.low v26, v21  }
0x4c: {  	v44 =	vperm.xlane v20, v7;
	v8 =	vand.u32 $0xF, v2;
	v48 =	vperm.xlane v24, v7  }
0x4d: {  	v54 =	vperm.xlane v51, v7;
	v57 =	vperm.xlane v22, v7;
	v61 =	vadd.f32 v59, v23  }
0x4e: {  	v37 =	vperm.xlane v33, v7;
	v40 =	vadd.f32 v38, v42;
	v12 =	vadd.f32 v27, v12  }
0x4f: {  	v20 =	vadd.f32 v44, v20;
	v24 =	vadd.f32 v48, v24;
	v63 =	vperm.xlane v61, v7  }
0x50: {  	v56 =	vadd.f32 v54, v51;
	v43 =	vperm.xlane v40, v7;
	v44 =	vperm.xlane v25, v0  }
0x51: {  	v19 =	vadd.f32 v57, v22;
	v51 =	vperm.xlane v18, v0;
	v30 =	vperm.xlane v12, v7  }
0x52: {  	v23 =	vadd.f32 v37, v33;
	v50 =	vperm.xlane v20, v8;
	v53 =	vperm.xlane v24, v8  }
0x53: {  	v9 =	vand.u32 $0xF, v3;
	v60 =	vperm.xlane v56, v8;
	v62 =	vperm.xlane v19, v8  }
0x54: {  	v22 =	vadd.f32 v63, v61;
	v42 =	vperm.xlane v23, v8;
	v46 =	vadd.f32 v44, v25  }
0x55: {  	v18 =	vadd.f32 v51, v18;
	v61 =	vperm.xlane v4, v0;
	v12 =	vadd.f32 v30, v12  }
0x56: {  	v63 =	vperm.xlane v13, v0;
	v20 =	vadd.f32 v50, v20;
	v24 =	vadd.f32 v53, v24  }
0x57: {  	v44 =	vperm.xlane v17, v0;
	v15 =	vadd.f32 v60, v56;
	v19 =	vadd.f32 v62, v19  }
0x58: {  	v36 =	vperm.xlane v22, v8;
	v23 =	vadd.f32 v42, v23;
	v57 =	vperm.xlane v18, v7  }
0x59: {  	v4 =	vadd.f32 v61, v4;
	v13 =	vadd.f32 v63, v13;
	v55 =	vperm.xlane v20, v9  }
0x5a: {  	v58 =	vperm.xlane v24, v9;
	v29 =	vperm.xlane v15, v9;
	v22 =	vadd.f32 v36, v22  }
0x5b: {  	v49 =	vperm.xlane v46, v7;
	v18 =	vadd.f32 v57, v18;
	v20 =	vadd.f32 v55, v20  }
0x5c: {  	v35 =	vperm.xlane v19, v9;
	v21 =	vadd.f32 v58, v24;
	v15 =	vadd.f32 v29, v15  }
0x5d: {  	v24 =	vadd.f32 v34, v47;
	v41 =	vperm.xlane v22, v9;
	v47 =	vperm.xlane v23, v9  }
0x5e: {  	v19 =	vadd.f32 v35, v19;
	v58 =	vperm.xlane v16, v0;
	v60 =	vperm.xlane v18, v8  }
0x5f: {  	v34 =	vperm.xlane v12, v8;
	v35 =	vperm.xlane v10, v0;
	v20 =	vnsel vm6, $0x0, v20  }
0x60: {  	v21 =	vnsel vm6, $0x0, v21;
	v15 =	vsel vm7, $0x0, v15;
	v22 =	vadd.f32 v41, v22  }
0x61: {  	v39 =	vperm.xlane v24, v7;
	v23 =	vadd.f32 v47, v23;
	v16 =	vadd.f32 v58, v16  }
0x62: {  	v19 =	vsel vm7, $0x0, v19;
	v18 =	vadd.f32 v60, v18;
	v12 =	vadd.f32 v34, v12  }
0x63: {  	v10 =	vadd.f32 v35, v10;
	v41 =	vperm.xlane v11, v0;
	v20 =	vadd.f32 $0.0e+00, v20  }
0x64: {  	v47 =	vperm.xlane v6, v0;
	v21 =	vadd.f32 $0.0e+00, v21;
	v24 =	vadd.f32 v39, v24  }
0x65: {  	v22 =	vsel vm8, $0x0, v22;
	v52 =	vsel vm8, $0x0, v23;
	v62 =	vperm.xlane v16, v7  }
0x66: {  	v28 =	vperm.xlane v18, v9;
	v23 =	vperm.xlane v4, v7;
	v11 =	vadd.f32 v41, v11  }
0x67: {  	v38 =	vperm.xlane v12, v9;
	v6 =	vadd.f32 v47, v6;
	v15 =	vadd.f32 v15, v20  }
0x68: {  	v39 =	vperm.xlane v10, v7;
	v19 =	vadd.f32 v19, v21;
	v20 =	vadd.f32 v43, v40  }
0x69: {  	v21 =	vadd.f32 v49, v46;
	v40 =	vperm.xlane v14, v0;
	v16 =	vadd.f32 v62, v16  }
0x6a: {  	v45 =	vperm.xlane v24, v8;
	v18 =	vadd.f32 v28, v18;
	v4 =	vadd.f32 v23, v4  }
0x6b: {  	v12 =	vadd.f32 v38, v12;
	v10 =	vadd.f32 v39, v10;
	v48 =	vperm.xlane v20, v8  }
0x6c: {  	v46 =	vperm.xlane v11, v7;
	v15 =	vadd.f32 v22, v15;
	v19 =	vadd.f32 v52, v19  }
0x6d: {  	v55 =	vperm.xlane v21, v8;
	v14 =	vadd.f32 v40, v14;
	v20 =	vadd.f32 v48, v20  }
0x6e: {  	v24 =	vadd.f32 v45, v24;
	v29 =	vperm.xlane v16, v8;
	v31 =	vperm.xlane v4, v8  }
0x6f: {  	v18 =	vsel vm10, $0x0, v18;
	v12 =	vsel vm12, $0x0, v12;
	v54 =	vperm.xlane v20, v9  }
0x70: {  	v42 =	vperm.xlane v10, v8;
	v11 =	vadd.f32 v46, v11;
	v21 =	vadd.f32 v55, v21  }
0x71: {  	v45 =	vperm.xlane v5, v0;
	v4 =	vadd.f32 v31, v4;
	v20 =	vadd.f32 v54, v20  }
0x72: {  	v43 =	vperm.xlane v14, v7;
	v50 =	vperm.xlane v24, v9;
	v16 =	vadd.f32 v29, v16  }
0x73: {  	v10 =	vadd.f32 v42, v10;
	v36 =	vperm.xlane v4, v9;
	v20 =	vsel vm9, $0x0, v20  }
0x74: {  	v5 =	vadd.f32 v45, v5;
	v52 =	vperm.xlane v11, v8;
	v19 =	vadd.f32 v20, v19  }
0x75: {  	v59 =	vperm.xlane v21, v9;
	v14 =	vadd.f32 v43, v14;
	v4 =	vadd.f32 v36, v4  }
0x76: {  	v53 =	vadd.f32 v50, v24;
	v24 =	vperm.xlane v13, v7;
	v18 =	vadd.f32 v18, v19  }
0x77: {  	v32 =	vperm.xlane v16, v9;
	v48 =	vperm.xlane v10, v9;
	v4 =	vsel vm11, $0x0, v4  }
0x78: {  	v51 =	vperm.xlane v5, v7;
	v11 =	vadd.f32 v52, v11;
	v4 =	vadd.f32 v4, v18  }
0x79: {  	v21 =	vadd.f32 v59, v21;
	v49 =	vperm.xlane v14, v8;
	v13 =	vadd.f32 v24, v13  }
0x7a: {  	v56 =	vsel vm9, $0x0, v53;
	v4 =	vadd.f32 v12, v4;
	v12 =	vadd.f32 v44, v17  }
0x7b: {  	v16 =	vadd.f32 v32, v16;
	v10 =	vadd.f32 v48, v10;
	v33 =	vperm.xlane v13, v8  }
0x7c: {  	v5 =	vadd.f32 v51, v5;
	v58 =	vperm.xlane v11, v9;
	v50 =	vperm.xlane v12, v7  }
0x7d: {  	v15 =	vadd.f32 v56, v15;
	v21 =	vsel vm10, $0x0, v21;
	v13 =	vadd.f32 v33, v13  }
0x7e: {  	v14 =	vadd.f32 v49, v14;
	v7 =	vperm.xlane v6, v7;
	v12 =	vadd.f32 v50, v12  }
0x7f: {  	v16 =	vsel vm11, $0x0, v16;
	v55 =	vsel vm13, $0x0, v10;
	v37 =	vperm.xlane v13, v9  }
0x80: {  	v15 =	vadd.f32 v21, v15;
	v6 =	vadd.f32 v7, v6;
	v54 =	vperm.xlane v12, v8  }
0x81: {  	v57 =	vperm.xlane v5, v8;
	v53 =	vperm.xlane v14, v9;
	v13 =	vadd.f32 v37, v13  }
0x82: {  	v15 =	vadd.f32 v16, v15;
	v8 =	vperm.xlane v6, v8;
	v12 =	vadd.f32 v54, v12  }
0x83: {  	v5 =	vadd.f32 v57, v5;
	v56 =	vadd.f32 v53, v14;
	v13 =	vsel vm12, $0x0, v13  }
0x84: {  	v13 =	vadd.f32 v13, v15;
	v6 =	vadd.f32 v8, v6;
	v59 =	vperm.xlane v12, v9  }
0x85: {  	v11 =	vadd.f32 v58, v11;
	v60 =	vperm.xlane v5, v9;
	v10 =	vsel vm13, $0x0, v56  }
0x86: {  	v7 =	vadd.f32 v55, v13;
	v9 =	vperm.xlane v6, v9;
	v62 =	vadd.f32 v59, v12  }
0x87: {  	v61 =	vsel vm14, $0x0, v11;
	v5 =	vadd.f32 v60, v5;
	v4 =	vadd.f32 v10, v4  }
0x88: {  	v7 =	vadd.f32 v61, v7;
	v6 =	vadd.f32 v9, v6;
	v63 =	vsel vm14, $0x0, v62  }
0x89: {  	v5 =	vsel vm15, $0x0, v5;
	v4 =	vadd.f32 v63, v4  }
0x8a: {  	v5 =	vadd.f32 v5, v7;
	v6 =	vsel vm15, $0x0, v6  }
0x8b: {  	v4 =	vadd.f32 v6, v4  }
0x8c: {  	s4 =	sshll.u32 s2, $0x4;
	[tilespmem:$0x0] =	vst v5  }
0x8d: {  	s5 =	simm.s32 $0x0;
	s4 =	sadd.s32 s3, s4;
	[tilespmem:$0x10] =	vst v4  }
0x8e: {  	[hbm4b:s4+s5] =	stream.linear.scatter [tilespmem:s5], [sflag:$0x2], $0x80, $0x38;
	[tilespmem:$0x1100] =	vst v63  }
0x8f: {  	s4 =	simm.s32 $0x2  }
0x90: {  	_ =	swait.ge [sflag:s4], $0x80  }
0x91: {  	[sflag:s4] =	ssyncset.done $0x0  }
0x92: {  	[sflag:s4] =	ssyncadd.s32 $0xFFFFFF80  }
0x93: {  	p0 =	sne.s32 s2, $0x0;
	[bflag:$0x0] =	sbarrier.arrive $0xFFFF  }
0x94: {  	_ =	sfence.sel @p0 $0x180000  }
0x95: {  	[bflag:$0x0] =	sbarrier.arrive @p0 $0xFFFF  }
0x96: {  	_ =	strace @p0 $0x90000047  }
0x97: {  	[bflag:$0x2] =	sbarrier.arrive @p0 $0xFFFF  }
0x98: {  	_ =	shalt @p0  }
.LBB2_3:
0x99: {  	s2 =	simm.s32 $0x880;
	s30 =	simm.s32 $0x1  }
0x9a: {  	[tilespmem:s2], [sflag:$0x1] =	stream.linear.gather [hbm4b:s3+s5], $0x800, $0x38;
	[tilespmem:$0x1100] =	vst v63  }
0x9b: {  	_ =	swait.ge [sflag:s30], $0x800  }
0x9c: {  	[sflag:s30] =	ssyncset.done $0x0  }
0x9d: {  	[sflag:s30] =	ssyncadd.s32 $0xFFFFF800  }
0x9e: {  	v4 =	vld [tilespmem:$0x880];
	_ =	sdelay $0x1  }
0x9f: {  	v5 =	vld [tilespmem:$0x900];
	_ =	sdelay $0x1  }
0xa0: {  	v6 =	vld [tilespmem:$0x980]  }
0xa1: {  	v4 =	vadd.f32 $0.0e+00, v4  }
0xa2: {  	v7 =	vld [tilespmem:$0xA00]  }
0xa3: {  	v4 =	vadd.f32 v5, v4  }
0xa4: {  	v37 =	vld [tilespmem:$0xA80]  }
0xa5: {  	v4 =	vadd.f32 v6, v4  }
0xa6: {  	v38 =	vld [tilespmem:$0xB00]  }
0xa7: {  	v8 =	vld [tilespmem:$0x890];
	v4 =	vadd.f32 v7, v4  }
0xa8: {  	v39 =	vld [tilespmem:$0xB80]  }
0xa9: {  	v9 =	vld [tilespmem:$0x910];
	v4 =	vadd.f32 v37, v4  }
0xaa: {  	v40 =	vld [tilespmem:$0xC00]  }
0xab: {  	v10 =	vld [tilespmem:$0x990];
	v4 =	vadd.f32 v38, v4  }
0xac: {  	v42 =	vld [tilespmem:$0xC80];
	v41 =	vadd.f32 $0.0e+00, v8  }
0xad: {  	v43 =	vld [tilespmem:$0xA10];
	v4 =	vadd.f32 v39, v4  }
0xae: {  	v44 =	vld [tilespmem:$0xD00];
	v6 =	vadd.f32 v9, v41  }
0xaf: {  	v45 =	vld [tilespmem:$0xA90];
	v4 =	vadd.f32 v40, v4  }
0xb0: {  	v46 =	vld [tilespmem:$0xD80];
	v6 =	vadd.f32 v10, v6  }
0xb1: {  	v47 =	vld [tilespmem:$0xB10];
	v4 =	vadd.f32 v42, v4  }
0xb2: {  	v48 =	vld [tilespmem:$0xE00];
	v6 =	vadd.f32 v43, v6  }
0xb3: {  	v49 =	vld [tilespmem:$0xB90];
	v4 =	vadd.f32 v44, v4  }
0xb4: {  	v50 =	vld [tilespmem:$0xE80];
	v5 =	vadd.f32 v45, v6  }
0xb5: {  	v51 =	vld [tilespmem:$0xC10];
	v4 =	vadd.f32 v46, v4  }
0xb6: {  	v52 =	vld [tilespmem:$0xF00];
	v5 =	vadd.f32 v47, v5  }
0xb7: {  	v53 =	vld [tilespmem:$0xC90];
	v4 =	vadd.f32 v48, v4  }
0xb8: {  	v54 =	vld [tilespmem:$0xF80];
	v5 =	vadd.f32 v49, v5  }
0xb9: {  	v55 =	vld [tilespmem:$0xD10];
	v4 =	vadd.f32 v50, v4  }
0xba: {  	v56 =	vld [tilespmem:$0x1000];
	v5 =	vadd.f32 v51, v5  }
0xbb: {  	v57 =	vld [tilespmem:$0xD90];
	v4 =	vadd.f32 v52, v4  }
0xbc: {  	v5 =	vadd.f32 v53, v5  }
0xbd: {  	v58 =	vld [tilespmem:$0xE10];
	v4 =	vadd.f32 v54, v4  }
0xbe: {  	v5 =	vadd.f32 v55, v5  }
0xbf: {  	v59 =	vld [tilespmem:$0xE90];
	v4 =	vadd.f32 v56, v4  }
0xc0: {  	v5 =	vadd.f32 v57, v5  }
0xc1: {  	v60 =	vld [tilespmem:$0xF10];
	v4 =	vmax.f32 v4, $9.999999970e-07  }
0xc2: {  	v5 =	vadd.f32 v58, v5;
	(erf) = vrcp.f32 v4  }
0xc3: {  	v61 =	vld [tilespmem:$0xF90]  }
0xc4: {  	v5 =	vadd.f32 v59, v5  }
0xc5: {  	v62 =	vld [tilespmem:$0x1010]  }
0xc6: {  	v5 =	vadd.f32 v60, v5;
	_ =	sdelay $0x1  }
0xc7: {  	v4 =	vadd.f32 v61, v5;
	_ =	sdelay $0x1  }
0xc8: {  	v4 =	vadd.f32 v62, v4  }
0xc9: {  	v63 =	vpop (erf)  }
0xca: {  	v4 =	vmul.f32 v63, v4;
	_ =	sdelay $0x1  }
0xcb: {  	v0 =	vperm.xlane v4, v0;
	_ =	sdelay $0x1  }
0xcc: {  	v0 =	vadd.f32 v4, v0;
	_ =	sdelay $0x1  }
0xcd: {  	v1 =	vperm.xlane v0, v1;
	_ =	sdelay $0x1  }
0xce: {  	v0 =	vadd.f32 v0, v1;
	_ =	sdelay $0x1  }
0xcf: {  	v1 =	vperm.xlane v0, v2;
	_ =	sdelay $0x1  }
0xd0: {  	v0 =	vadd.f32 v0, v1;
	_ =	sdelay $0x1  }
0xd1: {  	v1 =	vperm.xlane v0, v3;
	_ =	sdelay $0x1  }
0xd2: {  	v0 =	vadd.f32 v0, v1;
	_ =	sdelay $0x1  }
0xd3: {  	s31 =	simm.s32 $0x1080;
	[tilespmem:$0x1080] =	vst v0  }
0xd4: {  	[hbm4b:s1+s5] =	stream.linear.scatter [tilespmem:s31], [sflag:$0x2], $0x80, $0x38;
	[tilespmem:$0x1100] =	vst v63  }
0xd5: {  	_ =	swait.ge [sflag:s4], $0x80  }
0xd6: {  	[sflag:s4] =	ssyncset.done $0x0  }
0xd7: {  	[sflag:s4] =	ssyncadd.s32 $0xFFFFFF80  }
0xd8: {  	_ =	sfence.sel $0x180000  }
0xd9: {  	[bflag:$0x0] =	sbarrier.arrive $0xFFFF  }
0xda: {  	_ =	strace $0x90000047  }
0xdb: {  	s0 =	sadd.s32 $0x100000, s0;
	[bflag:$0x2] =	sbarrier.arrive $0xFFFF  }
0xdc: {  	[sflag:s0] =	ssyncadd.tile.s32 $0x1;
	_ =	shalt  }
.Lfunc_end2:
_tile_overlayer_lowered:
.L_overlay_start_2:
0xdd: {  	(tag) =	ssettag $0x2  }
0xde: {  	s0 =	rddreg [dreg:$0x0];
	s2 =	stileid.u32  }
0xdf: {  	s1 =	rddreg [dreg:$0x1];
	p0 =	sne.s32 s2, $0x0  }
0xe0: {  	s3 =	rddreg [dreg:$0x2];
	[bflag:$0x3] =	sbarrier.arrive $0xFFFF;
	s2 =	simm.s32 @!p0 $0x1C02  }
0xe1: {  	[timem:s3], [sflag:s2] =	dma.local @!p0 [hbm:s0], s1  }
0xe2: {  	s0 =	simm.s32 @!p0 $0x2  }
0xe3: {  	_ =	swait.ge @!p0 [sflag:s0], s1  }
0xe4: {  	s1 =	ssub.s32 @!p0 $0x0, s1;
	[sflag:s0] =	ssyncset.done @!p0 $0x0  }
0xe5: {  	[sflag:s0] =	ssyncadd.s32 @!p0 s1  }
0xe6: {  	[bflag:$0x3] =	sbarrier.arrive $0xFFFF  }
0xe7: {  	_ =	shalt  }

</sc_bundles>
